<compile_context>
chip_gen: v7x
topology: tpu7x:2x2x1
jax: 0.10.2.dev20260603
libtpu: 0.0.44.dev20260713+nightly
codegen_flags: <defaults>
</compile_context>

<pallas_src>
import functools

import jax
import jax.numpy as jnp
from jax import lax
from jax.experimental import pallas as pl
from jax.experimental.pallas import tpu as pltpu
from jax.experimental.pallas import tpu_sc as plsc

B, L, D = 4096, 200, 64
V = 100000
N = B * L
NC, NS = 2, 16
NW = NC * NS
STEP = 160
TPW = N // NW
NSTEPS = TPW // STEP
NI = 4


def _emb_body(tok_hbm, w0_hbm, w1_hbm, w2_hbm, out_hbm,
              idx_v, rows, obuf, sem_idx, sem_in, sem_out):
    cid = lax.axis_index("c")
    sid = lax.axis_index("s")
    wid = sid * NC + cid
    obase = wid * TPW
    ws = (w0_hbm, w1_hbm, w2_hbm)

    def fire_idx(t, bi):
        base = obase + t * STEP
        for j in range(3):
            pltpu.async_copy(tok_hbm.at[pl.ds(j * N + base, STEP)],
                             idx_v.at[bi, j], sem_idx.at[bi])

    def wait_idx(bi):
        for j in range(3):
            pltpu.make_async_copy(tok_hbm.at[pl.ds(obase, STEP)],
                                  idx_v.at[bi, j], sem_idx.at[bi]).wait()

    def fire_gather(b, bi):
        for j in range(3):
            pltpu.async_copy(ws[j].at[idx_v.at[bi, j]], rows.at[b, j],
                             sem_in.at[b])

    def drain_gather(b, bi):
        for j in range(3):
            pltpu.make_async_copy(ws[j].at[idx_v.at[bi, j]], rows.at[b, j],
                                  sem_in.at[b]).wait()

    def accum(b):
        @plsc.parallel_loop(0, STEP, unroll=4)
        def addrow(r):
            for k in range(D // 16):
                sl = pl.ds(k * 16, 16)
                obuf[b, r, sl] = (rows[b, 0, r, sl] + rows[b, 1, r, sl]
                                  + rows[b, 2, r, sl])

    def fire_out(t, b):
        pltpu.async_copy(obuf.at[b],
                         out_hbm.at[pl.ds(obase + t * STEP, STEP)],
                         sem_out.at[b])

    def drain_out(b):
        pltpu.make_async_copy(obuf.at[b],
                              out_hbm.at[pl.ds(obase, STEP)],
                              sem_out.at[b]).wait()

    for t in range(3):
        fire_idx(t, t)
    wait_idx(0)
    fire_gather(0, 0)

    def body4(u, carry):
        t0 = 4 * u
        for i in range(4):
            t = t0 + i
            b = i % 2
            bi = i

            @pl.when(t < NSTEPS - 3)
            def _():
                fire_idx(t + 3, (bi + 3) % NI)

            @pl.when(t < NSTEPS - 1)
            def _():
                wait_idx((bi + 1) % NI)
                fire_gather(1 - b, (bi + 1) % NI)

            drain_gather(b, bi)

            @pl.when(t >= 2)
            def _():
                drain_out(b)

            accum(b)
            fire_out(t, b)
        return carry

    lax.fori_loop(0, NSTEPS // 4, body4, 0)
    drain_out(0)
    drain_out(1)


@jax.jit
def _emb_call(tokT, W0, W1, W2):
    mesh = plsc.VectorSubcoreMesh(core_axis_name="c", subcore_axis_name="s")
    return pl.kernel(
        _emb_body,
        out_type=jax.ShapeDtypeStruct((N, D), jnp.float32),
        mesh=mesh,
        scratch_types=[
            pltpu.VMEM((NI, 3, STEP), jnp.int32),
            pltpu.VMEM((2, 3, STEP, D), jnp.float32),
            pltpu.VMEM((2, STEP, D), jnp.float32),
            pltpu.SemaphoreType.DMA((NI,)),
            pltpu.SemaphoreType.DMA((2,)),
            pltpu.SemaphoreType.DMA((2,)),
        ],
        compiler_params=pltpu.CompilerParams(use_tc_tiling_on_sc=False),
    )(tokT, W0, W1, W2)


def kernel(factored_tokens, W0, W1, W2):
    tokT = factored_tokens.reshape(N, 3).astype(jnp.int32).T.reshape(3 * N)
    out = _emb_call(tokT, W0, W1, W2)
    return out.reshape(B, L, D)

# --- scband reference (transcript-rebuilt; emitter-appended) ---
"""Pipeline reference for scband-factored-token-embedder-14877766713345 (READ-ONLY COPY).

The authoritative reference and input builder live on the scoring server;
editing this copy changes nothing except your own understanding.
"""

import jax, jax.numpy as jnp
import numpy as np

VOCAB_SIZES = [100000, 100000, 100000]
EMBED_DIM = 64
B, L = 4096, 200


def setup_inputs(seed: int = 0) -> dict:
    key = jax.random.key(seed)
    k_tok, k0, k1, k2 = jax.random.split(key, 4)
    factored_tokens = jax.random.randint(k_tok, (B, L, 3), 0, 100000, dtype=jnp.int64 if jax.config.jax_enable_x64 else jnp.int32)
    W0 = jax.random.normal(k0, (VOCAB_SIZES[0], EMBED_DIM), dtype=jnp.float32)
    W1 = jax.random.normal(k1, (VOCAB_SIZES[1], EMBED_DIM), dtype=jnp.float32)
    W2 = jax.random.normal(k2, (VOCAB_SIZES[2], EMBED_DIM), dtype=jnp.float32)
    return {"factored_tokens": factored_tokens, "W0": W0, "W1": W1, "W2": W2}


def reference(factored_tokens, W0, W1, W2):
    # combine_op == 'sum': sum of per-factor embedding lookups
    e0 = jnp.take(W0, factored_tokens[:, :, 0], axis=0)
    e1 = jnp.take(W1, factored_tokens[:, :, 1], axis=0)
    e2 = jnp.take(W2, factored_tokens[:, :, 2], axis=0)
    return e0 + e1 + e2

if __name__ == "__main__":
    import jax
    _d = setup_inputs()
    print(jax.jit(kernel)(*tuple(_d.values())))

</pallas_src>

<mosaic_0001>
#map = affine_map<(d0, d1) -> (0)>
#map1 = affine_map<(d0, d1) -> (0, 0)>
module attributes {stable_mosaic.version = 14 : i64} {
  func.func @_emb_body(%arg0: i32, %arg1: i32, %arg2: memref<2457600xi32, #tpu.memory_space<hbm>>, %arg3: memref<100000x64xf32, #tpu.memory_space<hbm>>, %arg4: memref<100000x64xf32, #tpu.memory_space<hbm>>, %arg5: memref<100000x64xf32, #tpu.memory_space<hbm>>, %arg6: memref<819200x64xf32, #tpu.memory_space<hbm>>, %arg7: memref<4x3x160xi32, #tpu.memory_space<vmem>>, %arg8: memref<2x3x160x64xf32, #tpu.memory_space<vmem>>, %arg9: memref<2x160x64xf32, #tpu.memory_space<vmem>>, %arg10: memref<4x!tpu.dma_semaphore, #tpu.memory_space<semaphore_mem>>, %arg11: memref<2x!tpu.dma_semaphore, #tpu.memory_space<semaphore_mem>>, %arg12: memref<2x!tpu.dma_semaphore, #tpu.memory_space<semaphore_mem>>) attributes {dimension_semantics = [#tpu.dimension_semantics<core_parallel>, #tpu.dimension_semantics<subcore_parallel>], iteration_bounds = array<i64: 2, 16>, scalar_prefetch = 0 : i64, scratch_operands = 6 : i64, tpu.core_type = #tpu.core_type<sc_vector_subcore>, window_params = [{transform_indices = #map}, {transform_indices = #map1}, {transform_indices = #map1}, {transform_indices = #map1}, {transform_indices = #map1}]} {
    %mul3A = arith.constant 2 : i32
    %mul3A_0 = arith.muli %arg1, %mul3A : i32
    %add3A = arith.addi %mul3A_0, %arg0 : i32
    %mul3A_1 = arith.constant 25600 : i32
    %mul3A_2 = arith.muli %add3A, %mul3A_1 : i32
    %add3A_3 = arith.constant 0 : i32
    %add3A_4 = arith.addi %mul3A_2, %add3A_3 : i32
    %add3A_5 = arith.constant 0 : i32
    %add3A_6 = arith.addi %add3A_5, %add3A_4 : i32
    %dma_start3A = arith.constant 0 : i32
    %dma_start3A_7 = arith.constant 0 : i32
    %dma_start3A_8 = arith.constant 0 : i32
    %dma_start3A_9 = arith.constant 0 : i32
    %dma_start3A_10 = tpu.memref_slice %arg7[%dma_start3A, %dma_start3A_7, %dma_start3A_9] : memref<4x3x160xi32, #tpu.memory_space<vmem>> -> memref<1x1x160xi32, #tpu.memory_space<vmem>>
    %dma_start3A_11 = tpu.memref_squeeze %dma_start3A_10 : memref<1x1x160xi32, #tpu.memory_space<vmem>> -> memref<160xi32, #tpu.memory_space<vmem>>
    %dma_start3A_12 = tpu.memref_slice %arg2[%add3A_6] : memref<2457600xi32, #tpu.memory_space<hbm>> -> memref<160xi32, #tpu.memory_space<hbm>>
    %dma_start3A_13 = tpu.memref_slice %arg10[%dma_start3A_8] : memref<4x!tpu.dma_semaphore, #tpu.memory_space<semaphore_mem>> -> memref<1x!tpu.dma_semaphore, #tpu.memory_space<semaphore_mem>>
    %dma_start3A_14 = tpu.memref_squeeze %dma_start3A_13 : memref<1x!tpu.dma_semaphore, #tpu.memory_space<semaphore_mem>> -> memref<!tpu.dma_semaphore, #tpu.memory_space<semaphore_mem>>
    %dma_start3A_15 = arith.constant 0 : i32
    %dma_start3A_16 = tpu.memref_slice %arg7[%dma_start3A, %dma_start3A_7, %dma_start3A_15] : memref<4x3x160xi32, #tpu.memory_space<vmem>> -> memref<1x1x160xi32, #tpu.memory_space<vmem>>
    %dma_start3A_17 = tpu.memref_squeeze %dma_start3A_16 : memref<1x1x160xi32, #tpu.memory_space<vmem>> -> memref<160xi32, #tpu.memory_space<vmem>>
    %dma_start3A_18 = tpu.memref_slice %arg2[%add3A_6] : memref<2457600xi32, #tpu.memory_space<hbm>> -> memref<160xi32, #tpu.memory_space<hbm>>
    tpu.enqueue_dma source(%dma_start3A_18 : memref<160xi32, #tpu.memory_space<hbm>>) target(%dma_start3A_17 : memref<160xi32, #tpu.memory_space<vmem>>) target_semaphore(%dma_start3A_14 : memref<!tpu.dma_semaphore, #tpu.memory_space<semaphore_mem>>)
    %add3A_19 = arith.constant 819200 : i32
    %add3A_20 = arith.addi %add3A_19, %add3A_4 : i32
    %dma_start3A_21 = arith.constant 0 : i32
    %dma_start3A_22 = arith.constant 1 : i32
    %dma_start3A_23 = arith.constant 0 : i32
    %dma_start3A_24 = arith.constant 0 : i32
    %dma_start3A_25 = tpu.memref_slice %arg7[%dma_start3A_21, %dma_start3A_22, %dma_start3A_24] : memref<4x3x160xi32, #tpu.memory_space<vmem>> -> memref<1x1x160xi32, #tpu.memory_space<vmem>>
    %dma_start3A_26 = tpu.memref_squeeze %dma_start3A_25 : memref<1x1x160xi32, #tpu.memory_space<vmem>> -> memref<160xi32, #tpu.memory_space<vmem>>
    %dma_start3A_27 = tpu.memref_slice %arg2[%add3A_20] : memref<2457600xi32, #tpu.memory_space<hbm>> -> memref<160xi32, #tpu.memory_space<hbm>>
    %dma_start3A_28 = tpu.memref_slice %arg10[%dma_start3A_23] : memref<4x!tpu.dma_semaphore, #tpu.memory_space<semaphore_mem>> -> memref<1x!tpu.dma_semaphore, #tpu.memory_space<semaphore_mem>>
    %dma_start3A_29 = tpu.memref_squeeze %dma_start3A_28 : memref<1x!tpu.dma_semaphore, #tpu.memory_space<semaphore_mem>> -> memref<!tpu.dma_semaphore, #tpu.memory_space<semaphore_mem>>
    %dma_start3A_30 = arith.constant 0 : i32
    %dma_start3A_31 = tpu.memref_slice %arg7[%dma_start3A_21, %dma_start3A_22, %dma_start3A_30] : memref<4x3x160xi32, #tpu.memory_space<vmem>> -> memref<1x1x160xi32, #tpu.memory_space<vmem>>
    %dma_start3A_32 = tpu.memref_squeeze %dma_start3A_31 : memref<1x1x160xi32, #tpu.memory_space<vmem>> -> memref<160xi32, #tpu.memory_space<vmem>>
    %dma_start3A_33 = tpu.memref_slice %arg2[%add3A_20] : memref<2457600xi32, #tpu.memory_space<hbm>> -> memref<160xi32, #tpu.memory_space<hbm>>
    tpu.enqueue_dma source(%dma_start3A_33 : memref<160xi32, #tpu.memory_space<hbm>>) target(%dma_start3A_32 : memref<160xi32, #tpu.memory_space<vmem>>) target_semaphore(%dma_start3A_29 : memref<!tpu.dma_semaphore, #tpu.memory_space<semaphore_mem>>)
    %add3A_34 = arith.constant 1638400 : i32
    %add3A_35 = arith.addi %add3A_34, %add3A_4 : i32
    %dma_start3A_36 = arith.constant 0 : i32
    %dma_start3A_37 = arith.constant 2 : i32
    %dma_start3A_38 = arith.constant 0 : i32
    %dma_start3A_39 = arith.constant 0 : i32
    %dma_start3A_40 = tpu.memref_slice %arg7[%dma_start3A_36, %dma_start3A_37, %dma_start3A_39] : memref<4x3x160xi32, #tpu.memory_space<vmem>> -> memref<1x1x160xi32, #tpu.memory_space<vmem>>
    %dma_start3A_41 = tpu.memref_squeeze %dma_start3A_40 : memref<1x1x160xi32, #tpu.memory_space<vmem>> -> memref<160xi32, #tpu.memory_space<vmem>>
    %dma_start3A_42 = tpu.memref_slice %arg2[%add3A_35] : memref<2457600xi32, #tpu.memory_space<hbm>> -> memref<160xi32, #tpu.memory_space<hbm>>
    %dma_start3A_43 = tpu.memref_slice %arg10[%dma_start3A_38] : memref<4x!tpu.dma_semaphore, #tpu.memory_space<semaphore_mem>> -> memref<1x!tpu.dma_semaphore, #tpu.memory_space<semaphore_mem>>
    %dma_start3A_44 = tpu.memref_squeeze %dma_start3A_43 : memref<1x!tpu.dma_semaphore, #tpu.memory_space<semaphore_mem>> -> memref<!tpu.dma_semaphore, #tpu.memory_space<semaphore_mem>>
    %dma_start3A_45 = arith.constant 0 : i32
    %dma_start3A_46 = tpu.memref_slice %arg7[%dma_start3A_36, %dma_start3A_37, %dma_start3A_45] : memref<4x3x160xi32, #tpu.memory_space<vmem>> -> memref<1x1x160xi32, #tpu.memory_space<vmem>>
    %dma_start3A_47 = tpu.memref_squeeze %dma_start3A_46 : memref<1x1x160xi32, #tpu.memory_space<vmem>> -> memref<160xi32, #tpu.memory_space<vmem>>
    %dma_start3A_48 = tpu.memref_slice %arg2[%add3A_35] : memref<2457600xi32, #tpu.memory_space<hbm>> -> memref<160xi32, #tpu.memory_space<hbm>>
    tpu.enqueue_dma source(%dma_start3A_48 : memref<160xi32, #tpu.memory_space<hbm>>) target(%dma_start3A_47 : memref<160xi32, #tpu.memory_space<vmem>>) target_semaphore(%dma_start3A_44 : memref<!tpu.dma_semaphore, #tpu.memory_space<semaphore_mem>>)
    %add3A_49 = arith.constant 160 : i32
    %add3A_50 = arith.addi %mul3A_2, %add3A_49 : i32
    %add3A_51 = arith.constant 0 : i32
    %add3A_52 = arith.addi %add3A_51, %add3A_50 : i32
    %dma_start3A_53 = arith.constant 1 : i32
    %dma_start3A_54 = arith.constant 0 : i32
    %dma_start3A_55 = arith.constant 1 : i32
    %dma_start3A_56 = arith.constant 0 : i32
    %dma_start3A_57 = tpu.memref_slice %arg7[%dma_start3A_53, %dma_start3A_54, %dma_start3A_56] : memref<4x3x160xi32, #tpu.memory_space<vmem>> -> memref<1x1x160xi32, #tpu.memory_space<vmem>>
    %dma_start3A_58 = tpu.memref_squeeze %dma_start3A_57 : memref<1x1x160xi32, #tpu.memory_space<vmem>> -> memref<160xi32, #tpu.memory_space<vmem>>
    %dma_start3A_59 = tpu.memref_slice %arg2[%add3A_52] : memref<2457600xi32, #tpu.memory_space<hbm>> -> memref<160xi32, #tpu.memory_space<hbm>>
    %dma_start3A_60 = tpu.memref_slice %arg10[%dma_start3A_55] : memref<4x!tpu.dma_semaphore, #tpu.memory_space<semaphore_mem>> -> memref<1x!tpu.dma_semaphore, #tpu.memory_space<semaphore_mem>>
    %dma_start3A_61 = tpu.memref_squeeze %dma_start3A_60 : memref<1x!tpu.dma_semaphore, #tpu.memory_space<semaphore_mem>> -> memref<!tpu.dma_semaphore, #tpu.memory_space<semaphore_mem>>
    %dma_start3A_62 = arith.constant 0 : i32
    %dma_start3A_63 = tpu.memref_slice %arg7[%dma_start3A_53, %dma_start3A_54, %dma_start3A_62] : memref<4x3x160xi32, #tpu.memory_space<vmem>> -> memref<1x1x160xi32, #tpu.memory_space<vmem>>
    %dma_start3A_64 = tpu.memref_squeeze %dma_start3A_63 : memref<1x1x160xi32, #tpu.memory_space<vmem>> -> memref<160xi32, #tpu.memory_space<vmem>>
    %dma_start3A_65 = tpu.memref_slice %arg2[%add3A_52] : memref<2457600xi32, #tpu.memory_space<hbm>> -> memref<160xi32, #tpu.memory_space<hbm>>
    tpu.enqueue_dma source(%dma_start3A_65 : memref<160xi32, #tpu.memory_space<hbm>>) target(%dma_start3A_64 : memref<160xi32, #tpu.memory_space<vmem>>) target_semaphore(%dma_start3A_61 : memref<!tpu.dma_semaphore, #tpu.memory_space<semaphore_mem>>)
    %add3A_66 = arith.constant 819200 : i32
    %add3A_67 = arith.addi %add3A_66, %add3A_50 : i32
    %dma_start3A_68 = arith.constant 1 : i32
    %dma_start3A_69 = arith.constant 1 : i32
    %dma_start3A_70 = arith.constant 1 : i32
    %dma_start3A_71 = arith.constant 0 : i32
    %dma_start3A_72 = tpu.memref_slice %arg7[%dma_start3A_68, %dma_start3A_69, %dma_start3A_71] : memref<4x3x160xi32, #tpu.memory_space<vmem>> -> memref<1x1x160xi32, #tpu.memory_space<vmem>>
    %dma_start3A_73 = tpu.memref_squeeze %dma_start3A_72 : memref<1x1x160xi32, #tpu.memory_space<vmem>> -> memref<160xi32, #tpu.memory_space<vmem>>
    %dma_start3A_74 = tpu.memref_slice %arg2[%add3A_67] : memref<2457600xi32, #tpu.memory_space<hbm>> -> memref<160xi32, #tpu.memory_space<hbm>>
    %dma_start3A_75 = tpu.memref_slice %arg10[%dma_start3A_70] : memref<4x!tpu.dma_semaphore, #tpu.memory_space<semaphore_mem>> -> memref<1x!tpu.dma_semaphore, #tpu.memory_space<semaphore_mem>>
    %dma_start3A_76 = tpu.memref_squeeze %dma_start3A_75 : memref<1x!tpu.dma_semaphore, #tpu.memory_space<semaphore_mem>> -> memref<!tpu.dma_semaphore, #tpu.memory_space<semaphore_mem>>
    %dma_start3A_77 = arith.constant 0 : i32
    %dma_start3A_78 = tpu.memref_slice %arg7[%dma_start3A_68, %dma_start3A_69, %dma_start3A_77] : memref<4x3x160xi32, #tpu.memory_space<vmem>> -> memref<1x1x160xi32, #tpu.memory_space<vmem>>
    %dma_start3A_79 = tpu.memref_squeeze %dma_start3A_78 : memref<1x1x160xi32, #tpu.memory_space<vmem>> -> memref<160xi32, #tpu.memory_space<vmem>>
    %dma_start3A_80 = tpu.memref_slice %arg2[%add3A_67] : memref<2457600xi32, #tpu.memory_space<hbm>> -> memref<160xi32, #tpu.memory_space<hbm>>
    tpu.enqueue_dma source(%dma_start3A_80 : memref<160xi32, #tpu.memory_space<hbm>>) target(%dma_start3A_79 : memref<160xi32, #tpu.memory_space<vmem>>) target_semaphore(%dma_start3A_76 : memref<!tpu.dma_semaphore, #tpu.memory_space<semaphore_mem>>)
    %add3A_81 = arith.constant 1638400 : i32
    %add3A_82 = arith.addi %add3A_81, %add3A_50 : i32
    %dma_start3A_83 = arith.constant 1 : i32
    %dma_start3A_84 = arith.constant 2 : i32
    %dma_start3A_85 = arith.constant 1 : i32
    %dma_start3A_86 = arith.constant 0 : i32
    %dma_start3A_87 = tpu.memref_slice %arg7[%dma_start3A_83, %dma_start3A_84, %dma_start3A_86] : memref<4x3x160xi32, #tpu.memory_space<vmem>> -> memref<1x1x160xi32, #tpu.memory_space<vmem>>
    %dma_start3A_88 = tpu.memref_squeeze %dma_start3A_87 : memref<1x1x160xi32, #tpu.memory_space<vmem>> -> memref<160xi32, #tpu.memory_space<vmem>>
    %dma_start3A_89 = tpu.memref_slice %arg2[%add3A_82] : memref<2457600xi32, #tpu.memory_space<hbm>> -> memref<160xi32, #tpu.memory_space<hbm>>
    %dma_start3A_90 = tpu.memref_slice %arg10[%dma_start3A_85] : memref<4x!tpu.dma_semaphore, #tpu.memory_space<semaphore_mem>> -> memref<1x!tpu.dma_semaphore, #tpu.memory_space<semaphore_mem>>
    %dma_start3A_91 = tpu.memref_squeeze %dma_start3A_90 : memref<1x!tpu.dma_semaphore, #tpu.memory_space<semaphore_mem>> -> memref<!tpu.dma_semaphore, #tpu.memory_space<semaphore_mem>>
    %dma_start3A_92 = arith.constant 0 : i32
    %dma_start3A_93 = tpu.memref_slice %arg7[%dma_start3A_83, %dma_start3A_84, %dma_start3A_92] : memref<4x3x160xi32, #tpu.memory_space<vmem>> -> memref<1x1x160xi32, #tpu.memory_space<vmem>>
    %dma_start3A_94 = tpu.memref_squeeze %dma_start3A_93 : memref<1x1x160xi32, #tpu.memory_space<vmem>> -> memref<160xi32, #tpu.memory_space<vmem>>
    %dma_start3A_95 = tpu.memref_slice %arg2[%add3A_82] : memref<2457600xi32, #tpu.memory_space<hbm>> -> memref<160xi32, #tpu.memory_space<hbm>>
    tpu.enqueue_dma source(%dma_start3A_95 : memref<160xi32, #tpu.memory_space<hbm>>) target(%dma_start3A_94 : memref<160xi32, #tpu.memory_space<vmem>>) target_semaphore(%dma_start3A_91 : memref<!tpu.dma_semaphore, #tpu.memory_space<semaphore_mem>>)
    %add3A_96 = arith.constant 320 : i32
    %add3A_97 = arith.addi %mul3A_2, %add3A_96 : i32
    %add3A_98 = arith.constant 0 : i32
    %add3A_99 = arith.addi %add3A_98, %add3A_97 : i32
    %dma_start3A_100 = arith.constant 2 : i32
    %dma_start3A_101 = arith.constant 0 : i32
    %dma_start3A_102 = arith.constant 2 : i32
    %dma_start3A_103 = arith.constant 0 : i32
    %dma_start3A_104 = tpu.memref_slice %arg7[%dma_start3A_100, %dma_start3A_101, %dma_start3A_103] : memref<4x3x160xi32, #tpu.memory_space<vmem>> -> memref<1x1x160xi32, #tpu.memory_space<vmem>>
    %dma_start3A_105 = tpu.memref_squeeze %dma_start3A_104 : memref<1x1x160xi32, #tpu.memory_space<vmem>> -> memref<160xi32, #tpu.memory_space<vmem>>
    %dma_start3A_106 = tpu.memref_slice %arg2[%add3A_99] : memref<2457600xi32, #tpu.memory_space<hbm>> -> memref<160xi32, #tpu.memory_space<hbm>>
    %dma_start3A_107 = tpu.memref_slice %arg10[%dma_start3A_102] : memref<4x!tpu.dma_semaphore, #tpu.memory_space<semaphore_mem>> -> memref<1x!tpu.dma_semaphore, #tpu.memory_space<semaphore_mem>>
    %dma_start3A_108 = tpu.memref_squeeze %dma_start3A_107 : memref<1x!tpu.dma_semaphore, #tpu.memory_space<semaphore_mem>> -> memref<!tpu.dma_semaphore, #tpu.memory_space<semaphore_mem>>
    %dma_start3A_109 = arith.constant 0 : i32
    %dma_start3A_110 = tpu.memref_slice %arg7[%dma_start3A_100, %dma_start3A_101, %dma_start3A_109] : memref<4x3x160xi32, #tpu.memory_space<vmem>> -> memref<1x1x160xi32, #tpu.memory_space<vmem>>
    %dma_start3A_111 = tpu.memref_squeeze %dma_start3A_110 : memref<1x1x160xi32, #tpu.memory_space<vmem>> -> memref<160xi32, #tpu.memory_space<vmem>>
    %dma_start3A_112 = tpu.memref_slice %arg2[%add3A_99] : memref<2457600xi32, #tpu.memory_space<hbm>> -> memref<160xi32, #tpu.memory_space<hbm>>
    tpu.enqueue_dma source(%dma_start3A_112 : memref<160xi32, #tpu.memory_space<hbm>>) target(%dma_start3A_111 : memref<160xi32, #tpu.memory_space<vmem>>) target_semaphore(%dma_start3A_108 : memref<!tpu.dma_semaphore, #tpu.memory_space<semaphore_mem>>)
    %add3A_113 = arith.constant 819200 : i32
    %add3A_114 = arith.addi %add3A_113, %add3A_97 : i32
    %dma_start3A_115 = arith.constant 2 : i32
    %dma_start3A_116 = arith.constant 1 : i32
    %dma_start3A_117 = arith.constant 2 : i32
    %dma_start3A_118 = arith.constant 0 : i32
    %dma_start3A_119 = tpu.memref_slice %arg7[%dma_start3A_115, %dma_start3A_116, %dma_start3A_118] : memref<4x3x160xi32, #tpu.memory_space<vmem>> -> memref<1x1x160xi32, #tpu.memory_space<vmem>>
    %dma_start3A_120 = tpu.memref_squeeze %dma_start3A_119 : memref<1x1x160xi32, #tpu.memory_space<vmem>> -> memref<160xi32, #tpu.memory_space<vmem>>
    %dma_start3A_121 = tpu.memref_slice %arg2[%add3A_114] : memref<2457600xi32, #tpu.memory_space<hbm>> -> memref<160xi32, #tpu.memory_space<hbm>>
    %dma_start3A_122 = tpu.memref_slice %arg10[%dma_start3A_117] : memref<4x!tpu.dma_semaphore, #tpu.memory_space<semaphore_mem>> -> memref<1x!tpu.dma_semaphore, #tpu.memory_space<semaphore_mem>>
    %dma_start3A_123 = tpu.memref_squeeze %dma_start3A_122 : memref<1x!tpu.dma_semaphore, #tpu.memory_space<semaphore_mem>> -> memref<!tpu.dma_semaphore, #tpu.memory_space<semaphore_mem>>
    %dma_start3A_124 = arith.constant 0 : i32
    %dma_start3A_125 = tpu.memref_slice %arg7[%dma_start3A_115, %dma_start3A_116, %dma_start3A_124] : memref<4x3x160xi32, #tpu.memory_space<vmem>> -> memref<1x1x160xi32, #tpu.memory_space<vmem>>
    %dma_start3A_126 = tpu.memref_squeeze %dma_start3A_125 : memref<1x1x160xi32, #tpu.memory_space<vmem>> -> memref<160xi32, #tpu.memory_space<vmem>>
    %dma_start3A_127 = tpu.memref_slice %arg2[%add3A_114] : memref<2457600xi32, #tpu.memory_space<hbm>> -> memref<160xi32, #tpu.memory_space<hbm>>
    tpu.enqueue_dma source(%dma_start3A_127 : memref<160xi32, #tpu.memory_space<hbm>>) target(%dma_start3A_126 : memref<160xi32, #tpu.memory_space<vmem>>) target_semaphore(%dma_start3A_123 : memref<!tpu.dma_semaphore, #tpu.memory_space<semaphore_mem>>)
    %add3A_128 = arith.constant 1638400 : i32
    %add3A_129 = arith.addi %add3A_128, %add3A_97 : i32
    %dma_start3A_130 = arith.constant 2 : i32
    %dma_start3A_131 = arith.constant 2 : i32
    %dma_start3A_132 = arith.constant 2 : i32
    %dma_start3A_133 = arith.constant 0 : i32
    %dma_start3A_134 = tpu.memref_slice %arg7[%dma_start3A_130, %dma_start3A_131, %dma_start3A_133] : memref<4x3x160xi32, #tpu.memory_space<vmem>> -> memref<1x1x160xi32, #tpu.memory_space<vmem>>
    %dma_start3A_135 = tpu.memref_squeeze %dma_start3A_134 : memref<1x1x160xi32, #tpu.memory_space<vmem>> -> memref<160xi32, #tpu.memory_space<vmem>>
    %dma_start3A_136 = tpu.memref_slice %arg2[%add3A_129] : memref<2457600xi32, #tpu.memory_space<hbm>> -> memref<160xi32, #tpu.memory_space<hbm>>
    %dma_start3A_137 = tpu.memref_slice %arg10[%dma_start3A_132] : memref<4x!tpu.dma_semaphore, #tpu.memory_space<semaphore_mem>> -> memref<1x!tpu.dma_semaphore, #tpu.memory_space<semaphore_mem>>
    %dma_start3A_138 = tpu.memref_squeeze %dma_start3A_137 : memref<1x!tpu.dma_semaphore, #tpu.memory_space<semaphore_mem>> -> memref<!tpu.dma_semaphore, #tpu.memory_space<semaphore_mem>>
    %dma_start3A_139 = arith.constant 0 : i32
    %dma_start3A_140 = tpu.memref_slice %arg7[%dma_start3A_130, %dma_start3A_131, %dma_start3A_139] : memref<4x3x160xi32, #tpu.memory_space<vmem>> -> memref<1x1x160xi32, #tpu.memory_space<vmem>>
    %dma_start3A_141 = tpu.memref_squeeze %dma_start3A_140 : memref<1x1x160xi32, #tpu.memory_space<vmem>> -> memref<160xi32, #tpu.memory_space<vmem>>
    %dma_start3A_142 = tpu.memref_slice %arg2[%add3A_129] : memref<2457600xi32, #tpu.memory_space<hbm>> -> memref<160xi32, #tpu.memory_space<hbm>>
    tpu.enqueue_dma source(%dma_start3A_142 : memref<160xi32, #tpu.memory_space<hbm>>) target(%dma_start3A_141 : memref<160xi32, #tpu.memory_space<vmem>>) target_semaphore(%dma_start3A_138 : memref<!tpu.dma_semaphore, #tpu.memory_space<semaphore_mem>>)
    %dma_wait3A = arith.constant 0 : i32
    %dma_wait3A_143 = arith.constant 0 : i32
    %dma_wait3A_144 = arith.constant 0 : i32
    %dma_wait3A_145 = arith.constant 0 : i32
    %dma_wait3A_146 = tpu.memref_slice %arg7[%dma_wait3A, %dma_wait3A_143, %dma_wait3A_145] : memref<4x3x160xi32, #tpu.memory_space<vmem>> -> memref<1x1x160xi32, #tpu.memory_space<vmem>>
    %dma_wait3A_147 = tpu.memref_squeeze %dma_wait3A_146 : memref<1x1x160xi32, #tpu.memory_space<vmem>> -> memref<160xi32, #tpu.memory_space<vmem>>
    %dma_wait3A_148 = tpu.memref_slice %arg2[%mul3A_2] : memref<2457600xi32, #tpu.memory_space<hbm>> -> memref<160xi32, #tpu.memory_space<hbm>>
    %dma_wait3A_149 = tpu.memref_slice %arg10[%dma_wait3A_144] : memref<4x!tpu.dma_semaphore, #tpu.memory_space<semaphore_mem>> -> memref<1x!tpu.dma_semaphore, #tpu.memory_space<semaphore_mem>>
    %dma_wait3A_150 = tpu.memref_squeeze %dma_wait3A_149 : memref<1x!tpu.dma_semaphore, #tpu.memory_space<semaphore_mem>> -> memref<!tpu.dma_semaphore, #tpu.memory_space<semaphore_mem>>
    %dma_wait3A_151 = arith.constant 0 : i32
    %dma_wait3A_152 = tpu.memref_slice %arg7[%dma_wait3A, %dma_wait3A_143, %dma_wait3A_151] : memref<4x3x160xi32, #tpu.memory_space<vmem>> -> memref<1x1x160xi32, #tpu.memory_space<vmem>>
    %dma_wait3A_153 = tpu.memref_squeeze %dma_wait3A_152 : memref<1x1x160xi32, #tpu.memory_space<vmem>> -> memref<160xi32, #tpu.memory_space<vmem>>
    %dma_wait3A_154 = tpu.memref_slice %arg2[%mul3A_2] : memref<2457600xi32, #tpu.memory_space<hbm>> -> memref<160xi32, #tpu.memory_space<hbm>>
    tpu.wait_dma2 semaphore(%dma_wait3A_150 : memref<!tpu.dma_semaphore, #tpu.memory_space<semaphore_mem>>) src(%dma_wait3A_154 : memref<160xi32, #tpu.memory_space<hbm>>) dst(%dma_wait3A_153 : memref<160xi32, #tpu.memory_space<vmem>>)
    %dma_wait3A_155 = arith.constant 0 : i32
    %dma_wait3A_156 = arith.constant 1 : i32
    %dma_wait3A_157 = arith.constant 0 : i32
    %dma_wait3A_158 = arith.constant 0 : i32
    %dma_wait3A_159 = tpu.memref_slice %arg7[%dma_wait3A_155, %dma_wait3A_156, %dma_wait3A_158] : memref<4x3x160xi32, #tpu.memory_space<vmem>> -> memref<1x1x160xi32, #tpu.memory_space<vmem>>
    %dma_wait3A_160 = tpu.memref_squeeze %dma_wait3A_159 : memref<1x1x160xi32, #tpu.memory_space<vmem>> -> memref<160xi32, #tpu.memory_space<vmem>>
    %dma_wait3A_161 = tpu.memref_slice %arg2[%mul3A_2] : memref<2457600xi32, #tpu.memory_space<hbm>> -> memref<160xi32, #tpu.memory_space<hbm>>
    %dma_wait3A_162 = tpu.memref_slice %arg10[%dma_wait3A_157] : memref<4x!tpu.dma_semaphore, #tpu.memory_space<semaphore_mem>> -> memref<1x!tpu.dma_semaphore, #tpu.memory_space<semaphore_mem>>
    %dma_wait3A_163 = tpu.memref_squeeze %dma_wait3A_162 : memref<1x!tpu.dma_semaphore, #tpu.memory_space<semaphore_mem>> -> memref<!tpu.dma_semaphore, #tpu.memory_space<semaphore_mem>>
    %dma_wait3A_164 = arith.constant 0 : i32
    %dma_wait3A_165 = tpu.memref_slice %arg7[%dma_wait3A_155, %dma_wait3A_156, %dma_wait3A_164] : memref<4x3x160xi32, #tpu.memory_space<vmem>> -> memref<1x1x160xi32, #tpu.memory_space<vmem>>
    %dma_wait3A_166 = tpu.memref_squeeze %dma_wait3A_165 : memref<1x1x160xi32, #tpu.memory_space<vmem>> -> memref<160xi32, #tpu.memory_space<vmem>>
    %dma_wait3A_167 = tpu.memref_slice %arg2[%mul3A_2] : memref<2457600xi32, #tpu.memory_space<hbm>> -> memref<160xi32, #tpu.memory_space<hbm>>
    tpu.wait_dma2 semaphore(%dma_wait3A_163 : memref<!tpu.dma_semaphore, #tpu.memory_space<semaphore_mem>>) src(%dma_wait3A_167 : memref<160xi32, #tpu.memory_space<hbm>>) dst(%dma_wait3A_166 : memref<160xi32, #tpu.memory_space<vmem>>)
    %dma_wait3A_168 = arith.constant 0 : i32
    %dma_wait3A_169 = arith.constant 2 : i32
    %dma_wait3A_170 = arith.constant 0 : i32
    %dma_wait3A_171 = arith.constant 0 : i32
    %dma_wait3A_172 = tpu.memref_slice %arg7[%dma_wait3A_168, %dma_wait3A_169, %dma_wait3A_171] : memref<4x3x160xi32, #tpu.memory_space<vmem>> -> memref<1x1x160xi32, #tpu.memory_space<vmem>>
    %dma_wait3A_173 = tpu.memref_squeeze %dma_wait3A_172 : memref<1x1x160xi32, #tpu.memory_space<vmem>> -> memref<160xi32, #tpu.memory_space<vmem>>
    %dma_wait3A_174 = tpu.memref_slice %arg2[%mul3A_2] : memref<2457600xi32, #tpu.memory_space<hbm>> -> memref<160xi32, #tpu.memory_space<hbm>>
    %dma_wait3A_175 = tpu.memref_slice %arg10[%dma_wait3A_170] : memref<4x!tpu.dma_semaphore, #tpu.memory_space<semaphore_mem>> -> memref<1x!tpu.dma_semaphore, #tpu.memory_space<semaphore_mem>>
    %dma_wait3A_176 = tpu.memref_squeeze %dma_wait3A_175 : memref<1x!tpu.dma_semaphore, #tpu.memory_space<semaphore_mem>> -> memref<!tpu.dma_semaphore, #tpu.memory_space<semaphore_mem>>
    %dma_wait3A_177 = arith.constant 0 : i32
    %dma_wait3A_178 = tpu.memref_slice %arg7[%dma_wait3A_168, %dma_wait3A_169, %dma_wait3A_177] : memref<4x3x160xi32, #tpu.memory_space<vmem>> -> memref<1x1x160xi32, #tpu.memory_space<vmem>>
    %dma_wait3A_179 = tpu.memref_squeeze %dma_wait3A_178 : memref<1x1x160xi32, #tpu.memory_space<vmem>> -> memref<160xi32, #tpu.memory_space<vmem>>
    %dma_wait3A_180 = tpu.memref_slice %arg2[%mul3A_2] : memref<2457600xi32, #tpu.memory_space<hbm>> -> memref<160xi32, #tpu.memory_space<hbm>>
    tpu.wait_dma2 semaphore(%dma_wait3A_176 : memref<!tpu.dma_semaphore, #tpu.memory_space<semaphore_mem>>) src(%dma_wait3A_180 : memref<160xi32, #tpu.memory_space<hbm>>) dst(%dma_wait3A_179 : memref<160xi32, #tpu.memory_space<vmem>>)
    %dma_start3A_181 = arith.constant 0 : i32
    %dma_start3A_182 = arith.constant 0 : i32
    %dma_start3A_183 = arith.constant 0 : i32
    %dma_start3A_184 = arith.constant 0 : i32
    %dma_start3A_185 = arith.constant 0 : i32
    %dma_start3A_186 = arith.constant 0 : i32
    %dma_start3A_187 = arith.constant 0 : i32
    %dma_start3A_188 = tpu.memref_slice %arg8[%dma_start3A_183, %dma_start3A_184, %dma_start3A_186, %dma_start3A_187] : memref<2x3x160x64xf32, #tpu.memory_space<vmem>> -> memref<1x1x160x64xf32, #tpu.memory_space<vmem>>
    %dma_start3A_189 = tpu.memref_squeeze %dma_start3A_188 : memref<1x1x160x64xf32, #tpu.memory_space<vmem>> -> memref<160x64xf32, #tpu.memory_space<vmem>>
    %dma_start3A_190 = arith.constant 0 : i32
    %dma_start3A_191 = tpu.memref_slice %arg7[%dma_start3A_181, %dma_start3A_182, %dma_start3A_190] : memref<4x3x160xi32, #tpu.memory_space<vmem>> -> memref<1x1x160xi32, #tpu.memory_space<vmem>>
    %dma_start3A_192 = tpu.memref_squeeze %dma_start3A_191 : memref<1x1x160xi32, #tpu.memory_space<vmem>> -> memref<160xi32, #tpu.memory_space<vmem>>
    %dma_start3A_193 = arith.constant 0 : i32
    %dma_start3A_194 = arith.constant 0 : i32
    %dma_start3A_195 = tpu.memref_slice %arg3[%dma_start3A_193, %dma_start3A_194] : memref<100000x64xf32, #tpu.memory_space<hbm>> -> memref<100000x64xf32, #tpu.memory_space<hbm>>
    %dma_start3A_196 = tpu.memref_slice %arg11[%dma_start3A_185] : memref<2x!tpu.dma_semaphore, #tpu.memory_space<semaphore_mem>> -> memref<1x!tpu.dma_semaphore, #tpu.memory_space<semaphore_mem>>
    %dma_start3A_197 = tpu.memref_squeeze %dma_start3A_196 : memref<1x!tpu.dma_semaphore, #tpu.memory_space<semaphore_mem>> -> memref<!tpu.dma_semaphore, #tpu.memory_space<semaphore_mem>>
    tpu.enqueue_indirect_dma source(%dma_start3A_195 : memref<100000x64xf32, #tpu.memory_space<hbm>>) target(%dma_start3A_189 : memref<160x64xf32, #tpu.memory_space<vmem>>) offsets(%dma_start3A_192 : memref<160xi32, #tpu.memory_space<vmem>>) semaphore(%dma_start3A_197 : memref<!tpu.dma_semaphore, #tpu.memory_space<semaphore_mem>>)
    %dma_start3A_198 = arith.constant 0 : i32
    %dma_start3A_199 = arith.constant 1 : i32
    %dma_start3A_200 = arith.constant 0 : i32
    %dma_start3A_201 = arith.constant 1 : i32
    %dma_start3A_202 = arith.constant 0 : i32
    %dma_start3A_203 = arith.constant 0 : i32
    %dma_start3A_204 = arith.constant 0 : i32
    %dma_start3A_205 = tpu.memref_slice %arg8[%dma_start3A_200, %dma_start3A_201, %dma_start3A_203, %dma_start3A_204] : memref<2x3x160x64xf32, #tpu.memory_space<vmem>> -> memref<1x1x160x64xf32, #tpu.memory_space<vmem>>
    %dma_start3A_206 = tpu.memref_squeeze %dma_start3A_205 : memref<1x1x160x64xf32, #tpu.memory_space<vmem>> -> memref<160x64xf32, #tpu.memory_space<vmem>>
    %dma_start3A_207 = arith.constant 0 : i32
    %dma_start3A_208 = tpu.memref_slice %arg7[%dma_start3A_198, %dma_start3A_199, %dma_start3A_207] : memref<4x3x160xi32, #tpu.memory_space<vmem>> -> memref<1x1x160xi32, #tpu.memory_space<vmem>>
    %dma_start3A_209 = tpu.memref_squeeze %dma_start3A_208 : memref<1x1x160xi32, #tpu.memory_space<vmem>> -> memref<160xi32, #tpu.memory_space<vmem>>
    %dma_start3A_210 = arith.constant 0 : i32
    %dma_start3A_211 = arith.constant 0 : i32
    %dma_start3A_212 = tpu.memref_slice %arg4[%dma_start3A_210, %dma_start3A_211] : memref<100000x64xf32, #tpu.memory_space<hbm>> -> memref<100000x64xf32, #tpu.memory_space<hbm>>
    %dma_start3A_213 = tpu.memref_slice %arg11[%dma_start3A_202] : memref<2x!tpu.dma_semaphore, #tpu.memory_space<semaphore_mem>> -> memref<1x!tpu.dma_semaphore, #tpu.memory_space<semaphore_mem>>
    %dma_start3A_214 = tpu.memref_squeeze %dma_start3A_213 : memref<1x!tpu.dma_semaphore, #tpu.memory_space<semaphore_mem>> -> memref<!tpu.dma_semaphore, #tpu.memory_space<semaphore_mem>>
    tpu.enqueue_indirect_dma source(%dma_start3A_212 : memref<100000x64xf32, #tpu.memory_space<hbm>>) target(%dma_start3A_206 : memref<160x64xf32, #tpu.memory_space<vmem>>) offsets(%dma_start3A_209 : memref<160xi32, #tpu.memory_space<vmem>>) semaphore(%dma_start3A_214 : memref<!tpu.dma_semaphore, #tpu.memory_space<semaphore_mem>>)
    %dma_start3A_215 = arith.constant 0 : i32
    %dma_start3A_216 = arith.constant 2 : i32
    %dma_start3A_217 = arith.constant 0 : i32
    %dma_start3A_218 = arith.constant 2 : i32
    %dma_start3A_219 = arith.constant 0 : i32
    %dma_start3A_220 = arith.constant 0 : i32
    %dma_start3A_221 = arith.constant 0 : i32
    %dma_start3A_222 = tpu.memref_slice %arg8[%dma_start3A_217, %dma_start3A_218, %dma_start3A_220, %dma_start3A_221] : memref<2x3x160x64xf32, #tpu.memory_space<vmem>> -> memref<1x1x160x64xf32, #tpu.memory_space<vmem>>
    %dma_start3A_223 = tpu.memref_squeeze %dma_start3A_222 : memref<1x1x160x64xf32, #tpu.memory_space<vmem>> -> memref<160x64xf32, #tpu.memory_space<vmem>>
    %dma_start3A_224 = arith.constant 0 : i32
    %dma_start3A_225 = tpu.memref_slice %arg7[%dma_start3A_215, %dma_start3A_216, %dma_start3A_224] : memref<4x3x160xi32, #tpu.memory_space<vmem>> -> memref<1x1x160xi32, #tpu.memory_space<vmem>>
    %dma_start3A_226 = tpu.memref_squeeze %dma_start3A_225 : memref<1x1x160xi32, #tpu.memory_space<vmem>> -> memref<160xi32, #tpu.memory_space<vmem>>
    %dma_start3A_227 = arith.constant 0 : i32
    %dma_start3A_228 = arith.constant 0 : i32
    %dma_start3A_229 = tpu.memref_slice %arg5[%dma_start3A_227, %dma_start3A_228] : memref<100000x64xf32, #tpu.memory_space<hbm>> -> memref<100000x64xf32, #tpu.memory_space<hbm>>
    %dma_start3A_230 = tpu.memref_slice %arg11[%dma_start3A_219] : memref<2x!tpu.dma_semaphore, #tpu.memory_space<semaphore_mem>> -> memref<1x!tpu.dma_semaphore, #tpu.memory_space<semaphore_mem>>
    %dma_start3A_231 = tpu.memref_squeeze %dma_start3A_230 : memref<1x!tpu.dma_semaphore, #tpu.memory_space<semaphore_mem>> -> memref<!tpu.dma_semaphore, #tpu.memory_space<semaphore_mem>>
    tpu.enqueue_indirect_dma source(%dma_start3A_229 : memref<100000x64xf32, #tpu.memory_space<hbm>>) target(%dma_start3A_223 : memref<160x64xf32, #tpu.memory_space<vmem>>) offsets(%dma_start3A_226 : memref<160xi32, #tpu.memory_space<vmem>>) semaphore(%dma_start3A_231 : memref<!tpu.dma_semaphore, #tpu.memory_space<semaphore_mem>>)
    %scan3A = arith.constant 0 : i32
    %scan3A_232 = arith.constant 0 : i32
    %scan3A_233 = arith.constant 40 : i32
    %scan3A_234 = arith.addi %scan3A_232, %scan3A_233 : i32
    %scan3A_235 = arith.constant 1 : i32
    scf.for %scan3A_269 = %scan3A_232 to %scan3A_234 step %scan3A_235  : i32 {
      %mul3A_270 = arith.constant 4 : i32
      %mul3A_271 = arith.muli %mul3A_270, %scan3A_269 : i32
      %add3A_272 = arith.constant 0 : i32
      %add3A_273 = arith.addi %mul3A_271, %add3A_272 : i32
      %lt3A = arith.constant 157 : i32
      %lt3A_274 = arith.cmpi slt, %add3A_273, %lt3A : i32
      %convert_element_type3A = arith.extui %lt3A_274 : i1 to i32
      %cond3A = arith.constant 0 : i32
      %cond3A_275 = arith.cmpi ne, %convert_element_type3A, %cond3A : i32
      scf.if %cond3A_275 {
        %add3A_627 = arith.constant 3 : i32
        %add3A_628 = arith.addi %add3A_273, %add3A_627 : i32
        %mul3A_629 = arith.constant 160 : i32
        %mul3A_630 = arith.muli %add3A_628, %mul3A_629 : i32
        %add3A_631 = arith.addi %mul3A_2, %mul3A_630 : i32
        %add3A_632 = arith.constant 0 : i32
        %add3A_633 = arith.addi %add3A_632, %add3A_631 : i32
        %dma_start3A_634 = arith.constant 3 : i32
        %dma_start3A_635 = arith.constant 0 : i32
        %dma_start3A_636 = arith.constant 3 : i32
        %dma_start3A_637 = arith.constant 0 : i32
        %dma_start3A_638 = tpu.memref_slice %arg7[%dma_start3A_634, %dma_start3A_635, %dma_start3A_637] : memref<4x3x160xi32, #tpu.memory_space<vmem>> -> memref<1x1x160xi32, #tpu.memory_space<vmem>>
        %dma_start3A_639 = tpu.memref_squeeze %dma_start3A_638 : memref<1x1x160xi32, #tpu.memory_space<vmem>> -> memref<160xi32, #tpu.memory_space<vmem>>
        %dma_start3A_640 = tpu.memref_slice %arg2[%add3A_633] : memref<2457600xi32, #tpu.memory_space<hbm>> -> memref<160xi32, #tpu.memory_space<hbm>>
        %dma_start3A_641 = tpu.memref_slice %arg10[%dma_start3A_636] : memref<4x!tpu.dma_semaphore, #tpu.memory_space<semaphore_mem>> -> memref<1x!tpu.dma_semaphore, #tpu.memory_space<semaphore_mem>>
        %dma_start3A_642 = tpu.memref_squeeze %dma_start3A_641 : memref<1x!tpu.dma_semaphore, #tpu.memory_space<semaphore_mem>> -> memref<!tpu.dma_semaphore, #tpu.memory_space<semaphore_mem>>
        %dma_start3A_643 = arith.constant 0 : i32
        %dma_start3A_644 = tpu.memref_slice %arg7[%dma_start3A_634, %dma_start3A_635, %dma_start3A_643] : memref<4x3x160xi32, #tpu.memory_space<vmem>> -> memref<1x1x160xi32, #tpu.memory_space<vmem>>
        %dma_start3A_645 = tpu.memref_squeeze %dma_start3A_644 : memref<1x1x160xi32, #tpu.memory_space<vmem>> -> memref<160xi32, #tpu.memory_space<vmem>>
        %dma_start3A_646 = tpu.memref_slice %arg2[%add3A_633] : memref<2457600xi32, #tpu.memory_space<hbm>> -> memref<160xi32, #tpu.memory_space<hbm>>
        tpu.enqueue_dma source(%dma_start3A_646 : memref<160xi32, #tpu.memory_space<hbm>>) target(%dma_start3A_645 : memref<160xi32, #tpu.memory_space<vmem>>) target_semaphore(%dma_start3A_642 : memref<!tpu.dma_semaphore, #tpu.memory_space<semaphore_mem>>)
        %add3A_647 = arith.constant 819200 : i32
        %add3A_648 = arith.addi %add3A_647, %add3A_631 : i32
        %dma_start3A_649 = arith.constant 3 : i32
        %dma_start3A_650 = arith.constant 1 : i32
        %dma_start3A_651 = arith.constant 3 : i32
        %dma_start3A_652 = arith.constant 0 : i32
        %dma_start3A_653 = tpu.memref_slice %arg7[%dma_start3A_649, %dma_start3A_650, %dma_start3A_652] : memref<4x3x160xi32, #tpu.memory_space<vmem>> -> memref<1x1x160xi32, #tpu.memory_space<vmem>>
        %dma_start3A_654 = tpu.memref_squeeze %dma_start3A_653 : memref<1x1x160xi32, #tpu.memory_space<vmem>> -> memref<160xi32, #tpu.memory_space<vmem>>
        %dma_start3A_655 = tpu.memref_slice %arg2[%add3A_648] : memref<2457600xi32, #tpu.memory_space<hbm>> -> memref<160xi32, #tpu.memory_space<hbm>>
        %dma_start3A_656 = tpu.memref_slice %arg10[%dma_start3A_651] : memref<4x!tpu.dma_semaphore, #tpu.memory_space<semaphore_mem>> -> memref<1x!tpu.dma_semaphore, #tpu.memory_space<semaphore_mem>>
        %dma_start3A_657 = tpu.memref_squeeze %dma_start3A_656 : memref<1x!tpu.dma_semaphore, #tpu.memory_space<semaphore_mem>> -> memref<!tpu.dma_semaphore, #tpu.memory_space<semaphore_mem>>
        %dma_start3A_658 = arith.constant 0 : i32
        %dma_start3A_659 = tpu.memref_slice %arg7[%dma_start3A_649, %dma_start3A_650, %dma_start3A_658] : memref<4x3x160xi32, #tpu.memory_space<vmem>> -> memref<1x1x160xi32, #tpu.memory_space<vmem>>
        %dma_start3A_660 = tpu.memref_squeeze %dma_start3A_659 : memref<1x1x160xi32, #tpu.memory_space<vmem>> -> memref<160xi32, #tpu.memory_space<vmem>>
        %dma_start3A_661 = tpu.memref_slice %arg2[%add3A_648] : memref<2457600xi32, #tpu.memory_space<hbm>> -> memref<160xi32, #tpu.memory_space<hbm>>
        tpu.enqueue_dma source(%dma_start3A_661 : memref<160xi32, #tpu.memory_space<hbm>>) target(%dma_start3A_660 : memref<160xi32, #tpu.memory_space<vmem>>) target_semaphore(%dma_start3A_657 : memref<!tpu.dma_semaphore, #tpu.memory_space<semaphore_mem>>)
        %add3A_662 = arith.constant 1638400 : i32
        %add3A_663 = arith.addi %add3A_662, %add3A_631 : i32
        %dma_start3A_664 = arith.constant 3 : i32
        %dma_start3A_665 = arith.constant 2 : i32
        %dma_start3A_666 = arith.constant 3 : i32
        %dma_start3A_667 = arith.constant 0 : i32
        %dma_start3A_668 = tpu.memref_slice %arg7[%dma_start3A_664, %dma_start3A_665, %dma_start3A_667] : memref<4x3x160xi32, #tpu.memory_space<vmem>> -> memref<1x1x160xi32, #tpu.memory_space<vmem>>
        %dma_start3A_669 = tpu.memref_squeeze %dma_start3A_668 : memref<1x1x160xi32, #tpu.memory_space<vmem>> -> memref<160xi32, #tpu.memory_space<vmem>>
        %dma_start3A_670 = tpu.memref_slice %arg2[%add3A_663] : memref<2457600xi32, #tpu.memory_space<hbm>> -> memref<160xi32, #tpu.memory_space<hbm>>
        %dma_start3A_671 = tpu.memref_slice %arg10[%dma_start3A_666] : memref<4x!tpu.dma_semaphore, #tpu.memory_space<semaphore_mem>> -> memref<1x!tpu.dma_semaphore, #tpu.memory_space<semaphore_mem>>
        %dma_start3A_672 = tpu.memref_squeeze %dma_start3A_671 : memref<1x!tpu.dma_semaphore, #tpu.memory_space<semaphore_mem>> -> memref<!tpu.dma_semaphore, #tpu.memory_space<semaphore_mem>>
        %dma_start3A_673 = arith.constant 0 : i32
        %dma_start3A_674 = tpu.memref_slice %arg7[%dma_start3A_664, %dma_start3A_665, %dma_start3A_673] : memref<4x3x160xi32, #tpu.memory_space<vmem>> -> memref<1x1x160xi32, #tpu.memory_space<vmem>>
        %dma_start3A_675 = tpu.memref_squeeze %dma_start3A_674 : memref<1x1x160xi32, #tpu.memory_space<vmem>> -> memref<160xi32, #tpu.memory_space<vmem>>
        %dma_start3A_676 = tpu.memref_slice %arg2[%add3A_663] : memref<2457600xi32, #tpu.memory_space<hbm>> -> memref<160xi32, #tpu.memory_space<hbm>>
        tpu.enqueue_dma source(%dma_start3A_676 : memref<160xi32, #tpu.memory_space<hbm>>) target(%dma_start3A_675 : memref<160xi32, #tpu.memory_space<vmem>>) target_semaphore(%dma_start3A_672 : memref<!tpu.dma_semaphore, #tpu.memory_space<semaphore_mem>>)
      } else {
      }
      %lt3A_276 = arith.constant 159 : i32
      %lt3A_277 = arith.cmpi slt, %add3A_273, %lt3A_276 : i32
      %convert_element_type3A_278 = arith.extui %lt3A_277 : i1 to i32
      %cond3A_279 = arith.constant 0 : i32
      %cond3A_280 = arith.cmpi ne, %convert_element_type3A_278, %cond3A_279 : i32
      scf.if %cond3A_280 {
        %dma_wait3A_627 = arith.constant 1 : i32
        %dma_wait3A_628 = arith.constant 0 : i32
        %dma_wait3A_629 = arith.constant 1 : i32
        %dma_wait3A_630 = arith.constant 0 : i32
        %dma_wait3A_631 = tpu.memref_slice %arg7[%dma_wait3A_627, %dma_wait3A_628, %dma_wait3A_630] : memref<4x3x160xi32, #tpu.memory_space<vmem>> -> memref<1x1x160xi32, #tpu.memory_space<vmem>>
        %dma_wait3A_632 = tpu.memref_squeeze %dma_wait3A_631 : memref<1x1x160xi32, #tpu.memory_space<vmem>> -> memref<160xi32, #tpu.memory_space<vmem>>
        %dma_wait3A_633 = tpu.memref_slice %arg2[%mul3A_2] : memref<2457600xi32, #tpu.memory_space<hbm>> -> memref<160xi32, #tpu.memory_space<hbm>>
        %dma_wait3A_634 = tpu.memref_slice %arg10[%dma_wait3A_629] : memref<4x!tpu.dma_semaphore, #tpu.memory_space<semaphore_mem>> -> memref<1x!tpu.dma_semaphore, #tpu.memory_space<semaphore_mem>>
        %dma_wait3A_635 = tpu.memref_squeeze %dma_wait3A_634 : memref<1x!tpu.dma_semaphore, #tpu.memory_space<semaphore_mem>> -> memref<!tpu.dma_semaphore, #tpu.memory_space<semaphore_mem>>
        %dma_wait3A_636 = arith.constant 0 : i32
        %dma_wait3A_637 = tpu.memref_slice %arg7[%dma_wait3A_627, %dma_wait3A_628, %dma_wait3A_636] : memref<4x3x160xi32, #tpu.memory_space<vmem>> -> memref<1x1x160xi32, #tpu.memory_space<vmem>>
        %dma_wait3A_638 = tpu.memref_squeeze %dma_wait3A_637 : memref<1x1x160xi32, #tpu.memory_space<vmem>> -> memref<160xi32, #tpu.memory_space<vmem>>
        %dma_wait3A_639 = tpu.memref_slice %arg2[%mul3A_2] : memref<2457600xi32, #tpu.memory_space<hbm>> -> memref<160xi32, #tpu.memory_space<hbm>>
        tpu.wait_dma2 semaphore(%dma_wait3A_635 : memref<!tpu.dma_semaphore, #tpu.memory_space<semaphore_mem>>) src(%dma_wait3A_639 : memref<160xi32, #tpu.memory_space<hbm>>) dst(%dma_wait3A_638 : memref<160xi32, #tpu.memory_space<vmem>>)
        %dma_wait3A_640 = arith.constant 1 : i32
        %dma_wait3A_641 = arith.constant 1 : i32
        %dma_wait3A_642 = arith.constant 1 : i32
        %dma_wait3A_643 = arith.constant 0 : i32
        %dma_wait3A_644 = tpu.memref_slice %arg7[%dma_wait3A_640, %dma_wait3A_641, %dma_wait3A_643] : memref<4x3x160xi32, #tpu.memory_space<vmem>> -> memref<1x1x160xi32, #tpu.memory_space<vmem>>
        %dma_wait3A_645 = tpu.memref_squeeze %dma_wait3A_644 : memref<1x1x160xi32, #tpu.memory_space<vmem>> -> memref<160xi32, #tpu.memory_space<vmem>>
        %dma_wait3A_646 = tpu.memref_slice %arg2[%mul3A_2] : memref<2457600xi32, #tpu.memory_space<hbm>> -> memref<160xi32, #tpu.memory_space<hbm>>
        %dma_wait3A_647 = tpu.memref_slice %arg10[%dma_wait3A_642] : memref<4x!tpu.dma_semaphore, #tpu.memory_space<semaphore_mem>> -> memref<1x!tpu.dma_semaphore, #tpu.memory_space<semaphore_mem>>
        %dma_wait3A_648 = tpu.memref_squeeze %dma_wait3A_647 : memref<1x!tpu.dma_semaphore, #tpu.memory_space<semaphore_mem>> -> memref<!tpu.dma_semaphore, #tpu.memory_space<semaphore_mem>>
        %dma_wait3A_649 = arith.constant 0 : i32
        %dma_wait3A_650 = tpu.memref_slice %arg7[%dma_wait3A_640, %dma_wait3A_641, %dma_wait3A_649] : memref<4x3x160xi32, #tpu.memory_space<vmem>> -> memref<1x1x160xi32, #tpu.memory_space<vmem>>
        %dma_wait3A_651 = tpu.memref_squeeze %dma_wait3A_650 : memref<1x1x160xi32, #tpu.memory_space<vmem>> -> memref<160xi32, #tpu.memory_space<vmem>>
        %dma_wait3A_652 = tpu.memref_slice %arg2[%mul3A_2] : memref<2457600xi32, #tpu.memory_space<hbm>> -> memref<160xi32, #tpu.memory_space<hbm>>
        tpu.wait_dma2 semaphore(%dma_wait3A_648 : memref<!tpu.dma_semaphore, #tpu.memory_space<semaphore_mem>>) src(%dma_wait3A_652 : memref<160xi32, #tpu.memory_space<hbm>>) dst(%dma_wait3A_651 : memref<160xi32, #tpu.memory_space<vmem>>)
        %dma_wait3A_653 = arith.constant 1 : i32
        %dma_wait3A_654 = arith.constant 2 : i32
        %dma_wait3A_655 = arith.constant 1 : i32
        %dma_wait3A_656 = arith.constant 0 : i32
        %dma_wait3A_657 = tpu.memref_slice %arg7[%dma_wait3A_653, %dma_wait3A_654, %dma_wait3A_656] : memref<4x3x160xi32, #tpu.memory_space<vmem>> -> memref<1x1x160xi32, #tpu.memory_space<vmem>>
        %dma_wait3A_658 = tpu.memref_squeeze %dma_wait3A_657 : memref<1x1x160xi32, #tpu.memory_space<vmem>> -> memref<160xi32, #tpu.memory_space<vmem>>
        %dma_wait3A_659 = tpu.memref_slice %arg2[%mul3A_2] : memref<2457600xi32, #tpu.memory_space<hbm>> -> memref<160xi32, #tpu.memory_space<hbm>>
        %dma_wait3A_660 = tpu.memref_slice %arg10[%dma_wait3A_655] : memref<4x!tpu.dma_semaphore, #tpu.memory_space<semaphore_mem>> -> memref<1x!tpu.dma_semaphore, #tpu.memory_space<semaphore_mem>>
        %dma_wait3A_661 = tpu.memref_squeeze %dma_wait3A_660 : memref<1x!tpu.dma_semaphore, #tpu.memory_space<semaphore_mem>> -> memref<!tpu.dma_semaphore, #tpu.memory_space<semaphore_mem>>
        %dma_wait3A_662 = arith.constant 0 : i32
        %dma_wait3A_663 = tpu.memref_slice %arg7[%dma_wait3A_653, %dma_wait3A_654, %dma_wait3A_662] : memref<4x3x160xi32, #tpu.memory_space<vmem>> -> memref<1x1x160xi32, #tpu.memory_space<vmem>>
        %dma_wait3A_664 = tpu.memref_squeeze %dma_wait3A_663 : memref<1x1x160xi32, #tpu.memory_space<vmem>> -> memref<160xi32, #tpu.memory_space<vmem>>
        %dma_wait3A_665 = tpu.memref_slice %arg2[%mul3A_2] : memref<2457600xi32, #tpu.memory_space<hbm>> -> memref<160xi32, #tpu.memory_space<hbm>>
        tpu.wait_dma2 semaphore(%dma_wait3A_661 : memref<!tpu.dma_semaphore, #tpu.memory_space<semaphore_mem>>) src(%dma_wait3A_665 : memref<160xi32, #tpu.memory_space<hbm>>) dst(%dma_wait3A_664 : memref<160xi32, #tpu.memory_space<vmem>>)
        %dma_start3A_666 = arith.constant 1 : i32
        %dma_start3A_667 = arith.constant 0 : i32
        %dma_start3A_668 = arith.constant 1 : i32
        %dma_start3A_669 = arith.constant 0 : i32
        %dma_start3A_670 = arith.constant 1 : i32
        %dma_start3A_671 = arith.constant 0 : i32
        %dma_start3A_672 = arith.constant 0 : i32
        %dma_start3A_673 = tpu.memref_slice %arg8[%dma_start3A_668, %dma_start3A_669, %dma_start3A_671, %dma_start3A_672] : memref<2x3x160x64xf32, #tpu.memory_space<vmem>> -> memref<1x1x160x64xf32, #tpu.memory_space<vmem>>
        %dma_start3A_674 = tpu.memref_squeeze %dma_start3A_673 : memref<1x1x160x64xf32, #tpu.memory_space<vmem>> -> memref<160x64xf32, #tpu.memory_space<vmem>>
        %dma_start3A_675 = arith.constant 0 : i32
        %dma_start3A_676 = tpu.memref_slice %arg7[%dma_start3A_666, %dma_start3A_667, %dma_start3A_675] : memref<4x3x160xi32, #tpu.memory_space<vmem>> -> memref<1x1x160xi32, #tpu.memory_space<vmem>>
        %dma_start3A_677 = tpu.memref_squeeze %dma_start3A_676 : memref<1x1x160xi32, #tpu.memory_space<vmem>> -> memref<160xi32, #tpu.memory_space<vmem>>
        %dma_start3A_678 = arith.constant 0 : i32
        %dma_start3A_679 = arith.constant 0 : i32
        %dma_start3A_680 = tpu.memref_slice %arg3[%dma_start3A_678, %dma_start3A_679] : memref<100000x64xf32, #tpu.memory_space<hbm>> -> memref<100000x64xf32, #tpu.memory_space<hbm>>
        %dma_start3A_681 = tpu.memref_slice %arg11[%dma_start3A_670] : memref<2x!tpu.dma_semaphore, #tpu.memory_space<semaphore_mem>> -> memref<1x!tpu.dma_semaphore, #tpu.memory_space<semaphore_mem>>
        %dma_start3A_682 = tpu.memref_squeeze %dma_start3A_681 : memref<1x!tpu.dma_semaphore, #tpu.memory_space<semaphore_mem>> -> memref<!tpu.dma_semaphore, #tpu.memory_space<semaphore_mem>>
        tpu.enqueue_indirect_dma source(%dma_start3A_680 : memref<100000x64xf32, #tpu.memory_space<hbm>>) target(%dma_start3A_674 : memref<160x64xf32, #tpu.memory_space<vmem>>) offsets(%dma_start3A_677 : memref<160xi32, #tpu.memory_space<vmem>>) semaphore(%dma_start3A_682 : memref<!tpu.dma_semaphore, #tpu.memory_space<semaphore_mem>>)
        %dma_start3A_683 = arith.constant 1 : i32
        %dma_start3A_684 = arith.constant 1 : i32
        %dma_start3A_685 = arith.constant 1 : i32
        %dma_start3A_686 = arith.constant 1 : i32
        %dma_start3A_687 = arith.constant 1 : i32
        %dma_start3A_688 = arith.constant 0 : i32
        %dma_start3A_689 = arith.constant 0 : i32
        %dma_start3A_690 = tpu.memref_slice %arg8[%dma_start3A_685, %dma_start3A_686, %dma_start3A_688, %dma_start3A_689] : memref<2x3x160x64xf32, #tpu.memory_space<vmem>> -> memref<1x1x160x64xf32, #tpu.memory_space<vmem>>
        %dma_start3A_691 = tpu.memref_squeeze %dma_start3A_690 : memref<1x1x160x64xf32, #tpu.memory_space<vmem>> -> memref<160x64xf32, #tpu.memory_space<vmem>>
        %dma_start3A_692 = arith.constant 0 : i32
        %dma_start3A_693 = tpu.memref_slice %arg7[%dma_start3A_683, %dma_start3A_684, %dma_start3A_692] : memref<4x3x160xi32, #tpu.memory_space<vmem>> -> memref<1x1x160xi32, #tpu.memory_space<vmem>>
        %dma_start3A_694 = tpu.memref_squeeze %dma_start3A_693 : memref<1x1x160xi32, #tpu.memory_space<vmem>> -> memref<160xi32, #tpu.memory_space<vmem>>
        %dma_start3A_695 = arith.constant 0 : i32
        %dma_start3A_696 = arith.constant 0 : i32
        %dma_start3A_697 = tpu.memref_slice %arg4[%dma_start3A_695, %dma_start3A_696] : memref<100000x64xf32, #tpu.memory_space<hbm>> -> memref<100000x64xf32, #tpu.memory_space<hbm>>
        %dma_start3A_698 = tpu.memref_slice %arg11[%dma_start3A_687] : memref<2x!tpu.dma_semaphore, #tpu.memory_space<semaphore_mem>> -> memref<1x!tpu.dma_semaphore, #tpu.memory_space<semaphore_mem>>
        %dma_start3A_699 = tpu.memref_squeeze %dma_start3A_698 : memref<1x!tpu.dma_semaphore, #tpu.memory_space<semaphore_mem>> -> memref<!tpu.dma_semaphore, #tpu.memory_space<semaphore_mem>>
        tpu.enqueue_indirect_dma source(%dma_start3A_697 : memref<100000x64xf32, #tpu.memory_space<hbm>>) target(%dma_start3A_691 : memref<160x64xf32, #tpu.memory_space<vmem>>) offsets(%dma_start3A_694 : memref<160xi32, #tpu.memory_space<vmem>>) semaphore(%dma_start3A_699 : memref<!tpu.dma_semaphore, #tpu.memory_space<semaphore_mem>>)
        %dma_start3A_700 = arith.constant 1 : i32
        %dma_start3A_701 = arith.constant 2 : i32
        %dma_start3A_702 = arith.constant 1 : i32
        %dma_start3A_703 = arith.constant 2 : i32
        %dma_start3A_704 = arith.constant 1 : i32
        %dma_start3A_705 = arith.constant 0 : i32
        %dma_start3A_706 = arith.constant 0 : i32
        %dma_start3A_707 = tpu.memref_slice %arg8[%dma_start3A_702, %dma_start3A_703, %dma_start3A_705, %dma_start3A_706] : memref<2x3x160x64xf32, #tpu.memory_space<vmem>> -> memref<1x1x160x64xf32, #tpu.memory_space<vmem>>
        %dma_start3A_708 = tpu.memref_squeeze %dma_start3A_707 : memref<1x1x160x64xf32, #tpu.memory_space<vmem>> -> memref<160x64xf32, #tpu.memory_space<vmem>>
        %dma_start3A_709 = arith.constant 0 : i32
        %dma_start3A_710 = tpu.memref_slice %arg7[%dma_start3A_700, %dma_start3A_701, %dma_start3A_709] : memref<4x3x160xi32, #tpu.memory_space<vmem>> -> memref<1x1x160xi32, #tpu.memory_space<vmem>>
        %dma_start3A_711 = tpu.memref_squeeze %dma_start3A_710 : memref<1x1x160xi32, #tpu.memory_space<vmem>> -> memref<160xi32, #tpu.memory_space<vmem>>
        %dma_start3A_712 = arith.constant 0 : i32
        %dma_start3A_713 = arith.constant 0 : i32
        %dma_start3A_714 = tpu.memref_slice %arg5[%dma_start3A_712, %dma_start3A_713] : memref<100000x64xf32, #tpu.memory_space<hbm>> -> memref<100000x64xf32, #tpu.memory_space<hbm>>
        %dma_start3A_715 = tpu.memref_slice %arg11[%dma_start3A_704] : memref<2x!tpu.dma_semaphore, #tpu.memory_space<semaphore_mem>> -> memref<1x!tpu.dma_semaphore, #tpu.memory_space<semaphore_mem>>
        %dma_start3A_716 = tpu.memref_squeeze %dma_start3A_715 : memref<1x!tpu.dma_semaphore, #tpu.memory_space<semaphore_mem>> -> memref<!tpu.dma_semaphore, #tpu.memory_space<semaphore_mem>>
        tpu.enqueue_indirect_dma source(%dma_start3A_714 : memref<100000x64xf32, #tpu.memory_space<hbm>>) target(%dma_start3A_708 : memref<160x64xf32, #tpu.memory_space<vmem>>) offsets(%dma_start3A_711 : memref<160xi32, #tpu.memory_space<vmem>>) semaphore(%dma_start3A_716 : memref<!tpu.dma_semaphore, #tpu.memory_space<semaphore_mem>>)
      } else {
      }
      %dma_wait3A_281 = arith.constant 0 : i32
      %dma_wait3A_282 = arith.constant 0 : i32
      %dma_wait3A_283 = arith.constant 0 : i32
      %dma_wait3A_284 = arith.constant 0 : i32
      %dma_wait3A_285 = arith.constant 0 : i32
      %dma_wait3A_286 = arith.constant 0 : i32
      %dma_wait3A_287 = arith.constant 0 : i32
      %dma_wait3A_288 = tpu.memref_slice %arg8[%dma_wait3A_283, %dma_wait3A_284, %dma_wait3A_286, %dma_wait3A_287] : memref<2x3x160x64xf32, #tpu.memory_space<vmem>> -> memref<1x1x160x64xf32, #tpu.memory_space<vmem>>
      %dma_wait3A_289 = tpu.memref_squeeze %dma_wait3A_288 : memref<1x1x160x64xf32, #tpu.memory_space<vmem>> -> memref<160x64xf32, #tpu.memory_space<vmem>>
      %dma_wait3A_290 = arith.constant 0 : i32
      %dma_wait3A_291 = tpu.memref_slice %arg7[%dma_wait3A_281, %dma_wait3A_282, %dma_wait3A_290] : memref<4x3x160xi32, #tpu.memory_space<vmem>> -> memref<1x1x160xi32, #tpu.memory_space<vmem>>
      %dma_wait3A_292 = tpu.memref_squeeze %dma_wait3A_291 : memref<1x1x160xi32, #tpu.memory_space<vmem>> -> memref<160xi32, #tpu.memory_space<vmem>>
      %dma_wait3A_293 = arith.constant 0 : i32
      %dma_wait3A_294 = arith.constant 0 : i32
      %dma_wait3A_295 = tpu.memref_slice %arg3[%dma_wait3A_293, %dma_wait3A_294] : memref<100000x64xf32, #tpu.memory_space<hbm>> -> memref<100000x64xf32, #tpu.memory_space<hbm>>
      %dma_wait3A_296 = tpu.memref_slice %arg11[%dma_wait3A_285] : memref<2x!tpu.dma_semaphore, #tpu.memory_space<semaphore_mem>> -> memref<1x!tpu.dma_semaphore, #tpu.memory_space<semaphore_mem>>
      %dma_wait3A_297 = tpu.memref_squeeze %dma_wait3A_296 : memref<1x!tpu.dma_semaphore, #tpu.memory_space<semaphore_mem>> -> memref<!tpu.dma_semaphore, #tpu.memory_space<semaphore_mem>>
      tpu.wait_indirect_dma semaphore(%dma_wait3A_297 : memref<!tpu.dma_semaphore, #tpu.memory_space<semaphore_mem>>) src(%dma_wait3A_295 : memref<100000x64xf32, #tpu.memory_space<hbm>>) dst(%dma_wait3A_289 : memref<160x64xf32, #tpu.memory_space<vmem>>)
      %dma_wait3A_298 = arith.constant 0 : i32
      %dma_wait3A_299 = arith.constant 1 : i32
      %dma_wait3A_300 = arith.constant 0 : i32
      %dma_wait3A_301 = arith.constant 1 : i32
      %dma_wait3A_302 = arith.constant 0 : i32
      %dma_wait3A_303 = arith.constant 0 : i32
      %dma_wait3A_304 = arith.constant 0 : i32
      %dma_wait3A_305 = tpu.memref_slice %arg8[%dma_wait3A_300, %dma_wait3A_301, %dma_wait3A_303, %dma_wait3A_304] : memref<2x3x160x64xf32, #tpu.memory_space<vmem>> -> memref<1x1x160x64xf32, #tpu.memory_space<vmem>>
      %dma_wait3A_306 = tpu.memref_squeeze %dma_wait3A_305 : memref<1x1x160x64xf32, #tpu.memory_space<vmem>> -> memref<160x64xf32, #tpu.memory_space<vmem>>
      %dma_wait3A_307 = arith.constant 0 : i32
      %dma_wait3A_308 = tpu.memref_slice %arg7[%dma_wait3A_298, %dma_wait3A_299, %dma_wait3A_307] : memref<4x3x160xi32, #tpu.memory_space<vmem>> -> memref<1x1x160xi32, #tpu.memory_space<vmem>>
      %dma_wait3A_309 = tpu.memref_squeeze %dma_wait3A_308 : memref<1x1x160xi32, #tpu.memory_space<vmem>> -> memref<160xi32, #tpu.memory_space<vmem>>
      %dma_wait3A_310 = arith.constant 0 : i32
      %dma_wait3A_311 = arith.constant 0 : i32
      %dma_wait3A_312 = tpu.memref_slice %arg4[%dma_wait3A_310, %dma_wait3A_311] : memref<100000x64xf32, #tpu.memory_space<hbm>> -> memref<100000x64xf32, #tpu.memory_space<hbm>>
      %dma_wait3A_313 = tpu.memref_slice %arg11[%dma_wait3A_302] : memref<2x!tpu.dma_semaphore, #tpu.memory_space<semaphore_mem>> -> memref<1x!tpu.dma_semaphore, #tpu.memory_space<semaphore_mem>>
      %dma_wait3A_314 = tpu.memref_squeeze %dma_wait3A_313 : memref<1x!tpu.dma_semaphore, #tpu.memory_space<semaphore_mem>> -> memref<!tpu.dma_semaphore, #tpu.memory_space<semaphore_mem>>
      tpu.wait_indirect_dma semaphore(%dma_wait3A_314 : memref<!tpu.dma_semaphore, #tpu.memory_space<semaphore_mem>>) src(%dma_wait3A_312 : memref<100000x64xf32, #tpu.memory_space<hbm>>) dst(%dma_wait3A_306 : memref<160x64xf32, #tpu.memory_space<vmem>>)
      %dma_wait3A_315 = arith.constant 0 : i32
      %dma_wait3A_316 = arith.constant 2 : i32
      %dma_wait3A_317 = arith.constant 0 : i32
      %dma_wait3A_318 = arith.constant 2 : i32
      %dma_wait3A_319 = arith.constant 0 : i32
      %dma_wait3A_320 = arith.constant 0 : i32
      %dma_wait3A_321 = arith.constant 0 : i32
      %dma_wait3A_322 = tpu.memref_slice %arg8[%dma_wait3A_317, %dma_wait3A_318, %dma_wait3A_320, %dma_wait3A_321] : memref<2x3x160x64xf32, #tpu.memory_space<vmem>> -> memref<1x1x160x64xf32, #tpu.memory_space<vmem>>
      %dma_wait3A_323 = tpu.memref_squeeze %dma_wait3A_322 : memref<1x1x160x64xf32, #tpu.memory_space<vmem>> -> memref<160x64xf32, #tpu.memory_space<vmem>>
      %dma_wait3A_324 = arith.constant 0 : i32
      %dma_wait3A_325 = tpu.memref_slice %arg7[%dma_wait3A_315, %dma_wait3A_316, %dma_wait3A_324] : memref<4x3x160xi32, #tpu.memory_space<vmem>> -> memref<1x1x160xi32, #tpu.memory_space<vmem>>
      %dma_wait3A_326 = tpu.memref_squeeze %dma_wait3A_325 : memref<1x1x160xi32, #tpu.memory_space<vmem>> -> memref<160xi32, #tpu.memory_space<vmem>>
      %dma_wait3A_327 = arith.constant 0 : i32
      %dma_wait3A_328 = arith.constant 0 : i32
      %dma_wait3A_329 = tpu.memref_slice %arg5[%dma_wait3A_327, %dma_wait3A_328] : memref<100000x64xf32, #tpu.memory_space<hbm>> -> memref<100000x64xf32, #tpu.memory_space<hbm>>
      %dma_wait3A_330 = tpu.memref_slice %arg11[%dma_wait3A_319] : memref<2x!tpu.dma_semaphore, #tpu.memory_space<semaphore_mem>> -> memref<1x!tpu.dma_semaphore, #tpu.memory_space<semaphore_mem>>
      %dma_wait3A_331 = tpu.memref_squeeze %dma_wait3A_330 : memref<1x!tpu.dma_semaphore, #tpu.memory_space<semaphore_mem>> -> memref<!tpu.dma_semaphore, #tpu.memory_space<semaphore_mem>>
      tpu.wait_indirect_dma semaphore(%dma_wait3A_331 : memref<!tpu.dma_semaphore, #tpu.memory_space<semaphore_mem>>) src(%dma_wait3A_329 : memref<100000x64xf32, #tpu.memory_space<hbm>>) dst(%dma_wait3A_323 : memref<160x64xf32, #tpu.memory_space<vmem>>)
      %ge3A = arith.constant 2 : i32
      %ge3A_332 = arith.cmpi sge, %add3A_273, %ge3A : i32
      %convert_element_type3A_333 = arith.extui %ge3A_332 : i1 to i32
      %cond3A_334 = arith.constant 0 : i32
      %cond3A_335 = arith.cmpi ne, %convert_element_type3A_333, %cond3A_334 : i32
      scf.if %cond3A_335 {
        %dma_wait3A_627 = arith.constant 0 : i32
        %dma_wait3A_628 = arith.constant 0 : i32
        %dma_wait3A_629 = arith.constant 0 : i32
        %dma_wait3A_630 = arith.constant 0 : i32
        %dma_wait3A_631 = tpu.memref_slice %arg9[%dma_wait3A_627, %dma_wait3A_629, %dma_wait3A_630] : memref<2x160x64xf32, #tpu.memory_space<vmem>> -> memref<1x160x64xf32, #tpu.memory_space<vmem>>
        %dma_wait3A_632 = tpu.memref_squeeze %dma_wait3A_631 : memref<1x160x64xf32, #tpu.memory_space<vmem>> -> memref<160x64xf32, #tpu.memory_space<vmem>>
        %dma_wait3A_633 = arith.constant 0 : i32
        %dma_wait3A_634 = tpu.memref_slice %arg6[%mul3A_2, %dma_wait3A_633] : memref<819200x64xf32, #tpu.memory_space<hbm>> -> memref<160x64xf32, #tpu.memory_space<hbm>>
        %dma_wait3A_635 = tpu.memref_slice %arg12[%dma_wait3A_628] : memref<2x!tpu.dma_semaphore, #tpu.memory_space<semaphore_mem>> -> memref<1x!tpu.dma_semaphore, #tpu.memory_space<semaphore_mem>>
        %dma_wait3A_636 = tpu.memref_squeeze %dma_wait3A_635 : memref<1x!tpu.dma_semaphore, #tpu.memory_space<semaphore_mem>> -> memref<!tpu.dma_semaphore, #tpu.memory_space<semaphore_mem>>
        %dma_wait3A_637 = arith.constant 0 : i32
        %dma_wait3A_638 = tpu.memref_slice %arg6[%mul3A_2, %dma_wait3A_637] : memref<819200x64xf32, #tpu.memory_space<hbm>> -> memref<160x64xf32, #tpu.memory_space<hbm>>
        %dma_wait3A_639 = arith.constant 0 : i32
        %dma_wait3A_640 = arith.constant 0 : i32
        %dma_wait3A_641 = tpu.memref_slice %arg9[%dma_wait3A_627, %dma_wait3A_639, %dma_wait3A_640] : memref<2x160x64xf32, #tpu.memory_space<vmem>> -> memref<1x160x64xf32, #tpu.memory_space<vmem>>
        %dma_wait3A_642 = tpu.memref_squeeze %dma_wait3A_641 : memref<1x160x64xf32, #tpu.memory_space<vmem>> -> memref<160x64xf32, #tpu.memory_space<vmem>>
        tpu.wait_dma2 semaphore(%dma_wait3A_636 : memref<!tpu.dma_semaphore, #tpu.memory_space<semaphore_mem>>) src(%dma_wait3A_642 : memref<160x64xf32, #tpu.memory_space<vmem>>) dst(%dma_wait3A_638 : memref<160x64xf32, #tpu.memory_space<hbm>>)
      } else {
      }
      %parallel_loop3A = arith.constant 0 : i32
      %parallel_loop3A_336 = arith.constant 160 : i32
      %parallel_loop3A_337 = arith.constant 1 : i32
      scf.for %parallel_loop3A_627 = %parallel_loop3A to %parallel_loop3A_336 step %parallel_loop3A_337  : i32 {
        %parallel_loop3A_628 = arith.constant 0 : i32
        %parallel_loop3A_629 = arith.constant 0 : i32
        %parallel_loop3A_630 = arith.index_cast %parallel_loop3A_628 : i32 to index
        %parallel_loop3A_631 = arith.index_cast %parallel_loop3A_629 : i32 to index
        %parallel_loop3A_632 = arith.index_cast %parallel_loop3A_627 : i32 to index
        %parallel_loop3A_633 = arith.constant 0 : index
        %parallel_loop3A_634 = tpu.vector_load %arg8[%parallel_loop3A_630, %parallel_loop3A_631, %parallel_loop3A_632, %parallel_loop3A_633] {strides = array<i32>} : memref<2x3x160x64xf32, #tpu.memory_space<vmem>>, vector<1x1x1x16xf32>,
        %parallel_loop3A_635 = vector.shape_cast %parallel_loop3A_634 : vector<1x1x1x16xf32> to vector<16xf32>
        %parallel_loop3A_636 = arith.constant 0 : i32
        %parallel_loop3A_637 = arith.constant 1 : i32
        %parallel_loop3A_638 = arith.index_cast %parallel_loop3A_636 : i32 to index
        %parallel_loop3A_639 = arith.index_cast %parallel_loop3A_637 : i32 to index
        %parallel_loop3A_640 = arith.index_cast %parallel_loop3A_627 : i32 to index
        %parallel_loop3A_641 = arith.constant 0 : index
        %parallel_loop3A_642 = tpu.vector_load %arg8[%parallel_loop3A_638, %parallel_loop3A_639, %parallel_loop3A_640, %parallel_loop3A_641] {strides = array<i32>} : memref<2x3x160x64xf32, #tpu.memory_space<vmem>>, vector<1x1x1x16xf32>,
        %parallel_loop3A_643 = vector.shape_cast %parallel_loop3A_642 : vector<1x1x1x16xf32> to vector<16xf32>
        %parallel_loop3A_644 = arith.addf %parallel_loop3A_635, %parallel_loop3A_643 : vector<16xf32>
        %parallel_loop3A_645 = arith.constant 0 : i32
        %parallel_loop3A_646 = arith.constant 2 : i32
        %parallel_loop3A_647 = arith.index_cast %parallel_loop3A_645 : i32 to index
        %parallel_loop3A_648 = arith.index_cast %parallel_loop3A_646 : i32 to index
        %parallel_loop3A_649 = arith.index_cast %parallel_loop3A_627 : i32 to index
        %parallel_loop3A_650 = arith.constant 0 : index
        %parallel_loop3A_651 = tpu.vector_load %arg8[%parallel_loop3A_647, %parallel_loop3A_648, %parallel_loop3A_649, %parallel_loop3A_650] {strides = array<i32>} : memref<2x3x160x64xf32, #tpu.memory_space<vmem>>, vector<1x1x1x16xf32>,
        %parallel_loop3A_652 = vector.shape_cast %parallel_loop3A_651 : vector<1x1x1x16xf32> to vector<16xf32>
        %parallel_loop3A_653 = arith.addf %parallel_loop3A_644, %parallel_loop3A_652 : vector<16xf32>
        %parallel_loop3A_654 = arith.constant 0 : i32
        %parallel_loop3A_655 = arith.index_cast %parallel_loop3A_654 : i32 to index
        %parallel_loop3A_656 = arith.index_cast %parallel_loop3A_627 : i32 to index
        %parallel_loop3A_657 = arith.constant 0 : index
        %parallel_loop3A_658 = tpu.vector_load %arg9[%parallel_loop3A_655, %parallel_loop3A_656, %parallel_loop3A_657] {strides = array<i32>} : memref<2x160x64xf32, #tpu.memory_space<vmem>>, vector<1x1x16xf32>,
        %parallel_loop3A_659 = vector.shape_cast %parallel_loop3A_658 : vector<1x1x16xf32> to vector<16xf32>
        %parallel_loop3A_660 = vector.shape_cast %parallel_loop3A_653 : vector<16xf32> to vector<1x1x16xf32>
        tpu.vector_store %arg9[%parallel_loop3A_655, %parallel_loop3A_656, %parallel_loop3A_657], %parallel_loop3A_660 {strides = array<i32>} : memref<2x160x64xf32, #tpu.memory_space<vmem>>, vector<1x1x16xf32>,
        %parallel_loop3A_661 = arith.constant 0 : i32
        %parallel_loop3A_662 = arith.constant 0 : i32
        %parallel_loop3A_663 = arith.index_cast %parallel_loop3A_661 : i32 to index
        %parallel_loop3A_664 = arith.index_cast %parallel_loop3A_662 : i32 to index
        %parallel_loop3A_665 = arith.index_cast %parallel_loop3A_627 : i32 to index
        %parallel_loop3A_666 = arith.constant 16 : index
        %parallel_loop3A_667 = tpu.vector_load %arg8[%parallel_loop3A_663, %parallel_loop3A_664, %parallel_loop3A_665, %parallel_loop3A_666] {strides = array<i32>} : memref<2x3x160x64xf32, #tpu.memory_space<vmem>>, vector<1x1x1x16xf32>,
        %parallel_loop3A_668 = vector.shape_cast %parallel_loop3A_667 : vector<1x1x1x16xf32> to vector<16xf32>
        %parallel_loop3A_669 = arith.constant 0 : i32
        %parallel_loop3A_670 = arith.constant 1 : i32
        %parallel_loop3A_671 = arith.index_cast %parallel_loop3A_669 : i32 to index
        %parallel_loop3A_672 = arith.index_cast %parallel_loop3A_670 : i32 to index
        %parallel_loop3A_673 = arith.index_cast %parallel_loop3A_627 : i32 to index
        %parallel_loop3A_674 = arith.constant 16 : index
        %parallel_loop3A_675 = tpu.vector_load %arg8[%parallel_loop3A_671, %parallel_loop3A_672, %parallel_loop3A_673, %parallel_loop3A_674] {strides = array<i32>} : memref<2x3x160x64xf32, #tpu.memory_space<vmem>>, vector<1x1x1x16xf32>,
        %parallel_loop3A_676 = vector.shape_cast %parallel_loop3A_675 : vector<1x1x1x16xf32> to vector<16xf32>
        %parallel_loop3A_677 = arith.addf %parallel_loop3A_668, %parallel_loop3A_676 : vector<16xf32>
        %parallel_loop3A_678 = arith.constant 0 : i32
        %parallel_loop3A_679 = arith.constant 2 : i32
        %parallel_loop3A_680 = arith.index_cast %parallel_loop3A_678 : i32 to index
        %parallel_loop3A_681 = arith.index_cast %parallel_loop3A_679 : i32 to index
        %parallel_loop3A_682 = arith.index_cast %parallel_loop3A_627 : i32 to index
        %parallel_loop3A_683 = arith.constant 16 : index
        %parallel_loop3A_684 = tpu.vector_load %arg8[%parallel_loop3A_680, %parallel_loop3A_681, %parallel_loop3A_682, %parallel_loop3A_683] {strides = array<i32>} : memref<2x3x160x64xf32, #tpu.memory_space<vmem>>, vector<1x1x1x16xf32>,
        %parallel_loop3A_685 = vector.shape_cast %parallel_loop3A_684 : vector<1x1x1x16xf32> to vector<16xf32>
        %parallel_loop3A_686 = arith.addf %parallel_loop3A_677, %parallel_loop3A_685 : vector<16xf32>
        %parallel_loop3A_687 = arith.constant 0 : i32
        %parallel_loop3A_688 = arith.index_cast %parallel_loop3A_687 : i32 to index
        %parallel_loop3A_689 = arith.index_cast %parallel_loop3A_627 : i32 to index
        %parallel_loop3A_690 = arith.constant 16 : index
        %parallel_loop3A_691 = tpu.vector_load %arg9[%parallel_loop3A_688, %parallel_loop3A_689, %parallel_loop3A_690] {strides = array<i32>} : memref<2x160x64xf32, #tpu.memory_space<vmem>>, vector<1x1x16xf32>,
        %parallel_loop3A_692 = vector.shape_cast %parallel_loop3A_691 : vector<1x1x16xf32> to vector<16xf32>
        %parallel_loop3A_693 = vector.shape_cast %parallel_loop3A_686 : vector<16xf32> to vector<1x1x16xf32>
        tpu.vector_store %arg9[%parallel_loop3A_688, %parallel_loop3A_689, %parallel_loop3A_690], %parallel_loop3A_693 {strides = array<i32>} : memref<2x160x64xf32, #tpu.memory_space<vmem>>, vector<1x1x16xf32>,
        %parallel_loop3A_694 = arith.constant 0 : i32
        %parallel_loop3A_695 = arith.constant 0 : i32
        %parallel_loop3A_696 = arith.index_cast %parallel_loop3A_694 : i32 to index
        %parallel_loop3A_697 = arith.index_cast %parallel_loop3A_695 : i32 to index
        %parallel_loop3A_698 = arith.index_cast %parallel_loop3A_627 : i32 to index
        %parallel_loop3A_699 = arith.constant 32 : index
        %parallel_loop3A_700 = tpu.vector_load %arg8[%parallel_loop3A_696, %parallel_loop3A_697, %parallel_loop3A_698, %parallel_loop3A_699] {strides = array<i32>} : memref<2x3x160x64xf32, #tpu.memory_space<vmem>>, vector<1x1x1x16xf32>,
        %parallel_loop3A_701 = vector.shape_cast %parallel_loop3A_700 : vector<1x1x1x16xf32> to vector<16xf32>
        %parallel_loop3A_702 = arith.constant 0 : i32
        %parallel_loop3A_703 = arith.constant 1 : i32
        %parallel_loop3A_704 = arith.index_cast %parallel_loop3A_702 : i32 to index
        %parallel_loop3A_705 = arith.index_cast %parallel_loop3A_703 : i32 to index
        %parallel_loop3A_706 = arith.index_cast %parallel_loop3A_627 : i32 to index
        %parallel_loop3A_707 = arith.constant 32 : index
        %parallel_loop3A_708 = tpu.vector_load %arg8[%parallel_loop3A_704, %parallel_loop3A_705, %parallel_loop3A_706, %parallel_loop3A_707] {strides = array<i32>} : memref<2x3x160x64xf32, #tpu.memory_space<vmem>>, vector<1x1x1x16xf32>,
        %parallel_loop3A_709 = vector.shape_cast %parallel_loop3A_708 : vector<1x1x1x16xf32> to vector<16xf32>
        %parallel_loop3A_710 = arith.addf %parallel_loop3A_701, %parallel_loop3A_709 : vector<16xf32>
        %parallel_loop3A_711 = arith.constant 0 : i32
        %parallel_loop3A_712 = arith.constant 2 : i32
        %parallel_loop3A_713 = arith.index_cast %parallel_loop3A_711 : i32 to index
        %parallel_loop3A_714 = arith.index_cast %parallel_loop3A_712 : i32 to index
        %parallel_loop3A_715 = arith.index_cast %parallel_loop3A_627 : i32 to index
        %parallel_loop3A_716 = arith.constant 32 : index
        %parallel_loop3A_717 = tpu.vector_load %arg8[%parallel_loop3A_713, %parallel_loop3A_714, %parallel_loop3A_715, %parallel_loop3A_716] {strides = array<i32>} : memref<2x3x160x64xf32, #tpu.memory_space<vmem>>, vector<1x1x1x16xf32>,
        %parallel_loop3A_718 = vector.shape_cast %parallel_loop3A_717 : vector<1x1x1x16xf32> to vector<16xf32>
        %parallel_loop3A_719 = arith.addf %parallel_loop3A_710, %parallel_loop3A_718 : vector<16xf32>
        %parallel_loop3A_720 = arith.constant 0 : i32
        %parallel_loop3A_721 = arith.index_cast %parallel_loop3A_720 : i32 to index
        %parallel_loop3A_722 = arith.index_cast %parallel_loop3A_627 : i32 to index
        %parallel_loop3A_723 = arith.constant 32 : index
        %parallel_loop3A_724 = tpu.vector_load %arg9[%parallel_loop3A_721, %parallel_loop3A_722, %parallel_loop3A_723] {strides = array<i32>} : memref<2x160x64xf32, #tpu.memory_space<vmem>>, vector<1x1x16xf32>,
        %parallel_loop3A_725 = vector.shape_cast %parallel_loop3A_724 : vector<1x1x16xf32> to vector<16xf32>
        %parallel_loop3A_726 = vector.shape_cast %parallel_loop3A_719 : vector<16xf32> to vector<1x1x16xf32>
        tpu.vector_store %arg9[%parallel_loop3A_721, %parallel_loop3A_722, %parallel_loop3A_723], %parallel_loop3A_726 {strides = array<i32>} : memref<2x160x64xf32, #tpu.memory_space<vmem>>, vector<1x1x16xf32>,
        %parallel_loop3A_727 = arith.constant 0 : i32
        %parallel_loop3A_728 = arith.constant 0 : i32
        %parallel_loop3A_729 = arith.index_cast %parallel_loop3A_727 : i32 to index
        %parallel_loop3A_730 = arith.index_cast %parallel_loop3A_728 : i32 to index
        %parallel_loop3A_731 = arith.index_cast %parallel_loop3A_627 : i32 to index
        %parallel_loop3A_732 = arith.constant 48 : index
        %parallel_loop3A_733 = tpu.vector_load %arg8[%parallel_loop3A_729, %parallel_loop3A_730, %parallel_loop3A_731, %parallel_loop3A_732] {strides = array<i32>} : memref<2x3x160x64xf32, #tpu.memory_space<vmem>>, vector<1x1x1x16xf32>,
        %parallel_loop3A_734 = vector.shape_cast %parallel_loop3A_733 : vector<1x1x1x16xf32> to vector<16xf32>
        %parallel_loop3A_735 = arith.constant 0 : i32
        %parallel_loop3A_736 = arith.constant 1 : i32
        %parallel_loop3A_737 = arith.index_cast %parallel_loop3A_735 : i32 to index
        %parallel_loop3A_738 = arith.index_cast %parallel_loop3A_736 : i32 to index
        %parallel_loop3A_739 = arith.index_cast %parallel_loop3A_627 : i32 to index
        %parallel_loop3A_740 = arith.constant 48 : index
        %parallel_loop3A_741 = tpu.vector_load %arg8[%parallel_loop3A_737, %parallel_loop3A_738, %parallel_loop3A_739, %parallel_loop3A_740] {strides = array<i32>} : memref<2x3x160x64xf32, #tpu.memory_space<vmem>>, vector<1x1x1x16xf32>,
        %parallel_loop3A_742 = vector.shape_cast %parallel_loop3A_741 : vector<1x1x1x16xf32> to vector<16xf32>
        %parallel_loop3A_743 = arith.addf %parallel_loop3A_734, %parallel_loop3A_742 : vector<16xf32>
        %parallel_loop3A_744 = arith.constant 0 : i32
        %parallel_loop3A_745 = arith.constant 2 : i32
        %parallel_loop3A_746 = arith.index_cast %parallel_loop3A_744 : i32 to index
        %parallel_loop3A_747 = arith.index_cast %parallel_loop3A_745 : i32 to index
        %parallel_loop3A_748 = arith.index_cast %parallel_loop3A_627 : i32 to index
        %parallel_loop3A_749 = arith.constant 48 : index
        %parallel_loop3A_750 = tpu.vector_load %arg8[%parallel_loop3A_746, %parallel_loop3A_747, %parallel_loop3A_748, %parallel_loop3A_749] {strides = array<i32>} : memref<2x3x160x64xf32, #tpu.memory_space<vmem>>, vector<1x1x1x16xf32>,
        %parallel_loop3A_751 = vector.shape_cast %parallel_loop3A_750 : vector<1x1x1x16xf32> to vector<16xf32>
        %parallel_loop3A_752 = arith.addf %parallel_loop3A_743, %parallel_loop3A_751 : vector<16xf32>
        %parallel_loop3A_753 = arith.constant 0 : i32
        %parallel_loop3A_754 = arith.index_cast %parallel_loop3A_753 : i32 to index
        %parallel_loop3A_755 = arith.index_cast %parallel_loop3A_627 : i32 to index
        %parallel_loop3A_756 = arith.constant 48 : index
        %parallel_loop3A_757 = tpu.vector_load %arg9[%parallel_loop3A_754, %parallel_loop3A_755, %parallel_loop3A_756] {strides = array<i32>} : memref<2x160x64xf32, #tpu.memory_space<vmem>>, vector<1x1x16xf32>,
        %parallel_loop3A_758 = vector.shape_cast %parallel_loop3A_757 : vector<1x1x16xf32> to vector<16xf32>
        %parallel_loop3A_759 = vector.shape_cast %parallel_loop3A_752 : vector<16xf32> to vector<1x1x16xf32>
        tpu.vector_store %arg9[%parallel_loop3A_754, %parallel_loop3A_755, %parallel_loop3A_756], %parallel_loop3A_759 {strides = array<i32>} : memref<2x160x64xf32, #tpu.memory_space<vmem>>, vector<1x1x16xf32>,
      } {sc.loop_unroll_factor = 4 : i64, sc.parallel_access}
      %mul3A_338 = arith.constant 160 : i32
      %mul3A_339 = arith.muli %add3A_273, %mul3A_338 : i32
      %add3A_340 = arith.addi %mul3A_2, %mul3A_339 : i32
      %dma_start3A_341 = arith.constant 0 : i32
      %dma_start3A_342 = arith.constant 0 : i32
      %dma_start3A_343 = arith.constant 0 : i32
      %dma_start3A_344 = arith.constant 0 : i32
      %dma_start3A_345 = tpu.memref_slice %arg9[%dma_start3A_341, %dma_start3A_343, %dma_start3A_344] : memref<2x160x64xf32, #tpu.memory_space<vmem>> -> memref<1x160x64xf32, #tpu.memory_space<vmem>>
      %dma_start3A_346 = tpu.memref_squeeze %dma_start3A_345 : memref<1x160x64xf32, #tpu.memory_space<vmem>> -> memref<160x64xf32, #tpu.memory_space<vmem>>
      %dma_start3A_347 = arith.constant 0 : i32
      %dma_start3A_348 = tpu.memref_slice %arg6[%add3A_340, %dma_start3A_347] : memref<819200x64xf32, #tpu.memory_space<hbm>> -> memref<160x64xf32, #tpu.memory_space<hbm>>
      %dma_start3A_349 = tpu.memref_slice %arg12[%dma_start3A_342] : memref<2x!tpu.dma_semaphore, #tpu.memory_space<semaphore_mem>> -> memref<1x!tpu.dma_semaphore, #tpu.memory_space<semaphore_mem>>
      %dma_start3A_350 = tpu.memref_squeeze %dma_start3A_349 : memref<1x!tpu.dma_semaphore, #tpu.memory_space<semaphore_mem>> -> memref<!tpu.dma_semaphore, #tpu.memory_space<semaphore_mem>>
      %dma_start3A_351 = arith.constant 0 : i32
      %dma_start3A_352 = tpu.memref_slice %arg6[%add3A_340, %dma_start3A_351] : memref<819200x64xf32, #tpu.memory_space<hbm>> -> memref<160x64xf32, #tpu.memory_space<hbm>>
      %dma_start3A_353 = arith.constant 0 : i32
      %dma_start3A_354 = arith.constant 0 : i32
      %dma_start3A_355 = tpu.memref_slice %arg9[%dma_start3A_341, %dma_start3A_353, %dma_start3A_354] : memref<2x160x64xf32, #tpu.memory_space<vmem>> -> memref<1x160x64xf32, #tpu.memory_space<vmem>>
      %dma_start3A_356 = tpu.memref_squeeze %dma_start3A_355 : memref<1x160x64xf32, #tpu.memory_space<vmem>> -> memref<160x64xf32, #tpu.memory_space<vmem>>
      tpu.enqueue_dma source(%dma_start3A_356 : memref<160x64xf32, #tpu.memory_space<vmem>>) target(%dma_start3A_352 : memref<160x64xf32, #tpu.memory_space<hbm>>) target_semaphore(%dma_start3A_350 : memref<!tpu.dma_semaphore, #tpu.memory_space<semaphore_mem>>)
      %add3A_357 = arith.constant 1 : i32
      %add3A_358 = arith.addi %mul3A_271, %add3A_357 : i32
      %lt3A_359 = arith.constant 157 : i32
      %lt3A_360 = arith.cmpi slt, %add3A_358, %lt3A_359 : i32
      %convert_element_type3A_361 = arith.extui %lt3A_360 : i1 to i32
      %cond3A_362 = arith.constant 0 : i32
      %cond3A_363 = arith.cmpi ne, %convert_element_type3A_361, %cond3A_362 : i32
      scf.if %cond3A_363 {
        %add3A_627 = arith.constant 3 : i32
        %add3A_628 = arith.addi %add3A_358, %add3A_627 : i32
        %mul3A_629 = arith.constant 160 : i32
        %mul3A_630 = arith.muli %add3A_628, %mul3A_629 : i32
        %add3A_631 = arith.addi %mul3A_2, %mul3A_630 : i32
        %add3A_632 = arith.constant 0 : i32
        %add3A_633 = arith.addi %add3A_632, %add3A_631 : i32
        %dma_start3A_634 = arith.constant 0 : i32
        %dma_start3A_635 = arith.constant 0 : i32
        %dma_start3A_636 = arith.constant 0 : i32
        %dma_start3A_637 = arith.constant 0 : i32
        %dma_start3A_638 = tpu.memref_slice %arg7[%dma_start3A_634, %dma_start3A_635, %dma_start3A_637] : memref<4x3x160xi32, #tpu.memory_space<vmem>> -> memref<1x1x160xi32, #tpu.memory_space<vmem>>
        %dma_start3A_639 = tpu.memref_squeeze %dma_start3A_638 : memref<1x1x160xi32, #tpu.memory_space<vmem>> -> memref<160xi32, #tpu.memory_space<vmem>>
        %dma_start3A_640 = tpu.memref_slice %arg2[%add3A_633] : memref<2457600xi32, #tpu.memory_space<hbm>> -> memref<160xi32, #tpu.memory_space<hbm>>
        %dma_start3A_641 = tpu.memref_slice %arg10[%dma_start3A_636] : memref<4x!tpu.dma_semaphore, #tpu.memory_space<semaphore_mem>> -> memref<1x!tpu.dma_semaphore, #tpu.memory_space<semaphore_mem>>
        %dma_start3A_642 = tpu.memref_squeeze %dma_start3A_641 : memref<1x!tpu.dma_semaphore, #tpu.memory_space<semaphore_mem>> -> memref<!tpu.dma_semaphore, #tpu.memory_space<semaphore_mem>>
        %dma_start3A_643 = arith.constant 0 : i32
        %dma_start3A_644 = tpu.memref_slice %arg7[%dma_start3A_634, %dma_start3A_635, %dma_start3A_643] : memref<4x3x160xi32, #tpu.memory_space<vmem>> -> memref<1x1x160xi32, #tpu.memory_space<vmem>>
        %dma_start3A_645 = tpu.memref_squeeze %dma_start3A_644 : memref<1x1x160xi32, #tpu.memory_space<vmem>> -> memref<160xi32, #tpu.memory_space<vmem>>
        %dma_start3A_646 = tpu.memref_slice %arg2[%add3A_633] : memref<2457600xi32, #tpu.memory_space<hbm>> -> memref<160xi32, #tpu.memory_space<hbm>>
        tpu.enqueue_dma source(%dma_start3A_646 : memref<160xi32, #tpu.memory_space<hbm>>) target(%dma_start3A_645 : memref<160xi32, #tpu.memory_space<vmem>>) target_semaphore(%dma_start3A_642 : memref<!tpu.dma_semaphore, #tpu.memory_space<semaphore_mem>>)
        %add3A_647 = arith.constant 819200 : i32
        %add3A_648 = arith.addi %add3A_647, %add3A_631 : i32
        %dma_start3A_649 = arith.constant 0 : i32
        %dma_start3A_650 = arith.constant 1 : i32
        %dma_start3A_651 = arith.constant 0 : i32
        %dma_start3A_652 = arith.constant 0 : i32
        %dma_start3A_653 = tpu.memref_slice %arg7[%dma_start3A_649, %dma_start3A_650, %dma_start3A_652] : memref<4x3x160xi32, #tpu.memory_space<vmem>> -> memref<1x1x160xi32, #tpu.memory_space<vmem>>
        %dma_start3A_654 = tpu.memref_squeeze %dma_start3A_653 : memref<1x1x160xi32, #tpu.memory_space<vmem>> -> memref<160xi32, #tpu.memory_space<vmem>>
        %dma_start3A_655 = tpu.memref_slice %arg2[%add3A_648] : memref<2457600xi32, #tpu.memory_space<hbm>> -> memref<160xi32, #tpu.memory_space<hbm>>
        %dma_start3A_656 = tpu.memref_slice %arg10[%dma_start3A_651] : memref<4x!tpu.dma_semaphore, #tpu.memory_space<semaphore_mem>> -> memref<1x!tpu.dma_semaphore, #tpu.memory_space<semaphore_mem>>
        %dma_start3A_657 = tpu.memref_squeeze %dma_start3A_656 : memref<1x!tpu.dma_semaphore, #tpu.memory_space<semaphore_mem>> -> memref<!tpu.dma_semaphore, #tpu.memory_space<semaphore_mem>>
        %dma_start3A_658 = arith.constant 0 : i32
        %dma_start3A_659 = tpu.memref_slice %arg7[%dma_start3A_649, %dma_start3A_650, %dma_start3A_658] : memref<4x3x160xi32, #tpu.memory_space<vmem>> -> memref<1x1x160xi32, #tpu.memory_space<vmem>>
        %dma_start3A_660 = tpu.memref_squeeze %dma_start3A_659 : memref<1x1x160xi32, #tpu.memory_space<vmem>> -> memref<160xi32, #tpu.memory_space<vmem>>
        %dma_start3A_661 = tpu.memref_slice %arg2[%add3A_648] : memref<2457600xi32, #tpu.memory_space<hbm>> -> memref<160xi32, #tpu.memory_space<hbm>>
        tpu.enqueue_dma source(%dma_start3A_661 : memref<160xi32, #tpu.memory_space<hbm>>) target(%dma_start3A_660 : memref<160xi32, #tpu.memory_space<vmem>>) target_semaphore(%dma_start3A_657 : memref<!tpu.dma_semaphore, #tpu.memory_space<semaphore_mem>>)
        %add3A_662 = arith.constant 1638400 : i32
        %add3A_663 = arith.addi %add3A_662, %add3A_631 : i32
        %dma_start3A_664 = arith.constant 0 : i32
        %dma_start3A_665 = arith.constant 2 : i32
        %dma_start3A_666 = arith.constant 0 : i32
        %dma_start3A_667 = arith.constant 0 : i32
        %dma_start3A_668 = tpu.memref_slice %arg7[%dma_start3A_664, %dma_start3A_665, %dma_start3A_667] : memref<4x3x160xi32, #tpu.memory_space<vmem>> -> memref<1x1x160xi32, #tpu.memory_space<vmem>>
        %dma_start3A_669 = tpu.memref_squeeze %dma_start3A_668 : memref<1x1x160xi32, #tpu.memory_space<vmem>> -> memref<160xi32, #tpu.memory_space<vmem>>
        %dma_start3A_670 = tpu.memref_slice %arg2[%add3A_663] : memref<2457600xi32, #tpu.memory_space<hbm>> -> memref<160xi32, #tpu.memory_space<hbm>>
        %dma_start3A_671 = tpu.memref_slice %arg10[%dma_start3A_666] : memref<4x!tpu.dma_semaphore, #tpu.memory_space<semaphore_mem>> -> memref<1x!tpu.dma_semaphore, #tpu.memory_space<semaphore_mem>>
        %dma_start3A_672 = tpu.memref_squeeze %dma_start3A_671 : memref<1x!tpu.dma_semaphore, #tpu.memory_space<semaphore_mem>> -> memref<!tpu.dma_semaphore, #tpu.memory_space<semaphore_mem>>
        %dma_start3A_673 = arith.constant 0 : i32
        %dma_start3A_674 = tpu.memref_slice %arg7[%dma_start3A_664, %dma_start3A_665, %dma_start3A_673] : memref<4x3x160xi32, #tpu.memory_space<vmem>> -> memref<1x1x160xi32, #tpu.memory_space<vmem>>
        %dma_start3A_675 = tpu.memref_squeeze %dma_start3A_674 : memref<1x1x160xi32, #tpu.memory_space<vmem>> -> memref<160xi32, #tpu.memory_space<vmem>>
        %dma_start3A_676 = tpu.memref_slice %arg2[%add3A_663] : memref<2457600xi32, #tpu.memory_space<hbm>> -> memref<160xi32, #tpu.memory_space<hbm>>
        tpu.enqueue_dma source(%dma_start3A_676 : memref<160xi32, #tpu.memory_space<hbm>>) target(%dma_start3A_675 : memref<160xi32, #tpu.memory_space<vmem>>) target_semaphore(%dma_start3A_672 : memref<!tpu.dma_semaphore, #tpu.memory_space<semaphore_mem>>)
      } else {
      }
      %lt3A_364 = arith.constant 159 : i32
      %lt3A_365 = arith.cmpi slt, %add3A_358, %lt3A_364 : i32
      %convert_element_type3A_366 = arith.extui %lt3A_365 : i1 to i32
      %cond3A_367 = arith.constant 0 : i32
      %cond3A_368 = arith.cmpi ne, %convert_element_type3A_366, %cond3A_367 : i32
      scf.if %cond3A_368 {
        %dma_wait3A_627 = arith.constant 2 : i32
        %dma_wait3A_628 = arith.constant 0 : i32
        %dma_wait3A_629 = arith.constant 2 : i32
        %dma_wait3A_630 = arith.constant 0 : i32
        %dma_wait3A_631 = tpu.memref_slice %arg7[%dma_wait3A_627, %dma_wait3A_628, %dma_wait3A_630] : memref<4x3x160xi32, #tpu.memory_space<vmem>> -> memref<1x1x160xi32, #tpu.memory_space<vmem>>
        %dma_wait3A_632 = tpu.memref_squeeze %dma_wait3A_631 : memref<1x1x160xi32, #tpu.memory_space<vmem>> -> memref<160xi32, #tpu.memory_space<vmem>>
        %dma_wait3A_633 = tpu.memref_slice %arg2[%mul3A_2] : memref<2457600xi32, #tpu.memory_space<hbm>> -> memref<160xi32, #tpu.memory_space<hbm>>
        %dma_wait3A_634 = tpu.memref_slice %arg10[%dma_wait3A_629] : memref<4x!tpu.dma_semaphore, #tpu.memory_space<semaphore_mem>> -> memref<1x!tpu.dma_semaphore, #tpu.memory_space<semaphore_mem>>
        %dma_wait3A_635 = tpu.memref_squeeze %dma_wait3A_634 : memref<1x!tpu.dma_semaphore, #tpu.memory_space<semaphore_mem>> -> memref<!tpu.dma_semaphore, #tpu.memory_space<semaphore_mem>>
        %dma_wait3A_636 = arith.constant 0 : i32
        %dma_wait3A_637 = tpu.memref_slice %arg7[%dma_wait3A_627, %dma_wait3A_628, %dma_wait3A_636] : memref<4x3x160xi32, #tpu.memory_space<vmem>> -> memref<1x1x160xi32, #tpu.memory_space<vmem>>
        %dma_wait3A_638 = tpu.memref_squeeze %dma_wait3A_637 : memref<1x1x160xi32, #tpu.memory_space<vmem>> -> memref<160xi32, #tpu.memory_space<vmem>>
        %dma_wait3A_639 = tpu.memref_slice %arg2[%mul3A_2] : memref<2457600xi32, #tpu.memory_space<hbm>> -> memref<160xi32, #tpu.memory_space<hbm>>
        tpu.wait_dma2 semaphore(%dma_wait3A_635 : memref<!tpu.dma_semaphore, #tpu.memory_space<semaphore_mem>>) src(%dma_wait3A_639 : memref<160xi32, #tpu.memory_space<hbm>>) dst(%dma_wait3A_638 : memref<160xi32, #tpu.memory_space<vmem>>)
        %dma_wait3A_640 = arith.constant 2 : i32
        %dma_wait3A_641 = arith.constant 1 : i32
        %dma_wait3A_642 = arith.constant 2 : i32
        %dma_wait3A_643 = arith.constant 0 : i32
        %dma_wait3A_644 = tpu.memref_slice %arg7[%dma_wait3A_640, %dma_wait3A_641, %dma_wait3A_643] : memref<4x3x160xi32, #tpu.memory_space<vmem>> -> memref<1x1x160xi32, #tpu.memory_space<vmem>>
        %dma_wait3A_645 = tpu.memref_squeeze %dma_wait3A_644 : memref<1x1x160xi32, #tpu.memory_space<vmem>> -> memref<160xi32, #tpu.memory_space<vmem>>
        %dma_wait3A_646 = tpu.memref_slice %arg2[%mul3A_2] : memref<2457600xi32, #tpu.memory_space<hbm>> -> memref<160xi32, #tpu.memory_space<hbm>>
        %dma_wait3A_647 = tpu.memref_slice %arg10[%dma_wait3A_642] : memref<4x!tpu.dma_semaphore, #tpu.memory_space<semaphore_mem>> -> memref<1x!tpu.dma_semaphore, #tpu.memory_space<semaphore_mem>>
        %dma_wait3A_648 = tpu.memref_squeeze %dma_wait3A_647 : memref<1x!tpu.dma_semaphore, #tpu.memory_space<semaphore_mem>> -> memref<!tpu.dma_semaphore, #tpu.memory_space<semaphore_mem>>
        %dma_wait3A_649 = arith.constant 0 : i32
        %dma_wait3A_650 = tpu.memref_slice %arg7[%dma_wait3A_640, %dma_wait3A_641, %dma_wait3A_649] : memref<4x3x160xi32, #tpu.memory_space<vmem>> -> memref<1x1x160xi32, #tpu.memory_space<vmem>>
        %dma_wait3A_651 = tpu.memref_squeeze %dma_wait3A_650 : memref<1x1x160xi32, #tpu.memory_space<vmem>> -> memref<160xi32, #tpu.memory_space<vmem>>
        %dma_wait3A_652 = tpu.memref_slice %arg2[%mul3A_2] : memref<2457600xi32, #tpu.memory_space<hbm>> -> memref<160xi32, #tpu.memory_space<hbm>>
        tpu.wait_dma2 semaphore(%dma_wait3A_648 : memref<!tpu.dma_semaphore, #tpu.memory_space<semaphore_mem>>) src(%dma_wait3A_652 : memref<160xi32, #tpu.memory_space<hbm>>) dst(%dma_wait3A_651 : memref<160xi32, #tpu.memory_space<vmem>>)
        %dma_wait3A_653 = arith.constant 2 : i32
        %dma_wait3A_654 = arith.constant 2 : i32
        %dma_wait3A_655 = arith.constant 2 : i32
        %dma_wait3A_656 = arith.constant 0 : i32
        %dma_wait3A_657 = tpu.memref_slice %arg7[%dma_wait3A_653, %dma_wait3A_654, %dma_wait3A_656] : memref<4x3x160xi32, #tpu.memory_space<vmem>> -> memref<1x1x160xi32, #tpu.memory_space<vmem>>
        %dma_wait3A_658 = tpu.memref_squeeze %dma_wait3A_657 : memref<1x1x160xi32, #tpu.memory_space<vmem>> -> memref<160xi32, #tpu.memory_space<vmem>>
        %dma_wait3A_659 = tpu.memref_slice %arg2[%mul3A_2] : memref<2457600xi32, #tpu.memory_space<hbm>> -> memref<160xi32, #tpu.memory_space<hbm>>
        %dma_wait3A_660 = tpu.memref_slice %arg10[%dma_wait3A_655] : memref<4x!tpu.dma_semaphore, #tpu.memory_space<semaphore_mem>> -> memref<1x!tpu.dma_semaphore, #tpu.memory_space<semaphore_mem>>
        %dma_wait3A_661 = tpu.memref_squeeze %dma_wait3A_660 : memref<1x!tpu.dma_semaphore, #tpu.memory_space<semaphore_mem>> -> memref<!tpu.dma_semaphore, #tpu.memory_space<semaphore_mem>>
        %dma_wait3A_662 = arith.constant 0 : i32
        %dma_wait3A_663 = tpu.memref_slice %arg7[%dma_wait3A_653, %dma_wait3A_654, %dma_wait3A_662] : memref<4x3x160xi32, #tpu.memory_space<vmem>> -> memref<1x1x160xi32, #tpu.memory_space<vmem>>
        %dma_wait3A_664 = tpu.memref_squeeze %dma_wait3A_663 : memref<1x1x160xi32, #tpu.memory_space<vmem>> -> memref<160xi32, #tpu.memory_space<vmem>>
        %dma_wait3A_665 = tpu.memref_slice %arg2[%mul3A_2] : memref<2457600xi32, #tpu.memory_space<hbm>> -> memref<160xi32, #tpu.memory_space<hbm>>
        tpu.wait_dma2 semaphore(%dma_wait3A_661 : memref<!tpu.dma_semaphore, #tpu.memory_space<semaphore_mem>>) src(%dma_wait3A_665 : memref<160xi32, #tpu.memory_space<hbm>>) dst(%dma_wait3A_664 : memref<160xi32, #tpu.memory_space<vmem>>)
        %dma_start3A_666 = arith.constant 2 : i32
        %dma_start3A_667 = arith.constant 0 : i32
        %dma_start3A_668 = arith.constant 0 : i32
        %dma_start3A_669 = arith.constant 0 : i32
        %dma_start3A_670 = arith.constant 0 : i32
        %dma_start3A_671 = arith.constant 0 : i32
        %dma_start3A_672 = arith.constant 0 : i32
        %dma_start3A_673 = tpu.memref_slice %arg8[%dma_start3A_668, %dma_start3A_669, %dma_start3A_671, %dma_start3A_672] : memref<2x3x160x64xf32, #tpu.memory_space<vmem>> -> memref<1x1x160x64xf32, #tpu.memory_space<vmem>>
        %dma_start3A_674 = tpu.memref_squeeze %dma_start3A_673 : memref<1x1x160x64xf32, #tpu.memory_space<vmem>> -> memref<160x64xf32, #tpu.memory_space<vmem>>
        %dma_start3A_675 = arith.constant 0 : i32
        %dma_start3A_676 = tpu.memref_slice %arg7[%dma_start3A_666, %dma_start3A_667, %dma_start3A_675] : memref<4x3x160xi32, #tpu.memory_space<vmem>> -> memref<1x1x160xi32, #tpu.memory_space<vmem>>
        %dma_start3A_677 = tpu.memref_squeeze %dma_start3A_676 : memref<1x1x160xi32, #tpu.memory_space<vmem>> -> memref<160xi32, #tpu.memory_space<vmem>>
        %dma_start3A_678 = arith.constant 0 : i32
        %dma_start3A_679 = arith.constant 0 : i32
        %dma_start3A_680 = tpu.memref_slice %arg3[%dma_start3A_678, %dma_start3A_679] : memref<100000x64xf32, #tpu.memory_space<hbm>> -> memref<100000x64xf32, #tpu.memory_space<hbm>>
        %dma_start3A_681 = tpu.memref_slice %arg11[%dma_start3A_670] : memref<2x!tpu.dma_semaphore, #tpu.memory_space<semaphore_mem>> -> memref<1x!tpu.dma_semaphore, #tpu.memory_space<semaphore_mem>>
        %dma_start3A_682 = tpu.memref_squeeze %dma_start3A_681 : memref<1x!tpu.dma_semaphore, #tpu.memory_space<semaphore_mem>> -> memref<!tpu.dma_semaphore, #tpu.memory_space<semaphore_mem>>
        tpu.enqueue_indirect_dma source(%dma_start3A_680 : memref<100000x64xf32, #tpu.memory_space<hbm>>) target(%dma_start3A_674 : memref<160x64xf32, #tpu.memory_space<vmem>>) offsets(%dma_start3A_677 : memref<160xi32, #tpu.memory_space<vmem>>) semaphore(%dma_start3A_682 : memref<!tpu.dma_semaphore, #tpu.memory_space<semaphore_mem>>)
        %dma_start3A_683 = arith.constant 2 : i32
        %dma_start3A_684 = arith.constant 1 : i32
        %dma_start3A_685 = arith.constant 0 : i32
        %dma_start3A_686 = arith.constant 1 : i32
        %dma_start3A_687 = arith.constant 0 : i32
        %dma_start3A_688 = arith.constant 0 : i32
        %dma_start3A_689 = arith.constant 0 : i32
        %dma_start3A_690 = tpu.memref_slice %arg8[%dma_start3A_685, %dma_start3A_686, %dma_start3A_688, %dma_start3A_689] : memref<2x3x160x64xf32, #tpu.memory_space<vmem>> -> memref<1x1x160x64xf32, #tpu.memory_space<vmem>>
        %dma_start3A_691 = tpu.memref_squeeze %dma_start3A_690 : memref<1x1x160x64xf32, #tpu.memory_space<vmem>> -> memref<160x64xf32, #tpu.memory_space<vmem>>
        %dma_start3A_692 = arith.constant 0 : i32
        %dma_start3A_693 = tpu.memref_slice %arg7[%dma_start3A_683, %dma_start3A_684, %dma_start3A_692] : memref<4x3x160xi32, #tpu.memory_space<vmem>> -> memref<1x1x160xi32, #tpu.memory_space<vmem>>
        %dma_start3A_694 = tpu.memref_squeeze %dma_start3A_693 : memref<1x1x160xi32, #tpu.memory_space<vmem>> -> memref<160xi32, #tpu.memory_space<vmem>>
        %dma_start3A_695 = arith.constant 0 : i32
        %dma_start3A_696 = arith.constant 0 : i32
        %dma_start3A_697 = tpu.memref_slice %arg4[%dma_start3A_695, %dma_start3A_696] : memref<100000x64xf32, #tpu.memory_space<hbm>> -> memref<100000x64xf32, #tpu.memory_space<hbm>>
        %dma_start3A_698 = tpu.memref_slice %arg11[%dma_start3A_687] : memref<2x!tpu.dma_semaphore, #tpu.memory_space<semaphore_mem>> -> memref<1x!tpu.dma_semaphore, #tpu.memory_space<semaphore_mem>>
        %dma_start3A_699 = tpu.memref_squeeze %dma_start3A_698 : memref<1x!tpu.dma_semaphore, #tpu.memory_space<semaphore_mem>> -> memref<!tpu.dma_semaphore, #tpu.memory_space<semaphore_mem>>
        tpu.enqueue_indirect_dma source(%dma_start3A_697 : memref<100000x64xf32, #tpu.memory_space<hbm>>) target(%dma_start3A_691 : memref<160x64xf32, #tpu.memory_space<vmem>>) offsets(%dma_start3A_694 : memref<160xi32, #tpu.memory_space<vmem>>) semaphore(%dma_start3A_699 : memref<!tpu.dma_semaphore, #tpu.memory_space<semaphore_mem>>)
        %dma_start3A_700 = arith.constant 2 : i32
        %dma_start3A_701 = arith.constant 2 : i32
        %dma_start3A_702 = arith.constant 0 : i32
        %dma_start3A_703 = arith.constant 2 : i32
        %dma_start3A_704 = arith.constant 0 : i32
        %dma_start3A_705 = arith.constant 0 : i32
        %dma_start3A_706 = arith.constant 0 : i32
        %dma_start3A_707 = tpu.memref_slice %arg8[%dma_start3A_702, %dma_start3A_703, %dma_start3A_705, %dma_start3A_706] : memref<2x3x160x64xf32, #tpu.memory_space<vmem>> -> memref<1x1x160x64xf32, #tpu.memory_space<vmem>>
        %dma_start3A_708 = tpu.memref_squeeze %dma_start3A_707 : memref<1x1x160x64xf32, #tpu.memory_space<vmem>> -> memref<160x64xf32, #tpu.memory_space<vmem>>
        %dma_start3A_709 = arith.constant 0 : i32
        %dma_start3A_710 = tpu.memref_slice %arg7[%dma_start3A_700, %dma_start3A_701, %dma_start3A_709] : memref<4x3x160xi32, #tpu.memory_space<vmem>> -> memref<1x1x160xi32, #tpu.memory_space<vmem>>
        %dma_start3A_711 = tpu.memref_squeeze %dma_start3A_710 : memref<1x1x160xi32, #tpu.memory_space<vmem>> -> memref<160xi32, #tpu.memory_space<vmem>>
        %dma_start3A_712 = arith.constant 0 : i32
        %dma_start3A_713 = arith.constant 0 : i32
        %dma_start3A_714 = tpu.memref_slice %arg5[%dma_start3A_712, %dma_start3A_713] : memref<100000x64xf32, #tpu.memory_space<hbm>> -> memref<100000x64xf32, #tpu.memory_space<hbm>>
        %dma_start3A_715 = tpu.memref_slice %arg11[%dma_start3A_704] : memref<2x!tpu.dma_semaphore, #tpu.memory_space<semaphore_mem>> -> memref<1x!tpu.dma_semaphore, #tpu.memory_space<semaphore_mem>>
        %dma_start3A_716 = tpu.memref_squeeze %dma_start3A_715 : memref<1x!tpu.dma_semaphore, #tpu.memory_space<semaphore_mem>> -> memref<!tpu.dma_semaphore, #tpu.memory_space<semaphore_mem>>
        tpu.enqueue_indirect_dma source(%dma_start3A_714 : memref<100000x64xf32, #tpu.memory_space<hbm>>) target(%dma_start3A_708 : memref<160x64xf32, #tpu.memory_space<vmem>>) offsets(%dma_start3A_711 : memref<160xi32, #tpu.memory_space<vmem>>) semaphore(%dma_start3A_716 : memref<!tpu.dma_semaphore, #tpu.memory_space<semaphore_mem>>)
      } else {
      }
      %dma_wait3A_369 = arith.constant 1 : i32
      %dma_wait3A_370 = arith.constant 0 : i32
      %dma_wait3A_371 = arith.constant 1 : i32
      %dma_wait3A_372 = arith.constant 0 : i32
      %dma_wait3A_373 = arith.constant 1 : i32
      %dma_wait3A_374 = arith.constant 0 : i32
      %dma_wait3A_375 = arith.constant 0 : i32
      %dma_wait3A_376 = tpu.memref_slice %arg8[%dma_wait3A_371, %dma_wait3A_372, %dma_wait3A_374, %dma_wait3A_375] : memref<2x3x160x64xf32, #tpu.memory_space<vmem>> -> memref<1x1x160x64xf32, #tpu.memory_space<vmem>>
      %dma_wait3A_377 = tpu.memref_squeeze %dma_wait3A_376 : memref<1x1x160x64xf32, #tpu.memory_space<vmem>> -> memref<160x64xf32, #tpu.memory_space<vmem>>
      %dma_wait3A_378 = arith.constant 0 : i32
      %dma_wait3A_379 = tpu.memref_slice %arg7[%dma_wait3A_369, %dma_wait3A_370, %dma_wait3A_378] : memref<4x3x160xi32, #tpu.memory_space<vmem>> -> memref<1x1x160xi32, #tpu.memory_space<vmem>>
      %dma_wait3A_380 = tpu.memref_squeeze %dma_wait3A_379 : memref<1x1x160xi32, #tpu.memory_space<vmem>> -> memref<160xi32, #tpu.memory_space<vmem>>
      %dma_wait3A_381 = arith.constant 0 : i32
      %dma_wait3A_382 = arith.constant 0 : i32
      %dma_wait3A_383 = tpu.memref_slice %arg3[%dma_wait3A_381, %dma_wait3A_382] : memref<100000x64xf32, #tpu.memory_space<hbm>> -> memref<100000x64xf32, #tpu.memory_space<hbm>>
      %dma_wait3A_384 = tpu.memref_slice %arg11[%dma_wait3A_373] : memref<2x!tpu.dma_semaphore, #tpu.memory_space<semaphore_mem>> -> memref<1x!tpu.dma_semaphore, #tpu.memory_space<semaphore_mem>>
      %dma_wait3A_385 = tpu.memref_squeeze %dma_wait3A_384 : memref<1x!tpu.dma_semaphore, #tpu.memory_space<semaphore_mem>> -> memref<!tpu.dma_semaphore, #tpu.memory_space<semaphore_mem>>
      tpu.wait_indirect_dma semaphore(%dma_wait3A_385 : memref<!tpu.dma_semaphore, #tpu.memory_space<semaphore_mem>>) src(%dma_wait3A_383 : memref<100000x64xf32, #tpu.memory_space<hbm>>) dst(%dma_wait3A_377 : memref<160x64xf32, #tpu.memory_space<vmem>>)
      %dma_wait3A_386 = arith.constant 1 : i32
      %dma_wait3A_387 = arith.constant 1 : i32
      %dma_wait3A_388 = arith.constant 1 : i32
      %dma_wait3A_389 = arith.constant 1 : i32
      %dma_wait3A_390 = arith.constant 1 : i32
      %dma_wait3A_391 = arith.constant 0 : i32
      %dma_wait3A_392 = arith.constant 0 : i32
      %dma_wait3A_393 = tpu.memref_slice %arg8[%dma_wait3A_388, %dma_wait3A_389, %dma_wait3A_391, %dma_wait3A_392] : memref<2x3x160x64xf32, #tpu.memory_space<vmem>> -> memref<1x1x160x64xf32, #tpu.memory_space<vmem>>
      %dma_wait3A_394 = tpu.memref_squeeze %dma_wait3A_393 : memref<1x1x160x64xf32, #tpu.memory_space<vmem>> -> memref<160x64xf32, #tpu.memory_space<vmem>>
      %dma_wait3A_395 = arith.constant 0 : i32
      %dma_wait3A_396 = tpu.memref_slice %arg7[%dma_wait3A_386, %dma_wait3A_387, %dma_wait3A_395] : memref<4x3x160xi32, #tpu.memory_space<vmem>> -> memref<1x1x160xi32, #tpu.memory_space<vmem>>
      %dma_wait3A_397 = tpu.memref_squeeze %dma_wait3A_396 : memref<1x1x160xi32, #tpu.memory_space<vmem>> -> memref<160xi32, #tpu.memory_space<vmem>>
      %dma_wait3A_398 = arith.constant 0 : i32
      %dma_wait3A_399 = arith.constant 0 : i32
      %dma_wait3A_400 = tpu.memref_slice %arg4[%dma_wait3A_398, %dma_wait3A_399] : memref<100000x64xf32, #tpu.memory_space<hbm>> -> memref<100000x64xf32, #tpu.memory_space<hbm>>
      %dma_wait3A_401 = tpu.memref_slice %arg11[%dma_wait3A_390] : memref<2x!tpu.dma_semaphore, #tpu.memory_space<semaphore_mem>> -> memref<1x!tpu.dma_semaphore, #tpu.memory_space<semaphore_mem>>
      %dma_wait3A_402 = tpu.memref_squeeze %dma_wait3A_401 : memref<1x!tpu.dma_semaphore, #tpu.memory_space<semaphore_mem>> -> memref<!tpu.dma_semaphore, #tpu.memory_space<semaphore_mem>>
      tpu.wait_indirect_dma semaphore(%dma_wait3A_402 : memref<!tpu.dma_semaphore, #tpu.memory_space<semaphore_mem>>) src(%dma_wait3A_400 : memref<100000x64xf32, #tpu.memory_space<hbm>>) dst(%dma_wait3A_394 : memref<160x64xf32, #tpu.memory_space<vmem>>)
      %dma_wait3A_403 = arith.constant 1 : i32
      %dma_wait3A_404 = arith.constant 2 : i32
      %dma_wait3A_405 = arith.constant 1 : i32
      %dma_wait3A_406 = arith.constant 2 : i32
      %dma_wait3A_407 = arith.constant 1 : i32
      %dma_wait3A_408 = arith.constant 0 : i32
      %dma_wait3A_409 = arith.constant 0 : i32
      %dma_wait3A_410 = tpu.memref_slice %arg8[%dma_wait3A_405, %dma_wait3A_406, %dma_wait3A_408, %dma_wait3A_409] : memref<2x3x160x64xf32, #tpu.memory_space<vmem>> -> memref<1x1x160x64xf32, #tpu.memory_space<vmem>>
      %dma_wait3A_411 = tpu.memref_squeeze %dma_wait3A_410 : memref<1x1x160x64xf32, #tpu.memory_space<vmem>> -> memref<160x64xf32, #tpu.memory_space<vmem>>
      %dma_wait3A_412 = arith.constant 0 : i32
      %dma_wait3A_413 = tpu.memref_slice %arg7[%dma_wait3A_403, %dma_wait3A_404, %dma_wait3A_412] : memref<4x3x160xi32, #tpu.memory_space<vmem>> -> memref<1x1x160xi32, #tpu.memory_space<vmem>>
      %dma_wait3A_414 = tpu.memref_squeeze %dma_wait3A_413 : memref<1x1x160xi32, #tpu.memory_space<vmem>> -> memref<160xi32, #tpu.memory_space<vmem>>
      %dma_wait3A_415 = arith.constant 0 : i32
      %dma_wait3A_416 = arith.constant 0 : i32
      %dma_wait3A_417 = tpu.memref_slice %arg5[%dma_wait3A_415, %dma_wait3A_416] : memref<100000x64xf32, #tpu.memory_space<hbm>> -> memref<100000x64xf32, #tpu.memory_space<hbm>>
      %dma_wait3A_418 = tpu.memref_slice %arg11[%dma_wait3A_407] : memref<2x!tpu.dma_semaphore, #tpu.memory_space<semaphore_mem>> -> memref<1x!tpu.dma_semaphore, #tpu.memory_space<semaphore_mem>>
      %dma_wait3A_419 = tpu.memref_squeeze %dma_wait3A_418 : memref<1x!tpu.dma_semaphore, #tpu.memory_space<semaphore_mem>> -> memref<!tpu.dma_semaphore, #tpu.memory_space<semaphore_mem>>
      tpu.wait_indirect_dma semaphore(%dma_wait3A_419 : memref<!tpu.dma_semaphore, #tpu.memory_space<semaphore_mem>>) src(%dma_wait3A_417 : memref<100000x64xf32, #tpu.memory_space<hbm>>) dst(%dma_wait3A_411 : memref<160x64xf32, #tpu.memory_space<vmem>>)
      %ge3A_420 = arith.constant 2 : i32
      %ge3A_421 = arith.cmpi sge, %add3A_358, %ge3A_420 : i32
      %convert_element_type3A_422 = arith.extui %ge3A_421 : i1 to i32
      %cond3A_423 = arith.constant 0 : i32
      %cond3A_424 = arith.cmpi ne, %convert_element_type3A_422, %cond3A_423 : i32
      scf.if %cond3A_424 {
        %dma_wait3A_627 = arith.constant 1 : i32
        %dma_wait3A_628 = arith.constant 1 : i32
        %dma_wait3A_629 = arith.constant 0 : i32
        %dma_wait3A_630 = arith.constant 0 : i32
        %dma_wait3A_631 = tpu.memref_slice %arg9[%dma_wait3A_627, %dma_wait3A_629, %dma_wait3A_630] : memref<2x160x64xf32, #tpu.memory_space<vmem>> -> memref<1x160x64xf32, #tpu.memory_space<vmem>>
        %dma_wait3A_632 = tpu.memref_squeeze %dma_wait3A_631 : memref<1x160x64xf32, #tpu.memory_space<vmem>> -> memref<160x64xf32, #tpu.memory_space<vmem>>
        %dma_wait3A_633 = arith.constant 0 : i32
        %dma_wait3A_634 = tpu.memref_slice %arg6[%mul3A_2, %dma_wait3A_633] : memref<819200x64xf32, #tpu.memory_space<hbm>> -> memref<160x64xf32, #tpu.memory_space<hbm>>
        %dma_wait3A_635 = tpu.memref_slice %arg12[%dma_wait3A_628] : memref<2x!tpu.dma_semaphore, #tpu.memory_space<semaphore_mem>> -> memref<1x!tpu.dma_semaphore, #tpu.memory_space<semaphore_mem>>
        %dma_wait3A_636 = tpu.memref_squeeze %dma_wait3A_635 : memref<1x!tpu.dma_semaphore, #tpu.memory_space<semaphore_mem>> -> memref<!tpu.dma_semaphore, #tpu.memory_space<semaphore_mem>>
        %dma_wait3A_637 = arith.constant 0 : i32
        %dma_wait3A_638 = tpu.memref_slice %arg6[%mul3A_2, %dma_wait3A_637] : memref<819200x64xf32, #tpu.memory_space<hbm>> -> memref<160x64xf32, #tpu.memory_space<hbm>>
        %dma_wait3A_639 = arith.constant 0 : i32
        %dma_wait3A_640 = arith.constant 0 : i32
        %dma_wait3A_641 = tpu.memref_slice %arg9[%dma_wait3A_627, %dma_wait3A_639, %dma_wait3A_640] : memref<2x160x64xf32, #tpu.memory_space<vmem>> -> memref<1x160x64xf32, #tpu.memory_space<vmem>>
        %dma_wait3A_642 = tpu.memref_squeeze %dma_wait3A_641 : memref<1x160x64xf32, #tpu.memory_space<vmem>> -> memref<160x64xf32, #tpu.memory_space<vmem>>
        tpu.wait_dma2 semaphore(%dma_wait3A_636 : memref<!tpu.dma_semaphore, #tpu.memory_space<semaphore_mem>>) src(%dma_wait3A_642 : memref<160x64xf32, #tpu.memory_space<vmem>>) dst(%dma_wait3A_638 : memref<160x64xf32, #tpu.memory_space<hbm>>)
      } else {
      }
      %parallel_loop3A_425 = arith.constant 0 : i32
      %parallel_loop3A_426 = arith.constant 160 : i32
      %parallel_loop3A_427 = arith.constant 1 : i32
      scf.for %parallel_loop3A_627 = %parallel_loop3A_425 to %parallel_loop3A_426 step %parallel_loop3A_427  : i32 {
        %parallel_loop3A_628 = arith.constant 1 : i32
        %parallel_loop3A_629 = arith.constant 0 : i32
        %parallel_loop3A_630 = arith.index_cast %parallel_loop3A_628 : i32 to index
        %parallel_loop3A_631 = arith.index_cast %parallel_loop3A_629 : i32 to index
        %parallel_loop3A_632 = arith.index_cast %parallel_loop3A_627 : i32 to index
        %parallel_loop3A_633 = arith.constant 0 : index
        %parallel_loop3A_634 = tpu.vector_load %arg8[%parallel_loop3A_630, %parallel_loop3A_631, %parallel_loop3A_632, %parallel_loop3A_633] {strides = array<i32>} : memref<2x3x160x64xf32, #tpu.memory_space<vmem>>, vector<1x1x1x16xf32>,
        %parallel_loop3A_635 = vector.shape_cast %parallel_loop3A_634 : vector<1x1x1x16xf32> to vector<16xf32>
        %parallel_loop3A_636 = arith.constant 1 : i32
        %parallel_loop3A_637 = arith.constant 1 : i32
        %parallel_loop3A_638 = arith.index_cast %parallel_loop3A_636 : i32 to index
        %parallel_loop3A_639 = arith.index_cast %parallel_loop3A_637 : i32 to index
        %parallel_loop3A_640 = arith.index_cast %parallel_loop3A_627 : i32 to index
        %parallel_loop3A_641 = arith.constant 0 : index
        %parallel_loop3A_642 = tpu.vector_load %arg8[%parallel_loop3A_638, %parallel_loop3A_639, %parallel_loop3A_640, %parallel_loop3A_641] {strides = array<i32>} : memref<2x3x160x64xf32, #tpu.memory_space<vmem>>, vector<1x1x1x16xf32>,
        %parallel_loop3A_643 = vector.shape_cast %parallel_loop3A_642 : vector<1x1x1x16xf32> to vector<16xf32>
        %parallel_loop3A_644 = arith.addf %parallel_loop3A_635, %parallel_loop3A_643 : vector<16xf32>
        %parallel_loop3A_645 = arith.constant 1 : i32
        %parallel_loop3A_646 = arith.constant 2 : i32
        %parallel_loop3A_647 = arith.index_cast %parallel_loop3A_645 : i32 to index
        %parallel_loop3A_648 = arith.index_cast %parallel_loop3A_646 : i32 to index
        %parallel_loop3A_649 = arith.index_cast %parallel_loop3A_627 : i32 to index
        %parallel_loop3A_650 = arith.constant 0 : index
        %parallel_loop3A_651 = tpu.vector_load %arg8[%parallel_loop3A_647, %parallel_loop3A_648, %parallel_loop3A_649, %parallel_loop3A_650] {strides = array<i32>} : memref<2x3x160x64xf32, #tpu.memory_space<vmem>>, vector<1x1x1x16xf32>,
        %parallel_loop3A_652 = vector.shape_cast %parallel_loop3A_651 : vector<1x1x1x16xf32> to vector<16xf32>
        %parallel_loop3A_653 = arith.addf %parallel_loop3A_644, %parallel_loop3A_652 : vector<16xf32>
        %parallel_loop3A_654 = arith.constant 1 : i32
        %parallel_loop3A_655 = arith.index_cast %parallel_loop3A_654 : i32 to index
        %parallel_loop3A_656 = arith.index_cast %parallel_loop3A_627 : i32 to index
        %parallel_loop3A_657 = arith.constant 0 : index
        %parallel_loop3A_658 = tpu.vector_load %arg9[%parallel_loop3A_655, %parallel_loop3A_656, %parallel_loop3A_657] {strides = array<i32>} : memref<2x160x64xf32, #tpu.memory_space<vmem>>, vector<1x1x16xf32>,
        %parallel_loop3A_659 = vector.shape_cast %parallel_loop3A_658 : vector<1x1x16xf32> to vector<16xf32>
        %parallel_loop3A_660 = vector.shape_cast %parallel_loop3A_653 : vector<16xf32> to vector<1x1x16xf32>
        tpu.vector_store %arg9[%parallel_loop3A_655, %parallel_loop3A_656, %parallel_loop3A_657], %parallel_loop3A_660 {strides = array<i32>} : memref<2x160x64xf32, #tpu.memory_space<vmem>>, vector<1x1x16xf32>,
        %parallel_loop3A_661 = arith.constant 1 : i32
        %parallel_loop3A_662 = arith.constant 0 : i32
        %parallel_loop3A_663 = arith.index_cast %parallel_loop3A_661 : i32 to index
        %parallel_loop3A_664 = arith.index_cast %parallel_loop3A_662 : i32 to index
        %parallel_loop3A_665 = arith.index_cast %parallel_loop3A_627 : i32 to index
        %parallel_loop3A_666 = arith.constant 16 : index
        %parallel_loop3A_667 = tpu.vector_load %arg8[%parallel_loop3A_663, %parallel_loop3A_664, %parallel_loop3A_665, %parallel_loop3A_666] {strides = array<i32>} : memref<2x3x160x64xf32, #tpu.memory_space<vmem>>, vector<1x1x1x16xf32>,
        %parallel_loop3A_668 = vector.shape_cast %parallel_loop3A_667 : vector<1x1x1x16xf32> to vector<16xf32>
        %parallel_loop3A_669 = arith.constant 1 : i32
        %parallel_loop3A_670 = arith.constant 1 : i32
        %parallel_loop3A_671 = arith.index_cast %parallel_loop3A_669 : i32 to index
        %parallel_loop3A_672 = arith.index_cast %parallel_loop3A_670 : i32 to index
        %parallel_loop3A_673 = arith.index_cast %parallel_loop3A_627 : i32 to index
        %parallel_loop3A_674 = arith.constant 16 : index
        %parallel_loop3A_675 = tpu.vector_load %arg8[%parallel_loop3A_671, %parallel_loop3A_672, %parallel_loop3A_673, %parallel_loop3A_674] {strides = array<i32>} : memref<2x3x160x64xf32, #tpu.memory_space<vmem>>, vector<1x1x1x16xf32>,
        %parallel_loop3A_676 = vector.shape_cast %parallel_loop3A_675 : vector<1x1x1x16xf32> to vector<16xf32>
        %parallel_loop3A_677 = arith.addf %parallel_loop3A_668, %parallel_loop3A_676 : vector<16xf32>
        %parallel_loop3A_678 = arith.constant 1 : i32
        %parallel_loop3A_679 = arith.constant 2 : i32
        %parallel_loop3A_680 = arith.index_cast %parallel_loop3A_678 : i32 to index
        %parallel_loop3A_681 = arith.index_cast %parallel_loop3A_679 : i32 to index
        %parallel_loop3A_682 = arith.index_cast %parallel_loop3A_627 : i32 to index
        %parallel_loop3A_683 = arith.constant 16 : index
        %parallel_loop3A_684 = tpu.vector_load %arg8[%parallel_loop3A_680, %parallel_loop3A_681, %parallel_loop3A_682, %parallel_loop3A_683] {strides = array<i32>} : memref<2x3x160x64xf32, #tpu.memory_space<vmem>>, vector<1x1x1x16xf32>,
        %parallel_loop3A_685 = vector.shape_cast %parallel_loop3A_684 : vector<1x1x1x16xf32> to vector<16xf32>
        %parallel_loop3A_686 = arith.addf %parallel_loop3A_677, %parallel_loop3A_685 : vector<16xf32>
        %parallel_loop3A_687 = arith.constant 1 : i32
        %parallel_loop3A_688 = arith.index_cast %parallel_loop3A_687 : i32 to index
        %parallel_loop3A_689 = arith.index_cast %parallel_loop3A_627 : i32 to index
        %parallel_loop3A_690 = arith.constant 16 : index
        %parallel_loop3A_691 = tpu.vector_load %arg9[%parallel_loop3A_688, %parallel_loop3A_689, %parallel_loop3A_690] {strides = array<i32>} : memref<2x160x64xf32, #tpu.memory_space<vmem>>, vector<1x1x16xf32>,
        %parallel_loop3A_692 = vector.shape_cast %parallel_loop3A_691 : vector<1x1x16xf32> to vector<16xf32>
        %parallel_loop3A_693 = vector.shape_cast %parallel_loop3A_686 : vector<16xf32> to vector<1x1x16xf32>
        tpu.vector_store %arg9[%parallel_loop3A_688, %parallel_loop3A_689, %parallel_loop3A_690], %parallel_loop3A_693 {strides = array<i32>} : memref<2x160x64xf32, #tpu.memory_space<vmem>>, vector<1x1x16xf32>,
        %parallel_loop3A_694 = arith.constant 1 : i32
        %parallel_loop3A_695 = arith.constant 0 : i32
        %parallel_loop3A_696 = arith.index_cast %parallel_loop3A_694 : i32 to index
        %parallel_loop3A_697 = arith.index_cast %parallel_loop3A_695 : i32 to index
        %parallel_loop3A_698 = arith.index_cast %parallel_loop3A_627 : i32 to index
        %parallel_loop3A_699 = arith.constant 32 : index
        %parallel_loop3A_700 = tpu.vector_load %arg8[%parallel_loop3A_696, %parallel_loop3A_697, %parallel_loop3A_698, %parallel_loop3A_699] {strides = array<i32>} : memref<2x3x160x64xf32, #tpu.memory_space<vmem>>, vector<1x1x1x16xf32>,
        %parallel_loop3A_701 = vector.shape_cast %parallel_loop3A_700 : vector<1x1x1x16xf32> to vector<16xf32>
        %parallel_loop3A_702 = arith.constant 1 : i32
        %parallel_loop3A_703 = arith.constant 1 : i32
        %parallel_loop3A_704 = arith.index_cast %parallel_loop3A_702 : i32 to index
        %parallel_loop3A_705 = arith.index_cast %parallel_loop3A_703 : i32 to index
        %parallel_loop3A_706 = arith.index_cast %parallel_loop3A_627 : i32 to index
        %parallel_loop3A_707 = arith.constant 32 : index
        %parallel_loop3A_708 = tpu.vector_load %arg8[%parallel_loop3A_704, %parallel_loop3A_705, %parallel_loop3A_706, %parallel_loop3A_707] {strides = array<i32>} : memref<2x3x160x64xf32, #tpu.memory_space<vmem>>, vector<1x1x1x16xf32>,
        %parallel_loop3A_709 = vector.shape_cast %parallel_loop3A_708 : vector<1x1x1x16xf32> to vector<16xf32>
        %parallel_loop3A_710 = arith.addf %parallel_loop3A_701, %parallel_loop3A_709 : vector<16xf32>
        %parallel_loop3A_711 = arith.constant 1 : i32
        %parallel_loop3A_712 = arith.constant 2 : i32
        %parallel_loop3A_713 = arith.index_cast %parallel_loop3A_711 : i32 to index
        %parallel_loop3A_714 = arith.index_cast %parallel_loop3A_712 : i32 to index
        %parallel_loop3A_715 = arith.index_cast %parallel_loop3A_627 : i32 to index
        %parallel_loop3A_716 = arith.constant 32 : index
        %parallel_loop3A_717 = tpu.vector_load %arg8[%parallel_loop3A_713, %parallel_loop3A_714, %parallel_loop3A_715, %parallel_loop3A_716] {strides = array<i32>} : memref<2x3x160x64xf32, #tpu.memory_space<vmem>>, vector<1x1x1x16xf32>,
        %parallel_loop3A_718 = vector.shape_cast %parallel_loop3A_717 : vector<1x1x1x16xf32> to vector<16xf32>
        %parallel_loop3A_719 = arith.addf %parallel_loop3A_710, %parallel_loop3A_718 : vector<16xf32>
        %parallel_loop3A_720 = arith.constant 1 : i32
        %parallel_loop3A_721 = arith.index_cast %parallel_loop3A_720 : i32 to index
        %parallel_loop3A_722 = arith.index_cast %parallel_loop3A_627 : i32 to index
        %parallel_loop3A_723 = arith.constant 32 : index
        %parallel_loop3A_724 = tpu.vector_load %arg9[%parallel_loop3A_721, %parallel_loop3A_722, %parallel_loop3A_723] {strides = array<i32>} : memref<2x160x64xf32, #tpu.memory_space<vmem>>, vector<1x1x16xf32>,
        %parallel_loop3A_725 = vector.shape_cast %parallel_loop3A_724 : vector<1x1x16xf32> to vector<16xf32>
        %parallel_loop3A_726 = vector.shape_cast %parallel_loop3A_719 : vector<16xf32> to vector<1x1x16xf32>
        tpu.vector_store %arg9[%parallel_loop3A_721, %parallel_loop3A_722, %parallel_loop3A_723], %parallel_loop3A_726 {strides = array<i32>} : memref<2x160x64xf32, #tpu.memory_space<vmem>>, vector<1x1x16xf32>,
        %parallel_loop3A_727 = arith.constant 1 : i32
        %parallel_loop3A_728 = arith.constant 0 : i32
        %parallel_loop3A_729 = arith.index_cast %parallel_loop3A_727 : i32 to index
        %parallel_loop3A_730 = arith.index_cast %parallel_loop3A_728 : i32 to index
        %parallel_loop3A_731 = arith.index_cast %parallel_loop3A_627 : i32 to index
        %parallel_loop3A_732 = arith.constant 48 : index
        %parallel_loop3A_733 = tpu.vector_load %arg8[%parallel_loop3A_729, %parallel_loop3A_730, %parallel_loop3A_731, %parallel_loop3A_732] {strides = array<i32>} : memref<2x3x160x64xf32, #tpu.memory_space<vmem>>, vector<1x1x1x16xf32>,
        %parallel_loop3A_734 = vector.shape_cast %parallel_loop3A_733 : vector<1x1x1x16xf32> to vector<16xf32>
        %parallel_loop3A_735 = arith.constant 1 : i32
        %parallel_loop3A_736 = arith.constant 1 : i32
        %parallel_loop3A_737 = arith.index_cast %parallel_loop3A_735 : i32 to index
        %parallel_loop3A_738 = arith.index_cast %parallel_loop3A_736 : i32 to index
        %parallel_loop3A_739 = arith.index_cast %parallel_loop3A_627 : i32 to index
        %parallel_loop3A_740 = arith.constant 48 : index
        %parallel_loop3A_741 = tpu.vector_load %arg8[%parallel_loop3A_737, %parallel_loop3A_738, %parallel_loop3A_739, %parallel_loop3A_740] {strides = array<i32>} : memref<2x3x160x64xf32, #tpu.memory_space<vmem>>, vector<1x1x1x16xf32>,
        %parallel_loop3A_742 = vector.shape_cast %parallel_loop3A_741 : vector<1x1x1x16xf32> to vector<16xf32>
        %parallel_loop3A_743 = arith.addf %parallel_loop3A_734, %parallel_loop3A_742 : vector<16xf32>
        %parallel_loop3A_744 = arith.constant 1 : i32
        %parallel_loop3A_745 = arith.constant 2 : i32
        %parallel_loop3A_746 = arith.index_cast %parallel_loop3A_744 : i32 to index
        %parallel_loop3A_747 = arith.index_cast %parallel_loop3A_745 : i32 to index
        %parallel_loop3A_748 = arith.index_cast %parallel_loop3A_627 : i32 to index
        %parallel_loop3A_749 = arith.constant 48 : index
        %parallel_loop3A_750 = tpu.vector_load %arg8[%parallel_loop3A_746, %parallel_loop3A_747, %parallel_loop3A_748, %parallel_loop3A_749] {strides = array<i32>} : memref<2x3x160x64xf32, #tpu.memory_space<vmem>>, vector<1x1x1x16xf32>,
        %parallel_loop3A_751 = vector.shape_cast %parallel_loop3A_750 : vector<1x1x1x16xf32> to vector<16xf32>
        %parallel_loop3A_752 = arith.addf %parallel_loop3A_743, %parallel_loop3A_751 : vector<16xf32>
        %parallel_loop3A_753 = arith.constant 1 : i32
        %parallel_loop3A_754 = arith.index_cast %parallel_loop3A_753 : i32 to index
        %parallel_loop3A_755 = arith.index_cast %parallel_loop3A_627 : i32 to index
        %parallel_loop3A_756 = arith.constant 48 : index
        %parallel_loop3A_757 = tpu.vector_load %arg9[%parallel_loop3A_754, %parallel_loop3A_755, %parallel_loop3A_756] {strides = array<i32>} : memref<2x160x64xf32, #tpu.memory_space<vmem>>, vector<1x1x16xf32>,
        %parallel_loop3A_758 = vector.shape_cast %parallel_loop3A_757 : vector<1x1x16xf32> to vector<16xf32>
        %parallel_loop3A_759 = vector.shape_cast %parallel_loop3A_752 : vector<16xf32> to vector<1x1x16xf32>
        tpu.vector_store %arg9[%parallel_loop3A_754, %parallel_loop3A_755, %parallel_loop3A_756], %parallel_loop3A_759 {strides = array<i32>} : memref<2x160x64xf32, #tpu.memory_space<vmem>>, vector<1x1x16xf32>,
      } {sc.loop_unroll_factor = 4 : i64, sc.parallel_access}
      %mul3A_428 = arith.constant 160 : i32
      %mul3A_429 = arith.muli %add3A_358, %mul3A_428 : i32
      %add3A_430 = arith.addi %mul3A_2, %mul3A_429 : i32
      %dma_start3A_431 = arith.constant 1 : i32
      %dma_start3A_432 = arith.constant 1 : i32
      %dma_start3A_433 = arith.constant 0 : i32
      %dma_start3A_434 = arith.constant 0 : i32
      %dma_start3A_435 = tpu.memref_slice %arg9[%dma_start3A_431, %dma_start3A_433, %dma_start3A_434] : memref<2x160x64xf32, #tpu.memory_space<vmem>> -> memref<1x160x64xf32, #tpu.memory_space<vmem>>
      %dma_start3A_436 = tpu.memref_squeeze %dma_start3A_435 : memref<1x160x64xf32, #tpu.memory_space<vmem>> -> memref<160x64xf32, #tpu.memory_space<vmem>>
      %dma_start3A_437 = arith.constant 0 : i32
      %dma_start3A_438 = tpu.memref_slice %arg6[%add3A_430, %dma_start3A_437] : memref<819200x64xf32, #tpu.memory_space<hbm>> -> memref<160x64xf32, #tpu.memory_space<hbm>>
      %dma_start3A_439 = tpu.memref_slice %arg12[%dma_start3A_432] : memref<2x!tpu.dma_semaphore, #tpu.memory_space<semaphore_mem>> -> memref<1x!tpu.dma_semaphore, #tpu.memory_space<semaphore_mem>>
      %dma_start3A_440 = tpu.memref_squeeze %dma_start3A_439 : memref<1x!tpu.dma_semaphore, #tpu.memory_space<semaphore_mem>> -> memref<!tpu.dma_semaphore, #tpu.memory_space<semaphore_mem>>
      %dma_start3A_441 = arith.constant 0 : i32
      %dma_start3A_442 = tpu.memref_slice %arg6[%add3A_430, %dma_start3A_441] : memref<819200x64xf32, #tpu.memory_space<hbm>> -> memref<160x64xf32, #tpu.memory_space<hbm>>
      %dma_start3A_443 = arith.constant 0 : i32
      %dma_start3A_444 = arith.constant 0 : i32
      %dma_start3A_445 = tpu.memref_slice %arg9[%dma_start3A_431, %dma_start3A_443, %dma_start3A_444] : memref<2x160x64xf32, #tpu.memory_space<vmem>> -> memref<1x160x64xf32, #tpu.memory_space<vmem>>
      %dma_start3A_446 = tpu.memref_squeeze %dma_start3A_445 : memref<1x160x64xf32, #tpu.memory_space<vmem>> -> memref<160x64xf32, #tpu.memory_space<vmem>>
      tpu.enqueue_dma source(%dma_start3A_446 : memref<160x64xf32, #tpu.memory_space<vmem>>) target(%dma_start3A_442 : memref<160x64xf32, #tpu.memory_space<hbm>>) target_semaphore(%dma_start3A_440 : memref<!tpu.dma_semaphore, #tpu.memory_space<semaphore_mem>>)
      %add3A_447 = arith.constant 2 : i32
      %add3A_448 = arith.addi %mul3A_271, %add3A_447 : i32
      %lt3A_449 = arith.constant 157 : i32
      %lt3A_450 = arith.cmpi slt, %add3A_448, %lt3A_449 : i32
      %convert_element_type3A_451 = arith.extui %lt3A_450 : i1 to i32
      %cond3A_452 = arith.constant 0 : i32
      %cond3A_453 = arith.cmpi ne, %convert_element_type3A_451, %cond3A_452 : i32
      scf.if %cond3A_453 {
        %add3A_627 = arith.constant 3 : i32
        %add3A_628 = arith.addi %add3A_448, %add3A_627 : i32
        %mul3A_629 = arith.constant 160 : i32
        %mul3A_630 = arith.muli %add3A_628, %mul3A_629 : i32
        %add3A_631 = arith.addi %mul3A_2, %mul3A_630 : i32
        %add3A_632 = arith.constant 0 : i32
        %add3A_633 = arith.addi %add3A_632, %add3A_631 : i32
        %dma_start3A_634 = arith.constant 1 : i32
        %dma_start3A_635 = arith.constant 0 : i32
        %dma_start3A_636 = arith.constant 1 : i32
        %dma_start3A_637 = arith.constant 0 : i32
        %dma_start3A_638 = tpu.memref_slice %arg7[%dma_start3A_634, %dma_start3A_635, %dma_start3A_637] : memref<4x3x160xi32, #tpu.memory_space<vmem>> -> memref<1x1x160xi32, #tpu.memory_space<vmem>>
        %dma_start3A_639 = tpu.memref_squeeze %dma_start3A_638 : memref<1x1x160xi32, #tpu.memory_space<vmem>> -> memref<160xi32, #tpu.memory_space<vmem>>
        %dma_start3A_640 = tpu.memref_slice %arg2[%add3A_633] : memref<2457600xi32, #tpu.memory_space<hbm>> -> memref<160xi32, #tpu.memory_space<hbm>>
        %dma_start3A_641 = tpu.memref_slice %arg10[%dma_start3A_636] : memref<4x!tpu.dma_semaphore, #tpu.memory_space<semaphore_mem>> -> memref<1x!tpu.dma_semaphore, #tpu.memory_space<semaphore_mem>>
        %dma_start3A_642 = tpu.memref_squeeze %dma_start3A_641 : memref<1x!tpu.dma_semaphore, #tpu.memory_space<semaphore_mem>> -> memref<!tpu.dma_semaphore, #tpu.memory_space<semaphore_mem>>
        %dma_start3A_643 = arith.constant 0 : i32
        %dma_start3A_644 = tpu.memref_slice %arg7[%dma_start3A_634, %dma_start3A_635, %dma_start3A_643] : memref<4x3x160xi32, #tpu.memory_space<vmem>> -> memref<1x1x160xi32, #tpu.memory_space<vmem>>
        %dma_start3A_645 = tpu.memref_squeeze %dma_start3A_644 : memref<1x1x160xi32, #tpu.memory_space<vmem>> -> memref<160xi32, #tpu.memory_space<vmem>>
        %dma_start3A_646 = tpu.memref_slice %arg2[%add3A_633] : memref<2457600xi32, #tpu.memory_space<hbm>> -> memref<160xi32, #tpu.memory_space<hbm>>
        tpu.enqueue_dma source(%dma_start3A_646 : memref<160xi32, #tpu.memory_space<hbm>>) target(%dma_start3A_645 : memref<160xi32, #tpu.memory_space<vmem>>) target_semaphore(%dma_start3A_642 : memref<!tpu.dma_semaphore, #tpu.memory_space<semaphore_mem>>)
        %add3A_647 = arith.constant 819200 : i32
        %add3A_648 = arith.addi %add3A_647, %add3A_631 : i32
        %dma_start3A_649 = arith.constant 1 : i32
        %dma_start3A_650 = arith.constant 1 : i32
        %dma_start3A_651 = arith.constant 1 : i32
        %dma_start3A_652 = arith.constant 0 : i32
        %dma_start3A_653 = tpu.memref_slice %arg7[%dma_start3A_649, %dma_start3A_650, %dma_start3A_652] : memref<4x3x160xi32, #tpu.memory_space<vmem>> -> memref<1x1x160xi32, #tpu.memory_space<vmem>>
        %dma_start3A_654 = tpu.memref_squeeze %dma_start3A_653 : memref<1x1x160xi32, #tpu.memory_space<vmem>> -> memref<160xi32, #tpu.memory_space<vmem>>
        %dma_start3A_655 = tpu.memref_slice %arg2[%add3A_648] : memref<2457600xi32, #tpu.memory_space<hbm>> -> memref<160xi32, #tpu.memory_space<hbm>>
        %dma_start3A_656 = tpu.memref_slice %arg10[%dma_start3A_651] : memref<4x!tpu.dma_semaphore, #tpu.memory_space<semaphore_mem>> -> memref<1x!tpu.dma_semaphore, #tpu.memory_space<semaphore_mem>>
        %dma_start3A_657 = tpu.memref_squeeze %dma_start3A_656 : memref<1x!tpu.dma_semaphore, #tpu.memory_space<semaphore_mem>> -> memref<!tpu.dma_semaphore, #tpu.memory_space<semaphore_mem>>
        %dma_start3A_658 = arith.constant 0 : i32
        %dma_start3A_659 = tpu.memref_slice %arg7[%dma_start3A_649, %dma_start3A_650, %dma_start3A_658] : memref<4x3x160xi32, #tpu.memory_space<vmem>> -> memref<1x1x160xi32, #tpu.memory_space<vmem>>
        %dma_start3A_660 = tpu.memref_squeeze %dma_start3A_659 : memref<1x1x160xi32, #tpu.memory_space<vmem>> -> memref<160xi32, #tpu.memory_space<vmem>>
        %dma_start3A_661 = tpu.memref_slice %arg2[%add3A_648] : memref<2457600xi32, #tpu.memory_space<hbm>> -> memref<160xi32, #tpu.memory_space<hbm>>
        tpu.enqueue_dma source(%dma_start3A_661 : memref<160xi32, #tpu.memory_space<hbm>>) target(%dma_start3A_660 : memref<160xi32, #tpu.memory_space<vmem>>) target_semaphore(%dma_start3A_657 : memref<!tpu.dma_semaphore, #tpu.memory_space<semaphore_mem>>)
        %add3A_662 = arith.constant 1638400 : i32
        %add3A_663 = arith.addi %add3A_662, %add3A_631 : i32
        %dma_start3A_664 = arith.constant 1 : i32
        %dma_start3A_665 = arith.constant 2 : i32
        %dma_start3A_666 = arith.constant 1 : i32
        %dma_start3A_667 = arith.constant 0 : i32
        %dma_start3A_668 = tpu.memref_slice %arg7[%dma_start3A_664, %dma_start3A_665, %dma_start3A_667] : memref<4x3x160xi32, #tpu.memory_space<vmem>> -> memref<1x1x160xi32, #tpu.memory_space<vmem>>
        %dma_start3A_669 = tpu.memref_squeeze %dma_start3A_668 : memref<1x1x160xi32, #tpu.memory_space<vmem>> -> memref<160xi32, #tpu.memory_space<vmem>>
        %dma_start3A_670 = tpu.memref_slice %arg2[%add3A_663] : memref<2457600xi32, #tpu.memory_space<hbm>> -> memref<160xi32, #tpu.memory_space<hbm>>
        %dma_start3A_671 = tpu.memref_slice %arg10[%dma_start3A_666] : memref<4x!tpu.dma_semaphore, #tpu.memory_space<semaphore_mem>> -> memref<1x!tpu.dma_semaphore, #tpu.memory_space<semaphore_mem>>
        %dma_start3A_672 = tpu.memref_squeeze %dma_start3A_671 : memref<1x!tpu.dma_semaphore, #tpu.memory_space<semaphore_mem>> -> memref<!tpu.dma_semaphore, #tpu.memory_space<semaphore_mem>>
        %dma_start3A_673 = arith.constant 0 : i32
        %dma_start3A_674 = tpu.memref_slice %arg7[%dma_start3A_664, %dma_start3A_665, %dma_start3A_673] : memref<4x3x160xi32, #tpu.memory_space<vmem>> -> memref<1x1x160xi32, #tpu.memory_space<vmem>>
        %dma_start3A_675 = tpu.memref_squeeze %dma_start3A_674 : memref<1x1x160xi32, #tpu.memory_space<vmem>> -> memref<160xi32, #tpu.memory_space<vmem>>
        %dma_start3A_676 = tpu.memref_slice %arg2[%add3A_663] : memref<2457600xi32, #tpu.memory_space<hbm>> -> memref<160xi32, #tpu.memory_space<hbm>>
        tpu.enqueue_dma source(%dma_start3A_676 : memref<160xi32, #tpu.memory_space<hbm>>) target(%dma_start3A_675 : memref<160xi32, #tpu.memory_space<vmem>>) target_semaphore(%dma_start3A_672 : memref<!tpu.dma_semaphore, #tpu.memory_space<semaphore_mem>>)
      } else {
      }
      %lt3A_454 = arith.constant 159 : i32
      %lt3A_455 = arith.cmpi slt, %add3A_448, %lt3A_454 : i32
      %convert_element_type3A_456 = arith.extui %lt3A_455 : i1 to i32
      %cond3A_457 = arith.constant 0 : i32
      %cond3A_458 = arith.cmpi ne, %convert_element_type3A_456, %cond3A_457 : i32
      scf.if %cond3A_458 {
        %dma_wait3A_627 = arith.constant 3 : i32
        %dma_wait3A_628 = arith.constant 0 : i32
        %dma_wait3A_629 = arith.constant 3 : i32
        %dma_wait3A_630 = arith.constant 0 : i32
        %dma_wait3A_631 = tpu.memref_slice %arg7[%dma_wait3A_627, %dma_wait3A_628, %dma_wait3A_630] : memref<4x3x160xi32, #tpu.memory_space<vmem>> -> memref<1x1x160xi32, #tpu.memory_space<vmem>>
        %dma_wait3A_632 = tpu.memref_squeeze %dma_wait3A_631 : memref<1x1x160xi32, #tpu.memory_space<vmem>> -> memref<160xi32, #tpu.memory_space<vmem>>
        %dma_wait3A_633 = tpu.memref_slice %arg2[%mul3A_2] : memref<2457600xi32, #tpu.memory_space<hbm>> -> memref<160xi32, #tpu.memory_space<hbm>>
        %dma_wait3A_634 = tpu.memref_slice %arg10[%dma_wait3A_629] : memref<4x!tpu.dma_semaphore, #tpu.memory_space<semaphore_mem>> -> memref<1x!tpu.dma_semaphore, #tpu.memory_space<semaphore_mem>>
        %dma_wait3A_635 = tpu.memref_squeeze %dma_wait3A_634 : memref<1x!tpu.dma_semaphore, #tpu.memory_space<semaphore_mem>> -> memref<!tpu.dma_semaphore, #tpu.memory_space<semaphore_mem>>
        %dma_wait3A_636 = arith.constant 0 : i32
        %dma_wait3A_637 = tpu.memref_slice %arg7[%dma_wait3A_627, %dma_wait3A_628, %dma_wait3A_636] : memref<4x3x160xi32, #tpu.memory_space<vmem>> -> memref<1x1x160xi32, #tpu.memory_space<vmem>>
        %dma_wait3A_638 = tpu.memref_squeeze %dma_wait3A_637 : memref<1x1x160xi32, #tpu.memory_space<vmem>> -> memref<160xi32, #tpu.memory_space<vmem>>
        %dma_wait3A_639 = tpu.memref_slice %arg2[%mul3A_2] : memref<2457600xi32, #tpu.memory_space<hbm>> -> memref<160xi32, #tpu.memory_space<hbm>>
        tpu.wait_dma2 semaphore(%dma_wait3A_635 : memref<!tpu.dma_semaphore, #tpu.memory_space<semaphore_mem>>) src(%dma_wait3A_639 : memref<160xi32, #tpu.memory_space<hbm>>) dst(%dma_wait3A_638 : memref<160xi32, #tpu.memory_space<vmem>>)
        %dma_wait3A_640 = arith.constant 3 : i32
        %dma_wait3A_641 = arith.constant 1 : i32
        %dma_wait3A_642 = arith.constant 3 : i32
        %dma_wait3A_643 = arith.constant 0 : i32
        %dma_wait3A_644 = tpu.memref_slice %arg7[%dma_wait3A_640, %dma_wait3A_641, %dma_wait3A_643] : memref<4x3x160xi32, #tpu.memory_space<vmem>> -> memref<1x1x160xi32, #tpu.memory_space<vmem>>
        %dma_wait3A_645 = tpu.memref_squeeze %dma_wait3A_644 : memref<1x1x160xi32, #tpu.memory_space<vmem>> -> memref<160xi32, #tpu.memory_space<vmem>>
        %dma_wait3A_646 = tpu.memref_slice %arg2[%mul3A_2] : memref<2457600xi32, #tpu.memory_space<hbm>> -> memref<160xi32, #tpu.memory_space<hbm>>
        %dma_wait3A_647 = tpu.memref_slice %arg10[%dma_wait3A_642] : memref<4x!tpu.dma_semaphore, #tpu.memory_space<semaphore_mem>> -> memref<1x!tpu.dma_semaphore, #tpu.memory_space<semaphore_mem>>
        %dma_wait3A_648 = tpu.memref_squeeze %dma_wait3A_647 : memref<1x!tpu.dma_semaphore, #tpu.memory_space<semaphore_mem>> -> memref<!tpu.dma_semaphore, #tpu.memory_space<semaphore_mem>>
        %dma_wait3A_649 = arith.constant 0 : i32
        %dma_wait3A_650 = tpu.memref_slice %arg7[%dma_wait3A_640, %dma_wait3A_641, %dma_wait3A_649] : memref<4x3x160xi32, #tpu.memory_space<vmem>> -> memref<1x1x160xi32, #tpu.memory_space<vmem>>
        %dma_wait3A_651 = tpu.memref_squeeze %dma_wait3A_650 : memref<1x1x160xi32, #tpu.memory_space<vmem>> -> memref<160xi32, #tpu.memory_space<vmem>>
        %dma_wait3A_652 = tpu.memref_slice %arg2[%mul3A_2] : memref<2457600xi32, #tpu.memory_space<hbm>> -> memref<160xi32, #tpu.memory_space<hbm>>
        tpu.wait_dma2 semaphore(%dma_wait3A_648 : memref<!tpu.dma_semaphore, #tpu.memory_space<semaphore_mem>>) src(%dma_wait3A_652 : memref<160xi32, #tpu.memory_space<hbm>>) dst(%dma_wait3A_651 : memref<160xi32, #tpu.memory_space<vmem>>)
        %dma_wait3A_653 = arith.constant 3 : i32
        %dma_wait3A_654 = arith.constant 2 : i32
        %dma_wait3A_655 = arith.constant 3 : i32
        %dma_wait3A_656 = arith.constant 0 : i32
        %dma_wait3A_657 = tpu.memref_slice %arg7[%dma_wait3A_653, %dma_wait3A_654, %dma_wait3A_656] : memref<4x3x160xi32, #tpu.memory_space<vmem>> -> memref<1x1x160xi32, #tpu.memory_space<vmem>>
        %dma_wait3A_658 = tpu.memref_squeeze %dma_wait3A_657 : memref<1x1x160xi32, #tpu.memory_space<vmem>> -> memref<160xi32, #tpu.memory_space<vmem>>
        %dma_wait3A_659 = tpu.memref_slice %arg2[%mul3A_2] : memref<2457600xi32, #tpu.memory_space<hbm>> -> memref<160xi32, #tpu.memory_space<hbm>>
        %dma_wait3A_660 = tpu.memref_slice %arg10[%dma_wait3A_655] : memref<4x!tpu.dma_semaphore, #tpu.memory_space<semaphore_mem>> -> memref<1x!tpu.dma_semaphore, #tpu.memory_space<semaphore_mem>>
        %dma_wait3A_661 = tpu.memref_squeeze %dma_wait3A_660 : memref<1x!tpu.dma_semaphore, #tpu.memory_space<semaphore_mem>> -> memref<!tpu.dma_semaphore, #tpu.memory_space<semaphore_mem>>
        %dma_wait3A_662 = arith.constant 0 : i32
        %dma_wait3A_663 = tpu.memref_slice %arg7[%dma_wait3A_653, %dma_wait3A_654, %dma_wait3A_662] : memref<4x3x160xi32, #tpu.memory_space<vmem>> -> memref<1x1x160xi32, #tpu.memory_space<vmem>>
        %dma_wait3A_664 = tpu.memref_squeeze %dma_wait3A_663 : memref<1x1x160xi32, #tpu.memory_space<vmem>> -> memref<160xi32, #tpu.memory_space<vmem>>
        %dma_wait3A_665 = tpu.memref_slice %arg2[%mul3A_2] : memref<2457600xi32, #tpu.memory_space<hbm>> -> memref<160xi32, #tpu.memory_space<hbm>>
        tpu.wait_dma2 semaphore(%dma_wait3A_661 : memref<!tpu.dma_semaphore, #tpu.memory_space<semaphore_mem>>) src(%dma_wait3A_665 : memref<160xi32, #tpu.memory_space<hbm>>) dst(%dma_wait3A_664 : memref<160xi32, #tpu.memory_space<vmem>>)
        %dma_start3A_666 = arith.constant 3 : i32
        %dma_start3A_667 = arith.constant 0 : i32
        %dma_start3A_668 = arith.constant 1 : i32
        %dma_start3A_669 = arith.constant 0 : i32
        %dma_start3A_670 = arith.constant 1 : i32
        %dma_start3A_671 = arith.constant 0 : i32
        %dma_start3A_672 = arith.constant 0 : i32
        %dma_start3A_673 = tpu.memref_slice %arg8[%dma_start3A_668, %dma_start3A_669, %dma_start3A_671, %dma_start3A_672] : memref<2x3x160x64xf32, #tpu.memory_space<vmem>> -> memref<1x1x160x64xf32, #tpu.memory_space<vmem>>
        %dma_start3A_674 = tpu.memref_squeeze %dma_start3A_673 : memref<1x1x160x64xf32, #tpu.memory_space<vmem>> -> memref<160x64xf32, #tpu.memory_space<vmem>>
        %dma_start3A_675 = arith.constant 0 : i32
        %dma_start3A_676 = tpu.memref_slice %arg7[%dma_start3A_666, %dma_start3A_667, %dma_start3A_675] : memref<4x3x160xi32, #tpu.memory_space<vmem>> -> memref<1x1x160xi32, #tpu.memory_space<vmem>>
        %dma_start3A_677 = tpu.memref_squeeze %dma_start3A_676 : memref<1x1x160xi32, #tpu.memory_space<vmem>> -> memref<160xi32, #tpu.memory_space<vmem>>
        %dma_start3A_678 = arith.constant 0 : i32
        %dma_start3A_679 = arith.constant 0 : i32
        %dma_start3A_680 = tpu.memref_slice %arg3[%dma_start3A_678, %dma_start3A_679] : memref<100000x64xf32, #tpu.memory_space<hbm>> -> memref<100000x64xf32, #tpu.memory_space<hbm>>
        %dma_start3A_681 = tpu.memref_slice %arg11[%dma_start3A_670] : memref<2x!tpu.dma_semaphore, #tpu.memory_space<semaphore_mem>> -> memref<1x!tpu.dma_semaphore, #tpu.memory_space<semaphore_mem>>
        %dma_start3A_682 = tpu.memref_squeeze %dma_start3A_681 : memref<1x!tpu.dma_semaphore, #tpu.memory_space<semaphore_mem>> -> memref<!tpu.dma_semaphore, #tpu.memory_space<semaphore_mem>>
        tpu.enqueue_indirect_dma source(%dma_start3A_680 : memref<100000x64xf32, #tpu.memory_space<hbm>>) target(%dma_start3A_674 : memref<160x64xf32, #tpu.memory_space<vmem>>) offsets(%dma_start3A_677 : memref<160xi32, #tpu.memory_space<vmem>>) semaphore(%dma_start3A_682 : memref<!tpu.dma_semaphore, #tpu.memory_space<semaphore_mem>>)
        %dma_start3A_683 = arith.constant 3 : i32
        %dma_start3A_684 = arith.constant 1 : i32
        %dma_start3A_685 = arith.constant 1 : i32
        %dma_start3A_686 = arith.constant 1 : i32
        %dma_start3A_687 = arith.constant 1 : i32
        %dma_start3A_688 = arith.constant 0 : i32
        %dma_start3A_689 = arith.constant 0 : i32
        %dma_start3A_690 = tpu.memref_slice %arg8[%dma_start3A_685, %dma_start3A_686, %dma_start3A_688, %dma_start3A_689] : memref<2x3x160x64xf32, #tpu.memory_space<vmem>> -> memref<1x1x160x64xf32, #tpu.memory_space<vmem>>
        %dma_start3A_691 = tpu.memref_squeeze %dma_start3A_690 : memref<1x1x160x64xf32, #tpu.memory_space<vmem>> -> memref<160x64xf32, #tpu.memory_space<vmem>>
        %dma_start3A_692 = arith.constant 0 : i32
        %dma_start3A_693 = tpu.memref_slice %arg7[%dma_start3A_683, %dma_start3A_684, %dma_start3A_692] : memref<4x3x160xi32, #tpu.memory_space<vmem>> -> memref<1x1x160xi32, #tpu.memory_space<vmem>>
        %dma_start3A_694 = tpu.memref_squeeze %dma_start3A_693 : memref<1x1x160xi32, #tpu.memory_space<vmem>> -> memref<160xi32, #tpu.memory_space<vmem>>
        %dma_start3A_695 = arith.constant 0 : i32
        %dma_start3A_696 = arith.constant 0 : i32
        %dma_start3A_697 = tpu.memref_slice %arg4[%dma_start3A_695, %dma_start3A_696] : memref<100000x64xf32, #tpu.memory_space<hbm>> -> memref<100000x64xf32, #tpu.memory_space<hbm>>
        %dma_start3A_698 = tpu.memref_slice %arg11[%dma_start3A_687] : memref<2x!tpu.dma_semaphore, #tpu.memory_space<semaphore_mem>> -> memref<1x!tpu.dma_semaphore, #tpu.memory_space<semaphore_mem>>
        %dma_start3A_699 = tpu.memref_squeeze %dma_start3A_698 : memref<1x!tpu.dma_semaphore, #tpu.memory_space<semaphore_mem>> -> memref<!tpu.dma_semaphore, #tpu.memory_space<semaphore_mem>>
        tpu.enqueue_indirect_dma source(%dma_start3A_697 : memref<100000x64xf32, #tpu.memory_space<hbm>>) target(%dma_start3A_691 : memref<160x64xf32, #tpu.memory_space<vmem>>) offsets(%dma_start3A_694 : memref<160xi32, #tpu.memory_space<vmem>>) semaphore(%dma_start3A_699 : memref<!tpu.dma_semaphore, #tpu.memory_space<semaphore_mem>>)
        %dma_start3A_700 = arith.constant 3 : i32
        %dma_start3A_701 = arith.constant 2 : i32
        %dma_start3A_702 = arith.constant 1 : i32
        %dma_start3A_703 = arith.constant 2 : i32
        %dma_start3A_704 = arith.constant 1 : i32
        %dma_start3A_705 = arith.constant 0 : i32
        %dma_start3A_706 = arith.constant 0 : i32
        %dma_start3A_707 = tpu.memref_slice %arg8[%dma_start3A_702, %dma_start3A_703, %dma_start3A_705, %dma_start3A_706] : memref<2x3x160x64xf32, #tpu.memory_space<vmem>> -> memref<1x1x160x64xf32, #tpu.memory_space<vmem>>
        %dma_start3A_708 = tpu.memref_squeeze %dma_start3A_707 : memref<1x1x160x64xf32, #tpu.memory_space<vmem>> -> memref<160x64xf32, #tpu.memory_space<vmem>>
        %dma_start3A_709 = arith.constant 0 : i32
        %dma_start3A_710 = tpu.memref_slice %arg7[%dma_start3A_700, %dma_start3A_701, %dma_start3A_709] : memref<4x3x160xi32, #tpu.memory_space<vmem>> -> memref<1x1x160xi32, #tpu.memory_space<vmem>>
        %dma_start3A_711 = tpu.memref_squeeze %dma_start3A_710 : memref<1x1x160xi32, #tpu.memory_space<vmem>> -> memref<160xi32, #tpu.memory_space<vmem>>
        %dma_start3A_712 = arith.constant 0 : i32
        %dma_start3A_713 = arith.constant 0 : i32
        %dma_start3A_714 = tpu.memref_slice %arg5[%dma_start3A_712, %dma_start3A_713] : memref<100000x64xf32, #tpu.memory_space<hbm>> -> memref<100000x64xf32, #tpu.memory_space<hbm>>
        %dma_start3A_715 = tpu.memref_slice %arg11[%dma_start3A_704] : memref<2x!tpu.dma_semaphore, #tpu.memory_space<semaphore_mem>> -> memref<1x!tpu.dma_semaphore, #tpu.memory_space<semaphore_mem>>
        %dma_start3A_716 = tpu.memref_squeeze %dma_start3A_715 : memref<1x!tpu.dma_semaphore, #tpu.memory_space<semaphore_mem>> -> memref<!tpu.dma_semaphore, #tpu.memory_space<semaphore_mem>>
        tpu.enqueue_indirect_dma source(%dma_start3A_714 : memref<100000x64xf32, #tpu.memory_space<hbm>>) target(%dma_start3A_708 : memref<160x64xf32, #tpu.memory_space<vmem>>) offsets(%dma_start3A_711 : memref<160xi32, #tpu.memory_space<vmem>>) semaphore(%dma_start3A_716 : memref<!tpu.dma_semaphore, #tpu.memory_space<semaphore_mem>>)
      } else {
      }
      %dma_wait3A_459 = arith.constant 2 : i32
      %dma_wait3A_460 = arith.constant 0 : i32
      %dma_wait3A_461 = arith.constant 0 : i32
      %dma_wait3A_462 = arith.constant 0 : i32
      %dma_wait3A_463 = arith.constant 0 : i32
      %dma_wait3A_464 = arith.constant 0 : i32
      %dma_wait3A_465 = arith.constant 0 : i32
      %dma_wait3A_466 = tpu.memref_slice %arg8[%dma_wait3A_461, %dma_wait3A_462, %dma_wait3A_464, %dma_wait3A_465] : memref<2x3x160x64xf32, #tpu.memory_space<vmem>> -> memref<1x1x160x64xf32, #tpu.memory_space<vmem>>
      %dma_wait3A_467 = tpu.memref_squeeze %dma_wait3A_466 : memref<1x1x160x64xf32, #tpu.memory_space<vmem>> -> memref<160x64xf32, #tpu.memory_space<vmem>>
      %dma_wait3A_468 = arith.constant 0 : i32
      %dma_wait3A_469 = tpu.memref_slice %arg7[%dma_wait3A_459, %dma_wait3A_460, %dma_wait3A_468] : memref<4x3x160xi32, #tpu.memory_space<vmem>> -> memref<1x1x160xi32, #tpu.memory_space<vmem>>
      %dma_wait3A_470 = tpu.memref_squeeze %dma_wait3A_469 : memref<1x1x160xi32, #tpu.memory_space<vmem>> -> memref<160xi32, #tpu.memory_space<vmem>>
      %dma_wait3A_471 = arith.constant 0 : i32
      %dma_wait3A_472 = arith.constant 0 : i32
      %dma_wait3A_473 = tpu.memref_slice %arg3[%dma_wait3A_471, %dma_wait3A_472] : memref<100000x64xf32, #tpu.memory_space<hbm>> -> memref<100000x64xf32, #tpu.memory_space<hbm>>
      %dma_wait3A_474 = tpu.memref_slice %arg11[%dma_wait3A_463] : memref<2x!tpu.dma_semaphore, #tpu.memory_space<semaphore_mem>> -> memref<1x!tpu.dma_semaphore, #tpu.memory_space<semaphore_mem>>
      %dma_wait3A_475 = tpu.memref_squeeze %dma_wait3A_474 : memref<1x!tpu.dma_semaphore, #tpu.memory_space<semaphore_mem>> -> memref<!tpu.dma_semaphore, #tpu.memory_space<semaphore_mem>>
      tpu.wait_indirect_dma semaphore(%dma_wait3A_475 : memref<!tpu.dma_semaphore, #tpu.memory_space<semaphore_mem>>) src(%dma_wait3A_473 : memref<100000x64xf32, #tpu.memory_space<hbm>>) dst(%dma_wait3A_467 : memref<160x64xf32, #tpu.memory_space<vmem>>)
      %dma_wait3A_476 = arith.constant 2 : i32
      %dma_wait3A_477 = arith.constant 1 : i32
      %dma_wait3A_478 = arith.constant 0 : i32
      %dma_wait3A_479 = arith.constant 1 : i32
      %dma_wait3A_480 = arith.constant 0 : i32
      %dma_wait3A_481 = arith.constant 0 : i32
      %dma_wait3A_482 = arith.constant 0 : i32
      %dma_wait3A_483 = tpu.memref_slice %arg8[%dma_wait3A_478, %dma_wait3A_479, %dma_wait3A_481, %dma_wait3A_482] : memref<2x3x160x64xf32, #tpu.memory_space<vmem>> -> memref<1x1x160x64xf32, #tpu.memory_space<vmem>>
      %dma_wait3A_484 = tpu.memref_squeeze %dma_wait3A_483 : memref<1x1x160x64xf32, #tpu.memory_space<vmem>> -> memref<160x64xf32, #tpu.memory_space<vmem>>
      %dma_wait3A_485 = arith.constant 0 : i32
      %dma_wait3A_486 = tpu.memref_slice %arg7[%dma_wait3A_476, %dma_wait3A_477, %dma_wait3A_485] : memref<4x3x160xi32, #tpu.memory_space<vmem>> -> memref<1x1x160xi32, #tpu.memory_space<vmem>>
      %dma_wait3A_487 = tpu.memref_squeeze %dma_wait3A_486 : memref<1x1x160xi32, #tpu.memory_space<vmem>> -> memref<160xi32, #tpu.memory_space<vmem>>
      %dma_wait3A_488 = arith.constant 0 : i32
      %dma_wait3A_489 = arith.constant 0 : i32
      %dma_wait3A_490 = tpu.memref_slice %arg4[%dma_wait3A_488, %dma_wait3A_489] : memref<100000x64xf32, #tpu.memory_space<hbm>> -> memref<100000x64xf32, #tpu.memory_space<hbm>>
      %dma_wait3A_491 = tpu.memref_slice %arg11[%dma_wait3A_480] : memref<2x!tpu.dma_semaphore, #tpu.memory_space<semaphore_mem>> -> memref<1x!tpu.dma_semaphore, #tpu.memory_space<semaphore_mem>>
      %dma_wait3A_492 = tpu.memref_squeeze %dma_wait3A_491 : memref<1x!tpu.dma_semaphore, #tpu.memory_space<semaphore_mem>> -> memref<!tpu.dma_semaphore, #tpu.memory_space<semaphore_mem>>
      tpu.wait_indirect_dma semaphore(%dma_wait3A_492 : memref<!tpu.dma_semaphore, #tpu.memory_space<semaphore_mem>>) src(%dma_wait3A_490 : memref<100000x64xf32, #tpu.memory_space<hbm>>) dst(%dma_wait3A_484 : memref<160x64xf32, #tpu.memory_space<vmem>>)
      %dma_wait3A_493 = arith.constant 2 : i32
      %dma_wait3A_494 = arith.constant 2 : i32
      %dma_wait3A_495 = arith.constant 0 : i32
      %dma_wait3A_496 = arith.constant 2 : i32
      %dma_wait3A_497 = arith.constant 0 : i32
      %dma_wait3A_498 = arith.constant 0 : i32
      %dma_wait3A_499 = arith.constant 0 : i32
      %dma_wait3A_500 = tpu.memref_slice %arg8[%dma_wait3A_495, %dma_wait3A_496, %dma_wait3A_498, %dma_wait3A_499] : memref<2x3x160x64xf32, #tpu.memory_space<vmem>> -> memref<1x1x160x64xf32, #tpu.memory_space<vmem>>
      %dma_wait3A_501 = tpu.memref_squeeze %dma_wait3A_500 : memref<1x1x160x64xf32, #tpu.memory_space<vmem>> -> memref<160x64xf32, #tpu.memory_space<vmem>>
      %dma_wait3A_502 = arith.constant 0 : i32
      %dma_wait3A_503 = tpu.memref_slice %arg7[%dma_wait3A_493, %dma_wait3A_494, %dma_wait3A_502] : memref<4x3x160xi32, #tpu.memory_space<vmem>> -> memref<1x1x160xi32, #tpu.memory_space<vmem>>
      %dma_wait3A_504 = tpu.memref_squeeze %dma_wait3A_503 : memref<1x1x160xi32, #tpu.memory_space<vmem>> -> memref<160xi32, #tpu.memory_space<vmem>>
      %dma_wait3A_505 = arith.constant 0 : i32
      %dma_wait3A_506 = arith.constant 0 : i32
      %dma_wait3A_507 = tpu.memref_slice %arg5[%dma_wait3A_505, %dma_wait3A_506] : memref<100000x64xf32, #tpu.memory_space<hbm>> -> memref<100000x64xf32, #tpu.memory_space<hbm>>
      %dma_wait3A_508 = tpu.memref_slice %arg11[%dma_wait3A_497] : memref<2x!tpu.dma_semaphore, #tpu.memory_space<semaphore_mem>> -> memref<1x!tpu.dma_semaphore, #tpu.memory_space<semaphore_mem>>
      %dma_wait3A_509 = tpu.memref_squeeze %dma_wait3A_508 : memref<1x!tpu.dma_semaphore, #tpu.memory_space<semaphore_mem>> -> memref<!tpu.dma_semaphore, #tpu.memory_space<semaphore_mem>>
      tpu.wait_indirect_dma semaphore(%dma_wait3A_509 : memref<!tpu.dma_semaphore, #tpu.memory_space<semaphore_mem>>) src(%dma_wait3A_507 : memref<100000x64xf32, #tpu.memory_space<hbm>>) dst(%dma_wait3A_501 : memref<160x64xf32, #tpu.memory_space<vmem>>)
      %ge3A_510 = arith.constant 2 : i32
      %ge3A_511 = arith.cmpi sge, %add3A_448, %ge3A_510 : i32
      %convert_element_type3A_512 = arith.extui %ge3A_511 : i1 to i32
      %cond3A_513 = arith.constant 0 : i32
      %cond3A_514 = arith.cmpi ne, %convert_element_type3A_512, %cond3A_513 : i32
      scf.if %cond3A_514 {
        %dma_wait3A_627 = arith.constant 0 : i32
        %dma_wait3A_628 = arith.constant 0 : i32
        %dma_wait3A_629 = arith.constant 0 : i32
        %dma_wait3A_630 = arith.constant 0 : i32
        %dma_wait3A_631 = tpu.memref_slice %arg9[%dma_wait3A_627, %dma_wait3A_629, %dma_wait3A_630] : memref<2x160x64xf32, #tpu.memory_space<vmem>> -> memref<1x160x64xf32, #tpu.memory_space<vmem>>
        %dma_wait3A_632 = tpu.memref_squeeze %dma_wait3A_631 : memref<1x160x64xf32, #tpu.memory_space<vmem>> -> memref<160x64xf32, #tpu.memory_space<vmem>>
        %dma_wait3A_633 = arith.constant 0 : i32
        %dma_wait3A_634 = tpu.memref_slice %arg6[%mul3A_2, %dma_wait3A_633] : memref<819200x64xf32, #tpu.memory_space<hbm>> -> memref<160x64xf32, #tpu.memory_space<hbm>>
        %dma_wait3A_635 = tpu.memref_slice %arg12[%dma_wait3A_628] : memref<2x!tpu.dma_semaphore, #tpu.memory_space<semaphore_mem>> -> memref<1x!tpu.dma_semaphore, #tpu.memory_space<semaphore_mem>>
        %dma_wait3A_636 = tpu.memref_squeeze %dma_wait3A_635 : memref<1x!tpu.dma_semaphore, #tpu.memory_space<semaphore_mem>> -> memref<!tpu.dma_semaphore, #tpu.memory_space<semaphore_mem>>
        %dma_wait3A_637 = arith.constant 0 : i32
        %dma_wait3A_638 = tpu.memref_slice %arg6[%mul3A_2, %dma_wait3A_637] : memref<819200x64xf32, #tpu.memory_space<hbm>> -> memref<160x64xf32, #tpu.memory_space<hbm>>
        %dma_wait3A_639 = arith.constant 0 : i32
        %dma_wait3A_640 = arith.constant 0 : i32
        %dma_wait3A_641 = tpu.memref_slice %arg9[%dma_wait3A_627, %dma_wait3A_639, %dma_wait3A_640] : memref<2x160x64xf32, #tpu.memory_space<vmem>> -> memref<1x160x64xf32, #tpu.memory_space<vmem>>
        %dma_wait3A_642 = tpu.memref_squeeze %dma_wait3A_641 : memref<1x160x64xf32, #tpu.memory_space<vmem>> -> memref<160x64xf32, #tpu.memory_space<vmem>>
        tpu.wait_dma2 semaphore(%dma_wait3A_636 : memref<!tpu.dma_semaphore, #tpu.memory_space<semaphore_mem>>) src(%dma_wait3A_642 : memref<160x64xf32, #tpu.memory_space<vmem>>) dst(%dma_wait3A_638 : memref<160x64xf32, #tpu.memory_space<hbm>>)
      } else {
      }
      %parallel_loop3A_515 = arith.constant 0 : i32
      %parallel_loop3A_516 = arith.constant 160 : i32
      %parallel_loop3A_517 = arith.constant 1 : i32
      scf.for %parallel_loop3A_627 = %parallel_loop3A_515 to %parallel_loop3A_516 step %parallel_loop3A_517  : i32 {
        %parallel_loop3A_628 = arith.constant 0 : i32
        %parallel_loop3A_629 = arith.constant 0 : i32
        %parallel_loop3A_630 = arith.index_cast %parallel_loop3A_628 : i32 to index
        %parallel_loop3A_631 = arith.index_cast %parallel_loop3A_629 : i32 to index
        %parallel_loop3A_632 = arith.index_cast %parallel_loop3A_627 : i32 to index
        %parallel_loop3A_633 = arith.constant 0 : index
        %parallel_loop3A_634 = tpu.vector_load %arg8[%parallel_loop3A_630, %parallel_loop3A_631, %parallel_loop3A_632, %parallel_loop3A_633] {strides = array<i32>} : memref<2x3x160x64xf32, #tpu.memory_space<vmem>>, vector<1x1x1x16xf32>,
        %parallel_loop3A_635 = vector.shape_cast %parallel_loop3A_634 : vector<1x1x1x16xf32> to vector<16xf32>
        %parallel_loop3A_636 = arith.constant 0 : i32
        %parallel_loop3A_637 = arith.constant 1 : i32
        %parallel_loop3A_638 = arith.index_cast %parallel_loop3A_636 : i32 to index
        %parallel_loop3A_639 = arith.index_cast %parallel_loop3A_637 : i32 to index
        %parallel_loop3A_640 = arith.index_cast %parallel_loop3A_627 : i32 to index
        %parallel_loop3A_641 = arith.constant 0 : index
        %parallel_loop3A_642 = tpu.vector_load %arg8[%parallel_loop3A_638, %parallel_loop3A_639, %parallel_loop3A_640, %parallel_loop3A_641] {strides = array<i32>} : memref<2x3x160x64xf32, #tpu.memory_space<vmem>>, vector<1x1x1x16xf32>,
        %parallel_loop3A_643 = vector.shape_cast %parallel_loop3A_642 : vector<1x1x1x16xf32> to vector<16xf32>
        %parallel_loop3A_644 = arith.addf %parallel_loop3A_635, %parallel_loop3A_643 : vector<16xf32>
        %parallel_loop3A_645 = arith.constant 0 : i32
        %parallel_loop3A_646 = arith.constant 2 : i32
        %parallel_loop3A_647 = arith.index_cast %parallel_loop3A_645 : i32 to index
        %parallel_loop3A_648 = arith.index_cast %parallel_loop3A_646 : i32 to index
        %parallel_loop3A_649 = arith.index_cast %parallel_loop3A_627 : i32 to index
        %parallel_loop3A_650 = arith.constant 0 : index
        %parallel_loop3A_651 = tpu.vector_load %arg8[%parallel_loop3A_647, %parallel_loop3A_648, %parallel_loop3A_649, %parallel_loop3A_650] {strides = array<i32>} : memref<2x3x160x64xf32, #tpu.memory_space<vmem>>, vector<1x1x1x16xf32>,
        %parallel_loop3A_652 = vector.shape_cast %parallel_loop3A_651 : vector<1x1x1x16xf32> to vector<16xf32>
        %parallel_loop3A_653 = arith.addf %parallel_loop3A_644, %parallel_loop3A_652 : vector<16xf32>
        %parallel_loop3A_654 = arith.constant 0 : i32
        %parallel_loop3A_655 = arith.index_cast %parallel_loop3A_654 : i32 to index
        %parallel_loop3A_656 = arith.index_cast %parallel_loop3A_627 : i32 to index
        %parallel_loop3A_657 = arith.constant 0 : index
        %parallel_loop3A_658 = tpu.vector_load %arg9[%parallel_loop3A_655, %parallel_loop3A_656, %parallel_loop3A_657] {strides = array<i32>} : memref<2x160x64xf32, #tpu.memory_space<vmem>>, vector<1x1x16xf32>,
        %parallel_loop3A_659 = vector.shape_cast %parallel_loop3A_658 : vector<1x1x16xf32> to vector<16xf32>
        %parallel_loop3A_660 = vector.shape_cast %parallel_loop3A_653 : vector<16xf32> to vector<1x1x16xf32>
        tpu.vector_store %arg9[%parallel_loop3A_655, %parallel_loop3A_656, %parallel_loop3A_657], %parallel_loop3A_660 {strides = array<i32>} : memref<2x160x64xf32, #tpu.memory_space<vmem>>, vector<1x1x16xf32>,
        %parallel_loop3A_661 = arith.constant 0 : i32
        %parallel_loop3A_662 = arith.constant 0 : i32
        %parallel_loop3A_663 = arith.index_cast %parallel_loop3A_661 : i32 to index
        %parallel_loop3A_664 = arith.index_cast %parallel_loop3A_662 : i32 to index
        %parallel_loop3A_665 = arith.index_cast %parallel_loop3A_627 : i32 to index
        %parallel_loop3A_666 = arith.constant 16 : index
        %parallel_loop3A_667 = tpu.vector_load %arg8[%parallel_loop3A_663, %parallel_loop3A_664, %parallel_loop3A_665, %parallel_loop3A_666] {strides = array<i32>} : memref<2x3x160x64xf32, #tpu.memory_space<vmem>>, vector<1x1x1x16xf32>,
        %parallel_loop3A_668 = vector.shape_cast %parallel_loop3A_667 : vector<1x1x1x16xf32> to vector<16xf32>
        %parallel_loop3A_669 = arith.constant 0 : i32
        %parallel_loop3A_670 = arith.constant 1 : i32
        %parallel_loop3A_671 = arith.index_cast %parallel_loop3A_669 : i32 to index
        %parallel_loop3A_672 = arith.index_cast %parallel_loop3A_670 : i32 to index
        %parallel_loop3A_673 = arith.index_cast %parallel_loop3A_627 : i32 to index
        %parallel_loop3A_674 = arith.constant 16 : index
        %parallel_loop3A_675 = tpu.vector_load %arg8[%parallel_loop3A_671, %parallel_loop3A_672, %parallel_loop3A_673, %parallel_loop3A_674] {strides = array<i32>} : memref<2x3x160x64xf32, #tpu.memory_space<vmem>>, vector<1x1x1x16xf32>,
        %parallel_loop3A_676 = vector.shape_cast %parallel_loop3A_675 : vector<1x1x1x16xf32> to vector<16xf32>
        %parallel_loop3A_677 = arith.addf %parallel_loop3A_668, %parallel_loop3A_676 : vector<16xf32>
        %parallel_loop3A_678 = arith.constant 0 : i32
        %parallel_loop3A_679 = arith.constant 2 : i32
        %parallel_loop3A_680 = arith.index_cast %parallel_loop3A_678 : i32 to index
        %parallel_loop3A_681 = arith.index_cast %parallel_loop3A_679 : i32 to index
        %parallel_loop3A_682 = arith.index_cast %parallel_loop3A_627 : i32 to index
        %parallel_loop3A_683 = arith.constant 16 : index
        %parallel_loop3A_684 = tpu.vector_load %arg8[%parallel_loop3A_680, %parallel_loop3A_681, %parallel_loop3A_682, %parallel_loop3A_683] {strides = array<i32>} : memref<2x3x160x64xf32, #tpu.memory_space<vmem>>, vector<1x1x1x16xf32>,
        %parallel_loop3A_685 = vector.shape_cast %parallel_loop3A_684 : vector<1x1x1x16xf32> to vector<16xf32>
        %parallel_loop3A_686 = arith.addf %parallel_loop3A_677, %parallel_loop3A_685 : vector<16xf32>
        %parallel_loop3A_687 = arith.constant 0 : i32
        %parallel_loop3A_688 = arith.index_cast %parallel_loop3A_687 : i32 to index
        %parallel_loop3A_689 = arith.index_cast %parallel_loop3A_627 : i32 to index
        %parallel_loop3A_690 = arith.constant 16 : index
        %parallel_loop3A_691 = tpu.vector_load %arg9[%parallel_loop3A_688, %parallel_loop3A_689, %parallel_loop3A_690] {strides = array<i32>} : memref<2x160x64xf32, #tpu.memory_space<vmem>>, vector<1x1x16xf32>,
        %parallel_loop3A_692 = vector.shape_cast %parallel_loop3A_691 : vector<1x1x16xf32> to vector<16xf32>
        %parallel_loop3A_693 = vector.shape_cast %parallel_loop3A_686 : vector<16xf32> to vector<1x1x16xf32>
        tpu.vector_store %arg9[%parallel_loop3A_688, %parallel_loop3A_689, %parallel_loop3A_690], %parallel_loop3A_693 {strides = array<i32>} : memref<2x160x64xf32, #tpu.memory_space<vmem>>, vector<1x1x16xf32>,
        %parallel_loop3A_694 = arith.constant 0 : i32
        %parallel_loop3A_695 = arith.constant 0 : i32
        %parallel_loop3A_696 = arith.index_cast %parallel_loop3A_694 : i32 to index
        %parallel_loop3A_697 = arith.index_cast %parallel_loop3A_695 : i32 to index
        %parallel_loop3A_698 = arith.index_cast %parallel_loop3A_627 : i32 to index
        %parallel_loop3A_699 = arith.constant 32 : index
        %parallel_loop3A_700 = tpu.vector_load %arg8[%parallel_loop3A_696, %parallel_loop3A_697, %parallel_loop3A_698, %parallel_loop3A_699] {strides = array<i32>} : memref<2x3x160x64xf32, #tpu.memory_space<vmem>>, vector<1x1x1x16xf32>,
        %parallel_loop3A_701 = vector.shape_cast %parallel_loop3A_700 : vector<1x1x1x16xf32> to vector<16xf32>
        %parallel_loop3A_702 = arith.constant 0 : i32
        %parallel_loop3A_703 = arith.constant 1 : i32
        %parallel_loop3A_704 = arith.index_cast %parallel_loop3A_702 : i32 to index
        %parallel_loop3A_705 = arith.index_cast %parallel_loop3A_703 : i32 to index
        %parallel_loop3A_706 = arith.index_cast %parallel_loop3A_627 : i32 to index
        %parallel_loop3A_707 = arith.constant 32 : index
        %parallel_loop3A_708 = tpu.vector_load %arg8[%parallel_loop3A_704, %parallel_loop3A_705, %parallel_loop3A_706, %parallel_loop3A_707] {strides = array<i32>} : memref<2x3x160x64xf32, #tpu.memory_space<vmem>>, vector<1x1x1x16xf32>,
        %parallel_loop3A_709 = vector.shape_cast %parallel_loop3A_708 : vector<1x1x1x16xf32> to vector<16xf32>
        %parallel_loop3A_710 = arith.addf %parallel_loop3A_701, %parallel_loop3A_709 : vector<16xf32>
        %parallel_loop3A_711 = arith.constant 0 : i32
        %parallel_loop3A_712 = arith.constant 2 : i32
        %parallel_loop3A_713 = arith.index_cast %parallel_loop3A_711 : i32 to index
        %parallel_loop3A_714 = arith.index_cast %parallel_loop3A_712 : i32 to index
        %parallel_loop3A_715 = arith.index_cast %parallel_loop3A_627 : i32 to index
        %parallel_loop3A_716 = arith.constant 32 : index
        %parallel_loop3A_717 = tpu.vector_load %arg8[%parallel_loop3A_713, %parallel_loop3A_714, %parallel_loop3A_715, %parallel_loop3A_716] {strides = array<i32>} : memref<2x3x160x64xf32, #tpu.memory_space<vmem>>, vector<1x1x1x16xf32>,
        %parallel_loop3A_718 = vector.shape_cast %parallel_loop3A_717 : vector<1x1x1x16xf32> to vector<16xf32>
        %parallel_loop3A_719 = arith.addf %parallel_loop3A_710, %parallel_loop3A_718 : vector<16xf32>
        %parallel_loop3A_720 = arith.constant 0 : i32
        %parallel_loop3A_721 = arith.index_cast %parallel_loop3A_720 : i32 to index
        %parallel_loop3A_722 = arith.index_cast %parallel_loop3A_627 : i32 to index
        %parallel_loop3A_723 = arith.constant 32 : index
        %parallel_loop3A_724 = tpu.vector_load %arg9[%parallel_loop3A_721, %parallel_loop3A_722, %parallel_loop3A_723] {strides = array<i32>} : memref<2x160x64xf32, #tpu.memory_space<vmem>>, vector<1x1x16xf32>,
        %parallel_loop3A_725 = vector.shape_cast %parallel_loop3A_724 : vector<1x1x16xf32> to vector<16xf32>
        %parallel_loop3A_726 = vector.shape_cast %parallel_loop3A_719 : vector<16xf32> to vector<1x1x16xf32>
        tpu.vector_store %arg9[%parallel_loop3A_721, %parallel_loop3A_722, %parallel_loop3A_723], %parallel_loop3A_726 {strides = array<i32>} : memref<2x160x64xf32, #tpu.memory_space<vmem>>, vector<1x1x16xf32>,
        %parallel_loop3A_727 = arith.constant 0 : i32
        %parallel_loop3A_728 = arith.constant 0 : i32
        %parallel_loop3A_729 = arith.index_cast %parallel_loop3A_727 : i32 to index
        %parallel_loop3A_730 = arith.index_cast %parallel_loop3A_728 : i32 to index
        %parallel_loop3A_731 = arith.index_cast %parallel_loop3A_627 : i32 to index
        %parallel_loop3A_732 = arith.constant 48 : index
        %parallel_loop3A_733 = tpu.vector_load %arg8[%parallel_loop3A_729, %parallel_loop3A_730, %parallel_loop3A_731, %parallel_loop3A_732] {strides = array<i32>} : memref<2x3x160x64xf32, #tpu.memory_space<vmem>>, vector<1x1x1x16xf32>,
        %parallel_loop3A_734 = vector.shape_cast %parallel_loop3A_733 : vector<1x1x1x16xf32> to vector<16xf32>
        %parallel_loop3A_735 = arith.constant 0 : i32
        %parallel_loop3A_736 = arith.constant 1 : i32
        %parallel_loop3A_737 = arith.index_cast %parallel_loop3A_735 : i32 to index
        %parallel_loop3A_738 = arith.index_cast %parallel_loop3A_736 : i32 to index
        %parallel_loop3A_739 = arith.index_cast %parallel_loop3A_627 : i32 to index
        %parallel_loop3A_740 = arith.constant 48 : index
        %parallel_loop3A_741 = tpu.vector_load %arg8[%parallel_loop3A_737, %parallel_loop3A_738, %parallel_loop3A_739, %parallel_loop3A_740] {strides = array<i32>} : memref<2x3x160x64xf32, #tpu.memory_space<vmem>>, vector<1x1x1x16xf32>,
        %parallel_loop3A_742 = vector.shape_cast %parallel_loop3A_741 : vector<1x1x1x16xf32> to vector<16xf32>
        %parallel_loop3A_743 = arith.addf %parallel_loop3A_734, %parallel_loop3A_742 : vector<16xf32>
        %parallel_loop3A_744 = arith.constant 0 : i32
        %parallel_loop3A_745 = arith.constant 2 : i32
        %parallel_loop3A_746 = arith.index_cast %parallel_loop3A_744 : i32 to index
        %parallel_loop3A_747 = arith.index_cast %parallel_loop3A_745 : i32 to index
        %parallel_loop3A_748 = arith.index_cast %parallel_loop3A_627 : i32 to index
        %parallel_loop3A_749 = arith.constant 48 : index
        %parallel_loop3A_750 = tpu.vector_load %arg8[%parallel_loop3A_746, %parallel_loop3A_747, %parallel_loop3A_748, %parallel_loop3A_749] {strides = array<i32>} : memref<2x3x160x64xf32, #tpu.memory_space<vmem>>, vector<1x1x1x16xf32>,
        %parallel_loop3A_751 = vector.shape_cast %parallel_loop3A_750 : vector<1x1x1x16xf32> to vector<16xf32>
        %parallel_loop3A_752 = arith.addf %parallel_loop3A_743, %parallel_loop3A_751 : vector<16xf32>
        %parallel_loop3A_753 = arith.constant 0 : i32
        %parallel_loop3A_754 = arith.index_cast %parallel_loop3A_753 : i32 to index
        %parallel_loop3A_755 = arith.index_cast %parallel_loop3A_627 : i32 to index
        %parallel_loop3A_756 = arith.constant 48 : index
        %parallel_loop3A_757 = tpu.vector_load %arg9[%parallel_loop3A_754, %parallel_loop3A_755, %parallel_loop3A_756] {strides = array<i32>} : memref<2x160x64xf32, #tpu.memory_space<vmem>>, vector<1x1x16xf32>,
        %parallel_loop3A_758 = vector.shape_cast %parallel_loop3A_757 : vector<1x1x16xf32> to vector<16xf32>
        %parallel_loop3A_759 = vector.shape_cast %parallel_loop3A_752 : vector<16xf32> to vector<1x1x16xf32>
        tpu.vector_store %arg9[%parallel_loop3A_754, %parallel_loop3A_755, %parallel_loop3A_756], %parallel_loop3A_759 {strides = array<i32>} : memref<2x160x64xf32, #tpu.memory_space<vmem>>, vector<1x1x16xf32>,
      } {sc.loop_unroll_factor = 4 : i64, sc.parallel_access}
      %mul3A_518 = arith.constant 160 : i32
      %mul3A_519 = arith.muli %add3A_448, %mul3A_518 : i32
      %add3A_520 = arith.addi %mul3A_2, %mul3A_519 : i32
      %dma_start3A_521 = arith.constant 0 : i32
      %dma_start3A_522 = arith.constant 0 : i32
      %dma_start3A_523 = arith.constant 0 : i32
      %dma_start3A_524 = arith.constant 0 : i32
      %dma_start3A_525 = tpu.memref_slice %arg9[%dma_start3A_521, %dma_start3A_523, %dma_start3A_524] : memref<2x160x64xf32, #tpu.memory_space<vmem>> -> memref<1x160x64xf32, #tpu.memory_space<vmem>>
      %dma_start3A_526 = tpu.memref_squeeze %dma_start3A_525 : memref<1x160x64xf32, #tpu.memory_space<vmem>> -> memref<160x64xf32, #tpu.memory_space<vmem>>
      %dma_start3A_527 = arith.constant 0 : i32
      %dma_start3A_528 = tpu.memref_slice %arg6[%add3A_520, %dma_start3A_527] : memref<819200x64xf32, #tpu.memory_space<hbm>> -> memref<160x64xf32, #tpu.memory_space<hbm>>
      %dma_start3A_529 = tpu.memref_slice %arg12[%dma_start3A_522] : memref<2x!tpu.dma_semaphore, #tpu.memory_space<semaphore_mem>> -> memref<1x!tpu.dma_semaphore, #tpu.memory_space<semaphore_mem>>
      %dma_start3A_530 = tpu.memref_squeeze %dma_start3A_529 : memref<1x!tpu.dma_semaphore, #tpu.memory_space<semaphore_mem>> -> memref<!tpu.dma_semaphore, #tpu.memory_space<semaphore_mem>>
      %dma_start3A_531 = arith.constant 0 : i32
      %dma_start3A_532 = tpu.memref_slice %arg6[%add3A_520, %dma_start3A_531] : memref<819200x64xf32, #tpu.memory_space<hbm>> -> memref<160x64xf32, #tpu.memory_space<hbm>>
      %dma_start3A_533 = arith.constant 0 : i32
      %dma_start3A_534 = arith.constant 0 : i32
      %dma_start3A_535 = tpu.memref_slice %arg9[%dma_start3A_521, %dma_start3A_533, %dma_start3A_534] : memref<2x160x64xf32, #tpu.memory_space<vmem>> -> memref<1x160x64xf32, #tpu.memory_space<vmem>>
      %dma_start3A_536 = tpu.memref_squeeze %dma_start3A_535 : memref<1x160x64xf32, #tpu.memory_space<vmem>> -> memref<160x64xf32, #tpu.memory_space<vmem>>
      tpu.enqueue_dma source(%dma_start3A_536 : memref<160x64xf32, #tpu.memory_space<vmem>>) target(%dma_start3A_532 : memref<160x64xf32, #tpu.memory_space<hbm>>) target_semaphore(%dma_start3A_530 : memref<!tpu.dma_semaphore, #tpu.memory_space<semaphore_mem>>)
      %add3A_537 = arith.constant 3 : i32
      %add3A_538 = arith.addi %mul3A_271, %add3A_537 : i32
      %lt3A_539 = arith.constant 157 : i32
      %lt3A_540 = arith.cmpi slt, %add3A_538, %lt3A_539 : i32
      %convert_element_type3A_541 = arith.extui %lt3A_540 : i1 to i32
      %cond3A_542 = arith.constant 0 : i32
      %cond3A_543 = arith.cmpi ne, %convert_element_type3A_541, %cond3A_542 : i32
      scf.if %cond3A_543 {
        %add3A_627 = arith.constant 3 : i32
        %add3A_628 = arith.addi %add3A_538, %add3A_627 : i32
        %mul3A_629 = arith.constant 160 : i32
        %mul3A_630 = arith.muli %add3A_628, %mul3A_629 : i32
        %add3A_631 = arith.addi %mul3A_2, %mul3A_630 : i32
        %add3A_632 = arith.constant 0 : i32
        %add3A_633 = arith.addi %add3A_632, %add3A_631 : i32
        %dma_start3A_634 = arith.constant 2 : i32
        %dma_start3A_635 = arith.constant 0 : i32
        %dma_start3A_636 = arith.constant 2 : i32
        %dma_start3A_637 = arith.constant 0 : i32
        %dma_start3A_638 = tpu.memref_slice %arg7[%dma_start3A_634, %dma_start3A_635, %dma_start3A_637] : memref<4x3x160xi32, #tpu.memory_space<vmem>> -> memref<1x1x160xi32, #tpu.memory_space<vmem>>
        %dma_start3A_639 = tpu.memref_squeeze %dma_start3A_638 : memref<1x1x160xi32, #tpu.memory_space<vmem>> -> memref<160xi32, #tpu.memory_space<vmem>>
        %dma_start3A_640 = tpu.memref_slice %arg2[%add3A_633] : memref<2457600xi32, #tpu.memory_space<hbm>> -> memref<160xi32, #tpu.memory_space<hbm>>
        %dma_start3A_641 = tpu.memref_slice %arg10[%dma_start3A_636] : memref<4x!tpu.dma_semaphore, #tpu.memory_space<semaphore_mem>> -> memref<1x!tpu.dma_semaphore, #tpu.memory_space<semaphore_mem>>
        %dma_start3A_642 = tpu.memref_squeeze %dma_start3A_641 : memref<1x!tpu.dma_semaphore, #tpu.memory_space<semaphore_mem>> -> memref<!tpu.dma_semaphore, #tpu.memory_space<semaphore_mem>>
        %dma_start3A_643 = arith.constant 0 : i32
        %dma_start3A_644 = tpu.memref_slice %arg7[%dma_start3A_634, %dma_start3A_635, %dma_start3A_643] : memref<4x3x160xi32, #tpu.memory_space<vmem>> -> memref<1x1x160xi32, #tpu.memory_space<vmem>>
        %dma_start3A_645 = tpu.memref_squeeze %dma_start3A_644 : memref<1x1x160xi32, #tpu.memory_space<vmem>> -> memref<160xi32, #tpu.memory_space<vmem>>
        %dma_start3A_646 = tpu.memref_slice %arg2[%add3A_633] : memref<2457600xi32, #tpu.memory_space<hbm>> -> memref<160xi32, #tpu.memory_space<hbm>>
        tpu.enqueue_dma source(%dma_start3A_646 : memref<160xi32, #tpu.memory_space<hbm>>) target(%dma_start3A_645 : memref<160xi32, #tpu.memory_space<vmem>>) target_semaphore(%dma_start3A_642 : memref<!tpu.dma_semaphore, #tpu.memory_space<semaphore_mem>>)
        %add3A_647 = arith.constant 819200 : i32
        %add3A_648 = arith.addi %add3A_647, %add3A_631 : i32
        %dma_start3A_649 = arith.constant 2 : i32
        %dma_start3A_650 = arith.constant 1 : i32
        %dma_start3A_651 = arith.constant 2 : i32
        %dma_start3A_652 = arith.constant 0 : i32
        %dma_start3A_653 = tpu.memref_slice %arg7[%dma_start3A_649, %dma_start3A_650, %dma_start3A_652] : memref<4x3x160xi32, #tpu.memory_space<vmem>> -> memref<1x1x160xi32, #tpu.memory_space<vmem>>
        %dma_start3A_654 = tpu.memref_squeeze %dma_start3A_653 : memref<1x1x160xi32, #tpu.memory_space<vmem>> -> memref<160xi32, #tpu.memory_space<vmem>>
        %dma_start3A_655 = tpu.memref_slice %arg2[%add3A_648] : memref<2457600xi32, #tpu.memory_space<hbm>> -> memref<160xi32, #tpu.memory_space<hbm>>
        %dma_start3A_656 = tpu.memref_slice %arg10[%dma_start3A_651] : memref<4x!tpu.dma_semaphore, #tpu.memory_space<semaphore_mem>> -> memref<1x!tpu.dma_semaphore, #tpu.memory_space<semaphore_mem>>
        %dma_start3A_657 = tpu.memref_squeeze %dma_start3A_656 : memref<1x!tpu.dma_semaphore, #tpu.memory_space<semaphore_mem>> -> memref<!tpu.dma_semaphore, #tpu.memory_space<semaphore_mem>>
        %dma_start3A_658 = arith.constant 0 : i32
        %dma_start3A_659 = tpu.memref_slice %arg7[%dma_start3A_649, %dma_start3A_650, %dma_start3A_658] : memref<4x3x160xi32, #tpu.memory_space<vmem>> -> memref<1x1x160xi32, #tpu.memory_space<vmem>>
        %dma_start3A_660 = tpu.memref_squeeze %dma_start3A_659 : memref<1x1x160xi32, #tpu.memory_space<vmem>> -> memref<160xi32, #tpu.memory_space<vmem>>
        %dma_start3A_661 = tpu.memref_slice %arg2[%add3A_648] : memref<2457600xi32, #tpu.memory_space<hbm>> -> memref<160xi32, #tpu.memory_space<hbm>>
        tpu.enqueue_dma source(%dma_start3A_661 : memref<160xi32, #tpu.memory_space<hbm>>) target(%dma_start3A_660 : memref<160xi32, #tpu.memory_space<vmem>>) target_semaphore(%dma_start3A_657 : memref<!tpu.dma_semaphore, #tpu.memory_space<semaphore_mem>>)
        %add3A_662 = arith.constant 1638400 : i32
        %add3A_663 = arith.addi %add3A_662, %add3A_631 : i32
        %dma_start3A_664 = arith.constant 2 : i32
        %dma_start3A_665 = arith.constant 2 : i32
        %dma_start3A_666 = arith.constant 2 : i32
        %dma_start3A_667 = arith.constant 0 : i32
        %dma_start3A_668 = tpu.memref_slice %arg7[%dma_start3A_664, %dma_start3A_665, %dma_start3A_667] : memref<4x3x160xi32, #tpu.memory_space<vmem>> -> memref<1x1x160xi32, #tpu.memory_space<vmem>>
        %dma_start3A_669 = tpu.memref_squeeze %dma_start3A_668 : memref<1x1x160xi32, #tpu.memory_space<vmem>> -> memref<160xi32, #tpu.memory_space<vmem>>
        %dma_start3A_670 = tpu.memref_slice %arg2[%add3A_663] : memref<2457600xi32, #tpu.memory_space<hbm>> -> memref<160xi32, #tpu.memory_space<hbm>>
        %dma_start3A_671 = tpu.memref_slice %arg10[%dma_start3A_666] : memref<4x!tpu.dma_semaphore, #tpu.memory_space<semaphore_mem>> -> memref<1x!tpu.dma_semaphore, #tpu.memory_space<semaphore_mem>>
        %dma_start3A_672 = tpu.memref_squeeze %dma_start3A_671 : memref<1x!tpu.dma_semaphore, #tpu.memory_space<semaphore_mem>> -> memref<!tpu.dma_semaphore, #tpu.memory_space<semaphore_mem>>
        %dma_start3A_673 = arith.constant 0 : i32
        %dma_start3A_674 = tpu.memref_slice %arg7[%dma_start3A_664, %dma_start3A_665, %dma_start3A_673] : memref<4x3x160xi32, #tpu.memory_space<vmem>> -> memref<1x1x160xi32, #tpu.memory_space<vmem>>
        %dma_start3A_675 = tpu.memref_squeeze %dma_start3A_674 : memref<1x1x160xi32, #tpu.memory_space<vmem>> -> memref<160xi32, #tpu.memory_space<vmem>>
        %dma_start3A_676 = tpu.memref_slice %arg2[%add3A_663] : memref<2457600xi32, #tpu.memory_space<hbm>> -> memref<160xi32, #tpu.memory_space<hbm>>
        tpu.enqueue_dma source(%dma_start3A_676 : memref<160xi32, #tpu.memory_space<hbm>>) target(%dma_start3A_675 : memref<160xi32, #tpu.memory_space<vmem>>) target_semaphore(%dma_start3A_672 : memref<!tpu.dma_semaphore, #tpu.memory_space<semaphore_mem>>)
      } else {
      }
      %lt3A_544 = arith.constant 159 : i32
      %lt3A_545 = arith.cmpi slt, %add3A_538, %lt3A_544 : i32
      %convert_element_type3A_546 = arith.extui %lt3A_545 : i1 to i32
      %cond3A_547 = arith.constant 0 : i32
      %cond3A_548 = arith.cmpi ne, %convert_element_type3A_546, %cond3A_547 : i32
      scf.if %cond3A_548 {
        %dma_wait3A_627 = arith.constant 0 : i32
        %dma_wait3A_628 = arith.constant 0 : i32
        %dma_wait3A_629 = arith.constant 0 : i32
        %dma_wait3A_630 = arith.constant 0 : i32
        %dma_wait3A_631 = tpu.memref_slice %arg7[%dma_wait3A_627, %dma_wait3A_628, %dma_wait3A_630] : memref<4x3x160xi32, #tpu.memory_space<vmem>> -> memref<1x1x160xi32, #tpu.memory_space<vmem>>
        %dma_wait3A_632 = tpu.memref_squeeze %dma_wait3A_631 : memref<1x1x160xi32, #tpu.memory_space<vmem>> -> memref<160xi32, #tpu.memory_space<vmem>>
        %dma_wait3A_633 = tpu.memref_slice %arg2[%mul3A_2] : memref<2457600xi32, #tpu.memory_space<hbm>> -> memref<160xi32, #tpu.memory_space<hbm>>
        %dma_wait3A_634 = tpu.memref_slice %arg10[%dma_wait3A_629] : memref<4x!tpu.dma_semaphore, #tpu.memory_space<semaphore_mem>> -> memref<1x!tpu.dma_semaphore, #tpu.memory_space<semaphore_mem>>
        %dma_wait3A_635 = tpu.memref_squeeze %dma_wait3A_634 : memref<1x!tpu.dma_semaphore, #tpu.memory_space<semaphore_mem>> -> memref<!tpu.dma_semaphore, #tpu.memory_space<semaphore_mem>>
        %dma_wait3A_636 = arith.constant 0 : i32
        %dma_wait3A_637 = tpu.memref_slice %arg7[%dma_wait3A_627, %dma_wait3A_628, %dma_wait3A_636] : memref<4x3x160xi32, #tpu.memory_space<vmem>> -> memref<1x1x160xi32, #tpu.memory_space<vmem>>
        %dma_wait3A_638 = tpu.memref_squeeze %dma_wait3A_637 : memref<1x1x160xi32, #tpu.memory_space<vmem>> -> memref<160xi32, #tpu.memory_space<vmem>>
        %dma_wait3A_639 = tpu.memref_slice %arg2[%mul3A_2] : memref<2457600xi32, #tpu.memory_space<hbm>> -> memref<160xi32, #tpu.memory_space<hbm>>
        tpu.wait_dma2 semaphore(%dma_wait3A_635 : memref<!tpu.dma_semaphore, #tpu.memory_space<semaphore_mem>>) src(%dma_wait3A_639 : memref<160xi32, #tpu.memory_space<hbm>>) dst(%dma_wait3A_638 : memref<160xi32, #tpu.memory_space<vmem>>)
        %dma_wait3A_640 = arith.constant 0 : i32
        %dma_wait3A_641 = arith.constant 1 : i32
        %dma_wait3A_642 = arith.constant 0 : i32
        %dma_wait3A_643 = arith.constant 0 : i32
        %dma_wait3A_644 = tpu.memref_slice %arg7[%dma_wait3A_640, %dma_wait3A_641, %dma_wait3A_643] : memref<4x3x160xi32, #tpu.memory_space<vmem>> -> memref<1x1x160xi32, #tpu.memory_space<vmem>>
        %dma_wait3A_645 = tpu.memref_squeeze %dma_wait3A_644 : memref<1x1x160xi32, #tpu.memory_space<vmem>> -> memref<160xi32, #tpu.memory_space<vmem>>
        %dma_wait3A_646 = tpu.memref_slice %arg2[%mul3A_2] : memref<2457600xi32, #tpu.memory_space<hbm>> -> memref<160xi32, #tpu.memory_space<hbm>>
        %dma_wait3A_647 = tpu.memref_slice %arg10[%dma_wait3A_642] : memref<4x!tpu.dma_semaphore, #tpu.memory_space<semaphore_mem>> -> memref<1x!tpu.dma_semaphore, #tpu.memory_space<semaphore_mem>>
        %dma_wait3A_648 = tpu.memref_squeeze %dma_wait3A_647 : memref<1x!tpu.dma_semaphore, #tpu.memory_space<semaphore_mem>> -> memref<!tpu.dma_semaphore, #tpu.memory_space<semaphore_mem>>
        %dma_wait3A_649 = arith.constant 0 : i32
        %dma_wait3A_650 = tpu.memref_slice %arg7[%dma_wait3A_640, %dma_wait3A_641, %dma_wait3A_649] : memref<4x3x160xi32, #tpu.memory_space<vmem>> -> memref<1x1x160xi32, #tpu.memory_space<vmem>>
        %dma_wait3A_651 = tpu.memref_squeeze %dma_wait3A_650 : memref<1x1x160xi32, #tpu.memory_space<vmem>> -> memref<160xi32, #tpu.memory_space<vmem>>
        %dma_wait3A_652 = tpu.memref_slice %arg2[%mul3A_2] : memref<2457600xi32, #tpu.memory_space<hbm>> -> memref<160xi32, #tpu.memory_space<hbm>>
        tpu.wait_dma2 semaphore(%dma_wait3A_648 : memref<!tpu.dma_semaphore, #tpu.memory_space<semaphore_mem>>) src(%dma_wait3A_652 : memref<160xi32, #tpu.memory_space<hbm>>) dst(%dma_wait3A_651 : memref<160xi32, #tpu.memory_space<vmem>>)
        %dma_wait3A_653 = arith.constant 0 : i32
        %dma_wait3A_654 = arith.constant 2 : i32
        %dma_wait3A_655 = arith.constant 0 : i32
        %dma_wait3A_656 = arith.constant 0 : i32
        %dma_wait3A_657 = tpu.memref_slice %arg7[%dma_wait3A_653, %dma_wait3A_654, %dma_wait3A_656] : memref<4x3x160xi32, #tpu.memory_space<vmem>> -> memref<1x1x160xi32, #tpu.memory_space<vmem>>
        %dma_wait3A_658 = tpu.memref_squeeze %dma_wait3A_657 : memref<1x1x160xi32, #tpu.memory_space<vmem>> -> memref<160xi32, #tpu.memory_space<vmem>>
        %dma_wait3A_659 = tpu.memref_slice %arg2[%mul3A_2] : memref<2457600xi32, #tpu.memory_space<hbm>> -> memref<160xi32, #tpu.memory_space<hbm>>
        %dma_wait3A_660 = tpu.memref_slice %arg10[%dma_wait3A_655] : memref<4x!tpu.dma_semaphore, #tpu.memory_space<semaphore_mem>> -> memref<1x!tpu.dma_semaphore, #tpu.memory_space<semaphore_mem>>
        %dma_wait3A_661 = tpu.memref_squeeze %dma_wait3A_660 : memref<1x!tpu.dma_semaphore, #tpu.memory_space<semaphore_mem>> -> memref<!tpu.dma_semaphore, #tpu.memory_space<semaphore_mem>>
        %dma_wait3A_662 = arith.constant 0 : i32
        %dma_wait3A_663 = tpu.memref_slice %arg7[%dma_wait3A_653, %dma_wait3A_654, %dma_wait3A_662] : memref<4x3x160xi32, #tpu.memory_space<vmem>> -> memref<1x1x160xi32, #tpu.memory_space<vmem>>
        %dma_wait3A_664 = tpu.memref_squeeze %dma_wait3A_663 : memref<1x1x160xi32, #tpu.memory_space<vmem>> -> memref<160xi32, #tpu.memory_space<vmem>>
        %dma_wait3A_665 = tpu.memref_slice %arg2[%mul3A_2] : memref<2457600xi32, #tpu.memory_space<hbm>> -> memref<160xi32, #tpu.memory_space<hbm>>
        tpu.wait_dma2 semaphore(%dma_wait3A_661 : memref<!tpu.dma_semaphore, #tpu.memory_space<semaphore_mem>>) src(%dma_wait3A_665 : memref<160xi32, #tpu.memory_space<hbm>>) dst(%dma_wait3A_664 : memref<160xi32, #tpu.memory_space<vmem>>)
        %dma_start3A_666 = arith.constant 0 : i32
        %dma_start3A_667 = arith.constant 0 : i32
        %dma_start3A_668 = arith.constant 0 : i32
        %dma_start3A_669 = arith.constant 0 : i32
        %dma_start3A_670 = arith.constant 0 : i32
        %dma_start3A_671 = arith.constant 0 : i32
        %dma_start3A_672 = arith.constant 0 : i32
        %dma_start3A_673 = tpu.memref_slice %arg8[%dma_start3A_668, %dma_start3A_669, %dma_start3A_671, %dma_start3A_672] : memref<2x3x160x64xf32, #tpu.memory_space<vmem>> -> memref<1x1x160x64xf32, #tpu.memory_space<vmem>>
        %dma_start3A_674 = tpu.memref_squeeze %dma_start3A_673 : memref<1x1x160x64xf32, #tpu.memory_space<vmem>> -> memref<160x64xf32, #tpu.memory_space<vmem>>
        %dma_start3A_675 = arith.constant 0 : i32
        %dma_start3A_676 = tpu.memref_slice %arg7[%dma_start3A_666, %dma_start3A_667, %dma_start3A_675] : memref<4x3x160xi32, #tpu.memory_space<vmem>> -> memref<1x1x160xi32, #tpu.memory_space<vmem>>
        %dma_start3A_677 = tpu.memref_squeeze %dma_start3A_676 : memref<1x1x160xi32, #tpu.memory_space<vmem>> -> memref<160xi32, #tpu.memory_space<vmem>>
        %dma_start3A_678 = arith.constant 0 : i32
        %dma_start3A_679 = arith.constant 0 : i32
        %dma_start3A_680 = tpu.memref_slice %arg3[%dma_start3A_678, %dma_start3A_679] : memref<100000x64xf32, #tpu.memory_space<hbm>> -> memref<100000x64xf32, #tpu.memory_space<hbm>>
        %dma_start3A_681 = tpu.memref_slice %arg11[%dma_start3A_670] : memref<2x!tpu.dma_semaphore, #tpu.memory_space<semaphore_mem>> -> memref<1x!tpu.dma_semaphore, #tpu.memory_space<semaphore_mem>>
        %dma_start3A_682 = tpu.memref_squeeze %dma_start3A_681 : memref<1x!tpu.dma_semaphore, #tpu.memory_space<semaphore_mem>> -> memref<!tpu.dma_semaphore, #tpu.memory_space<semaphore_mem>>
        tpu.enqueue_indirect_dma source(%dma_start3A_680 : memref<100000x64xf32, #tpu.memory_space<hbm>>) target(%dma_start3A_674 : memref<160x64xf32, #tpu.memory_space<vmem>>) offsets(%dma_start3A_677 : memref<160xi32, #tpu.memory_space<vmem>>) semaphore(%dma_start3A_682 : memref<!tpu.dma_semaphore, #tpu.memory_space<semaphore_mem>>)
        %dma_start3A_683 = arith.constant 0 : i32
        %dma_start3A_684 = arith.constant 1 : i32
        %dma_start3A_685 = arith.constant 0 : i32
        %dma_start3A_686 = arith.constant 1 : i32
        %dma_start3A_687 = arith.constant 0 : i32
        %dma_start3A_688 = arith.constant 0 : i32
        %dma_start3A_689 = arith.constant 0 : i32
        %dma_start3A_690 = tpu.memref_slice %arg8[%dma_start3A_685, %dma_start3A_686, %dma_start3A_688, %dma_start3A_689] : memref<2x3x160x64xf32, #tpu.memory_space<vmem>> -> memref<1x1x160x64xf32, #tpu.memory_space<vmem>>
        %dma_start3A_691 = tpu.memref_squeeze %dma_start3A_690 : memref<1x1x160x64xf32, #tpu.memory_space<vmem>> -> memref<160x64xf32, #tpu.memory_space<vmem>>
        %dma_start3A_692 = arith.constant 0 : i32
        %dma_start3A_693 = tpu.memref_slice %arg7[%dma_start3A_683, %dma_start3A_684, %dma_start3A_692] : memref<4x3x160xi32, #tpu.memory_space<vmem>> -> memref<1x1x160xi32, #tpu.memory_space<vmem>>
        %dma_start3A_694 = tpu.memref_squeeze %dma_start3A_693 : memref<1x1x160xi32, #tpu.memory_space<vmem>> -> memref<160xi32, #tpu.memory_space<vmem>>
        %dma_start3A_695 = arith.constant 0 : i32
        %dma_start3A_696 = arith.constant 0 : i32
        %dma_start3A_697 = tpu.memref_slice %arg4[%dma_start3A_695, %dma_start3A_696] : memref<100000x64xf32, #tpu.memory_space<hbm>> -> memref<100000x64xf32, #tpu.memory_space<hbm>>
        %dma_start3A_698 = tpu.memref_slice %arg11[%dma_start3A_687] : memref<2x!tpu.dma_semaphore, #tpu.memory_space<semaphore_mem>> -> memref<1x!tpu.dma_semaphore, #tpu.memory_space<semaphore_mem>>
        %dma_start3A_699 = tpu.memref_squeeze %dma_start3A_698 : memref<1x!tpu.dma_semaphore, #tpu.memory_space<semaphore_mem>> -> memref<!tpu.dma_semaphore, #tpu.memory_space<semaphore_mem>>
        tpu.enqueue_indirect_dma source(%dma_start3A_697 : memref<100000x64xf32, #tpu.memory_space<hbm>>) target(%dma_start3A_691 : memref<160x64xf32, #tpu.memory_space<vmem>>) offsets(%dma_start3A_694 : memref<160xi32, #tpu.memory_space<vmem>>) semaphore(%dma_start3A_699 : memref<!tpu.dma_semaphore, #tpu.memory_space<semaphore_mem>>)
        %dma_start3A_700 = arith.constant 0 : i32
        %dma_start3A_701 = arith.constant 2 : i32
        %dma_start3A_702 = arith.constant 0 : i32
        %dma_start3A_703 = arith.constant 2 : i32
        %dma_start3A_704 = arith.constant 0 : i32
        %dma_start3A_705 = arith.constant 0 : i32
        %dma_start3A_706 = arith.constant 0 : i32
        %dma_start3A_707 = tpu.memref_slice %arg8[%dma_start3A_702, %dma_start3A_703, %dma_start3A_705, %dma_start3A_706] : memref<2x3x160x64xf32, #tpu.memory_space<vmem>> -> memref<1x1x160x64xf32, #tpu.memory_space<vmem>>
        %dma_start3A_708 = tpu.memref_squeeze %dma_start3A_707 : memref<1x1x160x64xf32, #tpu.memory_space<vmem>> -> memref<160x64xf32, #tpu.memory_space<vmem>>
        %dma_start3A_709 = arith.constant 0 : i32
        %dma_start3A_710 = tpu.memref_slice %arg7[%dma_start3A_700, %dma_start3A_701, %dma_start3A_709] : memref<4x3x160xi32, #tpu.memory_space<vmem>> -> memref<1x1x160xi32, #tpu.memory_space<vmem>>
        %dma_start3A_711 = tpu.memref_squeeze %dma_start3A_710 : memref<1x1x160xi32, #tpu.memory_space<vmem>> -> memref<160xi32, #tpu.memory_space<vmem>>
        %dma_start3A_712 = arith.constant 0 : i32
        %dma_start3A_713 = arith.constant 0 : i32
        %dma_start3A_714 = tpu.memref_slice %arg5[%dma_start3A_712, %dma_start3A_713] : memref<100000x64xf32, #tpu.memory_space<hbm>> -> memref<100000x64xf32, #tpu.memory_space<hbm>>
        %dma_start3A_715 = tpu.memref_slice %arg11[%dma_start3A_704] : memref<2x!tpu.dma_semaphore, #tpu.memory_space<semaphore_mem>> -> memref<1x!tpu.dma_semaphore, #tpu.memory_space<semaphore_mem>>
        %dma_start3A_716 = tpu.memref_squeeze %dma_start3A_715 : memref<1x!tpu.dma_semaphore, #tpu.memory_space<semaphore_mem>> -> memref<!tpu.dma_semaphore, #tpu.memory_space<semaphore_mem>>
        tpu.enqueue_indirect_dma source(%dma_start3A_714 : memref<100000x64xf32, #tpu.memory_space<hbm>>) target(%dma_start3A_708 : memref<160x64xf32, #tpu.memory_space<vmem>>) offsets(%dma_start3A_711 : memref<160xi32, #tpu.memory_space<vmem>>) semaphore(%dma_start3A_716 : memref<!tpu.dma_semaphore, #tpu.memory_space<semaphore_mem>>)
      } else {
      }
      %dma_wait3A_549 = arith.constant 3 : i32
      %dma_wait3A_550 = arith.constant 0 : i32
      %dma_wait3A_551 = arith.constant 1 : i32
      %dma_wait3A_552 = arith.constant 0 : i32
      %dma_wait3A_553 = arith.constant 1 : i32
      %dma_wait3A_554 = arith.constant 0 : i32
      %dma_wait3A_555 = arith.constant 0 : i32
      %dma_wait3A_556 = tpu.memref_slice %arg8[%dma_wait3A_551, %dma_wait3A_552, %dma_wait3A_554, %dma_wait3A_555] : memref<2x3x160x64xf32, #tpu.memory_space<vmem>> -> memref<1x1x160x64xf32, #tpu.memory_space<vmem>>
      %dma_wait3A_557 = tpu.memref_squeeze %dma_wait3A_556 : memref<1x1x160x64xf32, #tpu.memory_space<vmem>> -> memref<160x64xf32, #tpu.memory_space<vmem>>
      %dma_wait3A_558 = arith.constant 0 : i32
      %dma_wait3A_559 = tpu.memref_slice %arg7[%dma_wait3A_549, %dma_wait3A_550, %dma_wait3A_558] : memref<4x3x160xi32, #tpu.memory_space<vmem>> -> memref<1x1x160xi32, #tpu.memory_space<vmem>>
      %dma_wait3A_560 = tpu.memref_squeeze %dma_wait3A_559 : memref<1x1x160xi32, #tpu.memory_space<vmem>> -> memref<160xi32, #tpu.memory_space<vmem>>
      %dma_wait3A_561 = arith.constant 0 : i32
      %dma_wait3A_562 = arith.constant 0 : i32
      %dma_wait3A_563 = tpu.memref_slice %arg3[%dma_wait3A_561, %dma_wait3A_562] : memref<100000x64xf32, #tpu.memory_space<hbm>> -> memref<100000x64xf32, #tpu.memory_space<hbm>>
      %dma_wait3A_564 = tpu.memref_slice %arg11[%dma_wait3A_553] : memref<2x!tpu.dma_semaphore, #tpu.memory_space<semaphore_mem>> -> memref<1x!tpu.dma_semaphore, #tpu.memory_space<semaphore_mem>>
      %dma_wait3A_565 = tpu.memref_squeeze %dma_wait3A_564 : memref<1x!tpu.dma_semaphore, #tpu.memory_space<semaphore_mem>> -> memref<!tpu.dma_semaphore, #tpu.memory_space<semaphore_mem>>
      tpu.wait_indirect_dma semaphore(%dma_wait3A_565 : memref<!tpu.dma_semaphore, #tpu.memory_space<semaphore_mem>>) src(%dma_wait3A_563 : memref<100000x64xf32, #tpu.memory_space<hbm>>) dst(%dma_wait3A_557 : memref<160x64xf32, #tpu.memory_space<vmem>>)
      %dma_wait3A_566 = arith.constant 3 : i32
      %dma_wait3A_567 = arith.constant 1 : i32
      %dma_wait3A_568 = arith.constant 1 : i32
      %dma_wait3A_569 = arith.constant 1 : i32
      %dma_wait3A_570 = arith.constant 1 : i32
      %dma_wait3A_571 = arith.constant 0 : i32
      %dma_wait3A_572 = arith.constant 0 : i32
      %dma_wait3A_573 = tpu.memref_slice %arg8[%dma_wait3A_568, %dma_wait3A_569, %dma_wait3A_571, %dma_wait3A_572] : memref<2x3x160x64xf32, #tpu.memory_space<vmem>> -> memref<1x1x160x64xf32, #tpu.memory_space<vmem>>
      %dma_wait3A_574 = tpu.memref_squeeze %dma_wait3A_573 : memref<1x1x160x64xf32, #tpu.memory_space<vmem>> -> memref<160x64xf32, #tpu.memory_space<vmem>>
      %dma_wait3A_575 = arith.constant 0 : i32
      %dma_wait3A_576 = tpu.memref_slice %arg7[%dma_wait3A_566, %dma_wait3A_567, %dma_wait3A_575] : memref<4x3x160xi32, #tpu.memory_space<vmem>> -> memref<1x1x160xi32, #tpu.memory_space<vmem>>
      %dma_wait3A_577 = tpu.memref_squeeze %dma_wait3A_576 : memref<1x1x160xi32, #tpu.memory_space<vmem>> -> memref<160xi32, #tpu.memory_space<vmem>>
      %dma_wait3A_578 = arith.constant 0 : i32
      %dma_wait3A_579 = arith.constant 0 : i32
      %dma_wait3A_580 = tpu.memref_slice %arg4[%dma_wait3A_578, %dma_wait3A_579] : memref<100000x64xf32, #tpu.memory_space<hbm>> -> memref<100000x64xf32, #tpu.memory_space<hbm>>
      %dma_wait3A_581 = tpu.memref_slice %arg11[%dma_wait3A_570] : memref<2x!tpu.dma_semaphore, #tpu.memory_space<semaphore_mem>> -> memref<1x!tpu.dma_semaphore, #tpu.memory_space<semaphore_mem>>
      %dma_wait3A_582 = tpu.memref_squeeze %dma_wait3A_581 : memref<1x!tpu.dma_semaphore, #tpu.memory_space<semaphore_mem>> -> memref<!tpu.dma_semaphore, #tpu.memory_space<semaphore_mem>>
      tpu.wait_indirect_dma semaphore(%dma_wait3A_582 : memref<!tpu.dma_semaphore, #tpu.memory_space<semaphore_mem>>) src(%dma_wait3A_580 : memref<100000x64xf32, #tpu.memory_space<hbm>>) dst(%dma_wait3A_574 : memref<160x64xf32, #tpu.memory_space<vmem>>)
      %dma_wait3A_583 = arith.constant 3 : i32
      %dma_wait3A_584 = arith.constant 2 : i32
      %dma_wait3A_585 = arith.constant 1 : i32
      %dma_wait3A_586 = arith.constant 2 : i32
      %dma_wait3A_587 = arith.constant 1 : i32
      %dma_wait3A_588 = arith.constant 0 : i32
      %dma_wait3A_589 = arith.constant 0 : i32
      %dma_wait3A_590 = tpu.memref_slice %arg8[%dma_wait3A_585, %dma_wait3A_586, %dma_wait3A_588, %dma_wait3A_589] : memref<2x3x160x64xf32, #tpu.memory_space<vmem>> -> memref<1x1x160x64xf32, #tpu.memory_space<vmem>>
      %dma_wait3A_591 = tpu.memref_squeeze %dma_wait3A_590 : memref<1x1x160x64xf32, #tpu.memory_space<vmem>> -> memref<160x64xf32, #tpu.memory_space<vmem>>
      %dma_wait3A_592 = arith.constant 0 : i32
      %dma_wait3A_593 = tpu.memref_slice %arg7[%dma_wait3A_583, %dma_wait3A_584, %dma_wait3A_592] : memref<4x3x160xi32, #tpu.memory_space<vmem>> -> memref<1x1x160xi32, #tpu.memory_space<vmem>>
      %dma_wait3A_594 = tpu.memref_squeeze %dma_wait3A_593 : memref<1x1x160xi32, #tpu.memory_space<vmem>> -> memref<160xi32, #tpu.memory_space<vmem>>
      %dma_wait3A_595 = arith.constant 0 : i32
      %dma_wait3A_596 = arith.constant 0 : i32
      %dma_wait3A_597 = tpu.memref_slice %arg5[%dma_wait3A_595, %dma_wait3A_596] : memref<100000x64xf32, #tpu.memory_space<hbm>> -> memref<100000x64xf32, #tpu.memory_space<hbm>>
      %dma_wait3A_598 = tpu.memref_slice %arg11[%dma_wait3A_587] : memref<2x!tpu.dma_semaphore, #tpu.memory_space<semaphore_mem>> -> memref<1x!tpu.dma_semaphore, #tpu.memory_space<semaphore_mem>>
      %dma_wait3A_599 = tpu.memref_squeeze %dma_wait3A_598 : memref<1x!tpu.dma_semaphore, #tpu.memory_space<semaphore_mem>> -> memref<!tpu.dma_semaphore, #tpu.memory_space<semaphore_mem>>
      tpu.wait_indirect_dma semaphore(%dma_wait3A_599 : memref<!tpu.dma_semaphore, #tpu.memory_space<semaphore_mem>>) src(%dma_wait3A_597 : memref<100000x64xf32, #tpu.memory_space<hbm>>) dst(%dma_wait3A_591 : memref<160x64xf32, #tpu.memory_space<vmem>>)
      %ge3A_600 = arith.constant 2 : i32
      %ge3A_601 = arith.cmpi sge, %add3A_538, %ge3A_600 : i32
      %convert_element_type3A_602 = arith.extui %ge3A_601 : i1 to i32
      %cond3A_603 = arith.constant 0 : i32
      %cond3A_604 = arith.cmpi ne, %convert_element_type3A_602, %cond3A_603 : i32
      scf.if %cond3A_604 {
        %dma_wait3A_627 = arith.constant 1 : i32
        %dma_wait3A_628 = arith.constant 1 : i32
        %dma_wait3A_629 = arith.constant 0 : i32
        %dma_wait3A_630 = arith.constant 0 : i32
        %dma_wait3A_631 = tpu.memref_slice %arg9[%dma_wait3A_627, %dma_wait3A_629, %dma_wait3A_630] : memref<2x160x64xf32, #tpu.memory_space<vmem>> -> memref<1x160x64xf32, #tpu.memory_space<vmem>>
        %dma_wait3A_632 = tpu.memref_squeeze %dma_wait3A_631 : memref<1x160x64xf32, #tpu.memory_space<vmem>> -> memref<160x64xf32, #tpu.memory_space<vmem>>
        %dma_wait3A_633 = arith.constant 0 : i32
        %dma_wait3A_634 = tpu.memref_slice %arg6[%mul3A_2, %dma_wait3A_633] : memref<819200x64xf32, #tpu.memory_space<hbm>> -> memref<160x64xf32, #tpu.memory_space<hbm>>
        %dma_wait3A_635 = tpu.memref_slice %arg12[%dma_wait3A_628] : memref<2x!tpu.dma_semaphore, #tpu.memory_space<semaphore_mem>> -> memref<1x!tpu.dma_semaphore, #tpu.memory_space<semaphore_mem>>
        %dma_wait3A_636 = tpu.memref_squeeze %dma_wait3A_635 : memref<1x!tpu.dma_semaphore, #tpu.memory_space<semaphore_mem>> -> memref<!tpu.dma_semaphore, #tpu.memory_space<semaphore_mem>>
        %dma_wait3A_637 = arith.constant 0 : i32
        %dma_wait3A_638 = tpu.memref_slice %arg6[%mul3A_2, %dma_wait3A_637] : memref<819200x64xf32, #tpu.memory_space<hbm>> -> memref<160x64xf32, #tpu.memory_space<hbm>>
        %dma_wait3A_639 = arith.constant 0 : i32
        %dma_wait3A_640 = arith.constant 0 : i32
        %dma_wait3A_641 = tpu.memref_slice %arg9[%dma_wait3A_627, %dma_wait3A_639, %dma_wait3A_640] : memref<2x160x64xf32, #tpu.memory_space<vmem>> -> memref<1x160x64xf32, #tpu.memory_space<vmem>>
        %dma_wait3A_642 = tpu.memref_squeeze %dma_wait3A_641 : memref<1x160x64xf32, #tpu.memory_space<vmem>> -> memref<160x64xf32, #tpu.memory_space<vmem>>
        tpu.wait_dma2 semaphore(%dma_wait3A_636 : memref<!tpu.dma_semaphore, #tpu.memory_space<semaphore_mem>>) src(%dma_wait3A_642 : memref<160x64xf32, #tpu.memory_space<vmem>>) dst(%dma_wait3A_638 : memref<160x64xf32, #tpu.memory_space<hbm>>)
      } else {
      }
      %parallel_loop3A_605 = arith.constant 0 : i32
      %parallel_loop3A_606 = arith.constant 160 : i32
      %parallel_loop3A_607 = arith.constant 1 : i32
      scf.for %parallel_loop3A_627 = %parallel_loop3A_605 to %parallel_loop3A_606 step %parallel_loop3A_607  : i32 {
        %parallel_loop3A_628 = arith.constant 1 : i32
        %parallel_loop3A_629 = arith.constant 0 : i32
        %parallel_loop3A_630 = arith.index_cast %parallel_loop3A_628 : i32 to index
        %parallel_loop3A_631 = arith.index_cast %parallel_loop3A_629 : i32 to index
        %parallel_loop3A_632 = arith.index_cast %parallel_loop3A_627 : i32 to index
        %parallel_loop3A_633 = arith.constant 0 : index
        %parallel_loop3A_634 = tpu.vector_load %arg8[%parallel_loop3A_630, %parallel_loop3A_631, %parallel_loop3A_632, %parallel_loop3A_633] {strides = array<i32>} : memref<2x3x160x64xf32, #tpu.memory_space<vmem>>, vector<1x1x1x16xf32>,
        %parallel_loop3A_635 = vector.shape_cast %parallel_loop3A_634 : vector<1x1x1x16xf32> to vector<16xf32>
        %parallel_loop3A_636 = arith.constant 1 : i32
        %parallel_loop3A_637 = arith.constant 1 : i32
        %parallel_loop3A_638 = arith.index_cast %parallel_loop3A_636 : i32 to index
        %parallel_loop3A_639 = arith.index_cast %parallel_loop3A_637 : i32 to index
        %parallel_loop3A_640 = arith.index_cast %parallel_loop3A_627 : i32 to index
        %parallel_loop3A_641 = arith.constant 0 : index
        %parallel_loop3A_642 = tpu.vector_load %arg8[%parallel_loop3A_638, %parallel_loop3A_639, %parallel_loop3A_640, %parallel_loop3A_641] {strides = array<i32>} : memref<2x3x160x64xf32, #tpu.memory_space<vmem>>, vector<1x1x1x16xf32>,
        %parallel_loop3A_643 = vector.shape_cast %parallel_loop3A_642 : vector<1x1x1x16xf32> to vector<16xf32>
        %parallel_loop3A_644 = arith.addf %parallel_loop3A_635, %parallel_loop3A_643 : vector<16xf32>
        %parallel_loop3A_645 = arith.constant 1 : i32
        %parallel_loop3A_646 = arith.constant 2 : i32
        %parallel_loop3A_647 = arith.index_cast %parallel_loop3A_645 : i32 to index
        %parallel_loop3A_648 = arith.index_cast %parallel_loop3A_646 : i32 to index
        %parallel_loop3A_649 = arith.index_cast %parallel_loop3A_627 : i32 to index
        %parallel_loop3A_650 = arith.constant 0 : index
        %parallel_loop3A_651 = tpu.vector_load %arg8[%parallel_loop3A_647, %parallel_loop3A_648, %parallel_loop3A_649, %parallel_loop3A_650] {strides = array<i32>} : memref<2x3x160x64xf32, #tpu.memory_space<vmem>>, vector<1x1x1x16xf32>,
        %parallel_loop3A_652 = vector.shape_cast %parallel_loop3A_651 : vector<1x1x1x16xf32> to vector<16xf32>
        %parallel_loop3A_653 = arith.addf %parallel_loop3A_644, %parallel_loop3A_652 : vector<16xf32>
        %parallel_loop3A_654 = arith.constant 1 : i32
        %parallel_loop3A_655 = arith.index_cast %parallel_loop3A_654 : i32 to index
        %parallel_loop3A_656 = arith.index_cast %parallel_loop3A_627 : i32 to index
        %parallel_loop3A_657 = arith.constant 0 : index
        %parallel_loop3A_658 = tpu.vector_load %arg9[%parallel_loop3A_655, %parallel_loop3A_656, %parallel_loop3A_657] {strides = array<i32>} : memref<2x160x64xf32, #tpu.memory_space<vmem>>, vector<1x1x16xf32>,
        %parallel_loop3A_659 = vector.shape_cast %parallel_loop3A_658 : vector<1x1x16xf32> to vector<16xf32>
        %parallel_loop3A_660 = vector.shape_cast %parallel_loop3A_653 : vector<16xf32> to vector<1x1x16xf32>
        tpu.vector_store %arg9[%parallel_loop3A_655, %parallel_loop3A_656, %parallel_loop3A_657], %parallel_loop3A_660 {strides = array<i32>} : memref<2x160x64xf32, #tpu.memory_space<vmem>>, vector<1x1x16xf32>,
        %parallel_loop3A_661 = arith.constant 1 : i32
        %parallel_loop3A_662 = arith.constant 0 : i32
        %parallel_loop3A_663 = arith.index_cast %parallel_loop3A_661 : i32 to index
        %parallel_loop3A_664 = arith.index_cast %parallel_loop3A_662 : i32 to index
        %parallel_loop3A_665 = arith.index_cast %parallel_loop3A_627 : i32 to index
        %parallel_loop3A_666 = arith.constant 16 : index
        %parallel_loop3A_667 = tpu.vector_load %arg8[%parallel_loop3A_663, %parallel_loop3A_664, %parallel_loop3A_665, %parallel_loop3A_666] {strides = array<i32>} : memref<2x3x160x64xf32, #tpu.memory_space<vmem>>, vector<1x1x1x16xf32>,
        %parallel_loop3A_668 = vector.shape_cast %parallel_loop3A_667 : vector<1x1x1x16xf32> to vector<16xf32>
        %parallel_loop3A_669 = arith.constant 1 : i32
        %parallel_loop3A_670 = arith.constant 1 : i32
        %parallel_loop3A_671 = arith.index_cast %parallel_loop3A_669 : i32 to index
        %parallel_loop3A_672 = arith.index_cast %parallel_loop3A_670 : i32 to index
        %parallel_loop3A_673 = arith.index_cast %parallel_loop3A_627 : i32 to index
        %parallel_loop3A_674 = arith.constant 16 : index
        %parallel_loop3A_675 = tpu.vector_load %arg8[%parallel_loop3A_671, %parallel_loop3A_672, %parallel_loop3A_673, %parallel_loop3A_674] {strides = array<i32>} : memref<2x3x160x64xf32, #tpu.memory_space<vmem>>, vector<1x1x1x16xf32>,
        %parallel_loop3A_676 = vector.shape_cast %parallel_loop3A_675 : vector<1x1x1x16xf32> to vector<16xf32>
        %parallel_loop3A_677 = arith.addf %parallel_loop3A_668, %parallel_loop3A_676 : vector<16xf32>
        %parallel_loop3A_678 = arith.constant 1 : i32
        %parallel_loop3A_679 = arith.constant 2 : i32
        %parallel_loop3A_680 = arith.index_cast %parallel_loop3A_678 : i32 to index
        %parallel_loop3A_681 = arith.index_cast %parallel_loop3A_679 : i32 to index
        %parallel_loop3A_682 = arith.index_cast %parallel_loop3A_627 : i32 to index
        %parallel_loop3A_683 = arith.constant 16 : index
        %parallel_loop3A_684 = tpu.vector_load %arg8[%parallel_loop3A_680, %parallel_loop3A_681, %parallel_loop3A_682, %parallel_loop3A_683] {strides = array<i32>} : memref<2x3x160x64xf32, #tpu.memory_space<vmem>>, vector<1x1x1x16xf32>,
        %parallel_loop3A_685 = vector.shape_cast %parallel_loop3A_684 : vector<1x1x1x16xf32> to vector<16xf32>
        %parallel_loop3A_686 = arith.addf %parallel_loop3A_677, %parallel_loop3A_685 : vector<16xf32>
        %parallel_loop3A_687 = arith.constant 1 : i32
        %parallel_loop3A_688 = arith.index_cast %parallel_loop3A_687 : i32 to index
        %parallel_loop3A_689 = arith.index_cast %parallel_loop3A_627 : i32 to index
        %parallel_loop3A_690 = arith.constant 16 : index
        %parallel_loop3A_691 = tpu.vector_load %arg9[%parallel_loop3A_688, %parallel_loop3A_689, %parallel_loop3A_690] {strides = array<i32>} : memref<2x160x64xf32, #tpu.memory_space<vmem>>, vector<1x1x16xf32>,
        %parallel_loop3A_692 = vector.shape_cast %parallel_loop3A_691 : vector<1x1x16xf32> to vector<16xf32>
        %parallel_loop3A_693 = vector.shape_cast %parallel_loop3A_686 : vector<16xf32> to vector<1x1x16xf32>
        tpu.vector_store %arg9[%parallel_loop3A_688, %parallel_loop3A_689, %parallel_loop3A_690], %parallel_loop3A_693 {strides = array<i32>} : memref<2x160x64xf32, #tpu.memory_space<vmem>>, vector<1x1x16xf32>,
        %parallel_loop3A_694 = arith.constant 1 : i32
        %parallel_loop3A_695 = arith.constant 0 : i32
        %parallel_loop3A_696 = arith.index_cast %parallel_loop3A_694 : i32 to index
        %parallel_loop3A_697 = arith.index_cast %parallel_loop3A_695 : i32 to index
        %parallel_loop3A_698 = arith.index_cast %parallel_loop3A_627 : i32 to index
        %parallel_loop3A_699 = arith.constant 32 : index
        %parallel_loop3A_700 = tpu.vector_load %arg8[%parallel_loop3A_696, %parallel_loop3A_697, %parallel_loop3A_698, %parallel_loop3A_699] {strides = array<i32>} : memref<2x3x160x64xf32, #tpu.memory_space<vmem>>, vector<1x1x1x16xf32>,
        %parallel_loop3A_701 = vector.shape_cast %parallel_loop3A_700 : vector<1x1x1x16xf32> to vector<16xf32>
        %parallel_loop3A_702 = arith.constant 1 : i32
        %parallel_loop3A_703 = arith.constant 1 : i32
        %parallel_loop3A_704 = arith.index_cast %parallel_loop3A_702 : i32 to index
        %parallel_loop3A_705 = arith.index_cast %parallel_loop3A_703 : i32 to index
        %parallel_loop3A_706 = arith.index_cast %parallel_loop3A_627 : i32 to index
        %parallel_loop3A_707 = arith.constant 32 : index
        %parallel_loop3A_708 = tpu.vector_load %arg8[%parallel_loop3A_704, %parallel_loop3A_705, %parallel_loop3A_706, %parallel_loop3A_707] {strides = array<i32>} : memref<2x3x160x64xf32, #tpu.memory_space<vmem>>, vector<1x1x1x16xf32>,
        %parallel_loop3A_709 = vector.shape_cast %parallel_loop3A_708 : vector<1x1x1x16xf32> to vector<16xf32>
        %parallel_loop3A_710 = arith.addf %parallel_loop3A_701, %parallel_loop3A_709 : vector<16xf32>
        %parallel_loop3A_711 = arith.constant 1 : i32
        %parallel_loop3A_712 = arith.constant 2 : i32
        %parallel_loop3A_713 = arith.index_cast %parallel_loop3A_711 : i32 to index
        %parallel_loop3A_714 = arith.index_cast %parallel_loop3A_712 : i32 to index
        %parallel_loop3A_715 = arith.index_cast %parallel_loop3A_627 : i32 to index
        %parallel_loop3A_716 = arith.constant 32 : index
        %parallel_loop3A_717 = tpu.vector_load %arg8[%parallel_loop3A_713, %parallel_loop3A_714, %parallel_loop3A_715, %parallel_loop3A_716] {strides = array<i32>} : memref<2x3x160x64xf32, #tpu.memory_space<vmem>>, vector<1x1x1x16xf32>,
        %parallel_loop3A_718 = vector.shape_cast %parallel_loop3A_717 : vector<1x1x1x16xf32> to vector<16xf32>
        %parallel_loop3A_719 = arith.addf %parallel_loop3A_710, %parallel_loop3A_718 : vector<16xf32>
        %parallel_loop3A_720 = arith.constant 1 : i32
        %parallel_loop3A_721 = arith.index_cast %parallel_loop3A_720 : i32 to index
        %parallel_loop3A_722 = arith.index_cast %parallel_loop3A_627 : i32 to index
        %parallel_loop3A_723 = arith.constant 32 : index
        %parallel_loop3A_724 = tpu.vector_load %arg9[%parallel_loop3A_721, %parallel_loop3A_722, %parallel_loop3A_723] {strides = array<i32>} : memref<2x160x64xf32, #tpu.memory_space<vmem>>, vector<1x1x16xf32>,
        %parallel_loop3A_725 = vector.shape_cast %parallel_loop3A_724 : vector<1x1x16xf32> to vector<16xf32>
        %parallel_loop3A_726 = vector.shape_cast %parallel_loop3A_719 : vector<16xf32> to vector<1x1x16xf32>
        tpu.vector_store %arg9[%parallel_loop3A_721, %parallel_loop3A_722, %parallel_loop3A_723], %parallel_loop3A_726 {strides = array<i32>} : memref<2x160x64xf32, #tpu.memory_space<vmem>>, vector<1x1x16xf32>,
        %parallel_loop3A_727 = arith.constant 1 : i32
        %parallel_loop3A_728 = arith.constant 0 : i32
        %parallel_loop3A_729 = arith.index_cast %parallel_loop3A_727 : i32 to index
        %parallel_loop3A_730 = arith.index_cast %parallel_loop3A_728 : i32 to index
        %parallel_loop3A_731 = arith.index_cast %parallel_loop3A_627 : i32 to index
        %parallel_loop3A_732 = arith.constant 48 : index
        %parallel_loop3A_733 = tpu.vector_load %arg8[%parallel_loop3A_729, %parallel_loop3A_730, %parallel_loop3A_731, %parallel_loop3A_732] {strides = array<i32>} : memref<2x3x160x64xf32, #tpu.memory_space<vmem>>, vector<1x1x1x16xf32>,
        %parallel_loop3A_734 = vector.shape_cast %parallel_loop3A_733 : vector<1x1x1x16xf32> to vector<16xf32>
        %parallel_loop3A_735 = arith.constant 1 : i32
        %parallel_loop3A_736 = arith.constant 1 : i32
        %parallel_loop3A_737 = arith.index_cast %parallel_loop3A_735 : i32 to index
        %parallel_loop3A_738 = arith.index_cast %parallel_loop3A_736 : i32 to index
        %parallel_loop3A_739 = arith.index_cast %parallel_loop3A_627 : i32 to index
        %parallel_loop3A_740 = arith.constant 48 : index
        %parallel_loop3A_741 = tpu.vector_load %arg8[%parallel_loop3A_737, %parallel_loop3A_738, %parallel_loop3A_739, %parallel_loop3A_740] {strides = array<i32>} : memref<2x3x160x64xf32, #tpu.memory_space<vmem>>, vector<1x1x1x16xf32>,
        %parallel_loop3A_742 = vector.shape_cast %parallel_loop3A_741 : vector<1x1x1x16xf32> to vector<16xf32>
        %parallel_loop3A_743 = arith.addf %parallel_loop3A_734, %parallel_loop3A_742 : vector<16xf32>
        %parallel_loop3A_744 = arith.constant 1 : i32
        %parallel_loop3A_745 = arith.constant 2 : i32
        %parallel_loop3A_746 = arith.index_cast %parallel_loop3A_744 : i32 to index
        %parallel_loop3A_747 = arith.index_cast %parallel_loop3A_745 : i32 to index
        %parallel_loop3A_748 = arith.index_cast %parallel_loop3A_627 : i32 to index
        %parallel_loop3A_749 = arith.constant 48 : index
        %parallel_loop3A_750 = tpu.vector_load %arg8[%parallel_loop3A_746, %parallel_loop3A_747, %parallel_loop3A_748, %parallel_loop3A_749] {strides = array<i32>} : memref<2x3x160x64xf32, #tpu.memory_space<vmem>>, vector<1x1x1x16xf32>,
        %parallel_loop3A_751 = vector.shape_cast %parallel_loop3A_750 : vector<1x1x1x16xf32> to vector<16xf32>
        %parallel_loop3A_752 = arith.addf %parallel_loop3A_743, %parallel_loop3A_751 : vector<16xf32>
        %parallel_loop3A_753 = arith.constant 1 : i32
        %parallel_loop3A_754 = arith.index_cast %parallel_loop3A_753 : i32 to index
        %parallel_loop3A_755 = arith.index_cast %parallel_loop3A_627 : i32 to index
        %parallel_loop3A_756 = arith.constant 48 : index
        %parallel_loop3A_757 = tpu.vector_load %arg9[%parallel_loop3A_754, %parallel_loop3A_755, %parallel_loop3A_756] {strides = array<i32>} : memref<2x160x64xf32, #tpu.memory_space<vmem>>, vector<1x1x16xf32>,
        %parallel_loop3A_758 = vector.shape_cast %parallel_loop3A_757 : vector<1x1x16xf32> to vector<16xf32>
        %parallel_loop3A_759 = vector.shape_cast %parallel_loop3A_752 : vector<16xf32> to vector<1x1x16xf32>
        tpu.vector_store %arg9[%parallel_loop3A_754, %parallel_loop3A_755, %parallel_loop3A_756], %parallel_loop3A_759 {strides = array<i32>} : memref<2x160x64xf32, #tpu.memory_space<vmem>>, vector<1x1x16xf32>,
      } {sc.loop_unroll_factor = 4 : i64, sc.parallel_access}
      %mul3A_608 = arith.constant 160 : i32
      %mul3A_609 = arith.muli %add3A_538, %mul3A_608 : i32
      %add3A_610 = arith.addi %mul3A_2, %mul3A_609 : i32
      %dma_start3A_611 = arith.constant 1 : i32
      %dma_start3A_612 = arith.constant 1 : i32
      %dma_start3A_613 = arith.constant 0 : i32
      %dma_start3A_614 = arith.constant 0 : i32
      %dma_start3A_615 = tpu.memref_slice %arg9[%dma_start3A_611, %dma_start3A_613, %dma_start3A_614] : memref<2x160x64xf32, #tpu.memory_space<vmem>> -> memref<1x160x64xf32, #tpu.memory_space<vmem>>
      %dma_start3A_616 = tpu.memref_squeeze %dma_start3A_615 : memref<1x160x64xf32, #tpu.memory_space<vmem>> -> memref<160x64xf32, #tpu.memory_space<vmem>>
      %dma_start3A_617 = arith.constant 0 : i32
      %dma_start3A_618 = tpu.memref_slice %arg6[%add3A_610, %dma_start3A_617] : memref<819200x64xf32, #tpu.memory_space<hbm>> -> memref<160x64xf32, #tpu.memory_space<hbm>>
      %dma_start3A_619 = tpu.memref_slice %arg12[%dma_start3A_612] : memref<2x!tpu.dma_semaphore, #tpu.memory_space<semaphore_mem>> -> memref<1x!tpu.dma_semaphore, #tpu.memory_space<semaphore_mem>>
      %dma_start3A_620 = tpu.memref_squeeze %dma_start3A_619 : memref<1x!tpu.dma_semaphore, #tpu.memory_space<semaphore_mem>> -> memref<!tpu.dma_semaphore, #tpu.memory_space<semaphore_mem>>
      %dma_start3A_621 = arith.constant 0 : i32
      %dma_start3A_622 = tpu.memref_slice %arg6[%add3A_610, %dma_start3A_621] : memref<819200x64xf32, #tpu.memory_space<hbm>> -> memref<160x64xf32, #tpu.memory_space<hbm>>
      %dma_start3A_623 = arith.constant 0 : i32
      %dma_start3A_624 = arith.constant 0 : i32
      %dma_start3A_625 = tpu.memref_slice %arg9[%dma_start3A_611, %dma_start3A_623, %dma_start3A_624] : memref<2x160x64xf32, #tpu.memory_space<vmem>> -> memref<1x160x64xf32, #tpu.memory_space<vmem>>
      %dma_start3A_626 = tpu.memref_squeeze %dma_start3A_625 : memref<1x160x64xf32, #tpu.memory_space<vmem>> -> memref<160x64xf32, #tpu.memory_space<vmem>>
      tpu.enqueue_dma source(%dma_start3A_626 : memref<160x64xf32, #tpu.memory_space<vmem>>) target(%dma_start3A_622 : memref<160x64xf32, #tpu.memory_space<hbm>>) target_semaphore(%dma_start3A_620 : memref<!tpu.dma_semaphore, #tpu.memory_space<semaphore_mem>>)
    }
    %scan3A_236 = arith.constant 40 : i32
    %dma_wait3A_237 = arith.constant 0 : i32
    %dma_wait3A_238 = arith.constant 0 : i32
    %dma_wait3A_239 = arith.constant 0 : i32
    %dma_wait3A_240 = arith.constant 0 : i32
    %dma_wait3A_241 = tpu.memref_slice %arg9[%dma_wait3A_237, %dma_wait3A_239, %dma_wait3A_240] : memref<2x160x64xf32, #tpu.memory_space<vmem>> -> memref<1x160x64xf32, #tpu.memory_space<vmem>>
    %dma_wait3A_242 = tpu.memref_squeeze %dma_wait3A_241 : memref<1x160x64xf32, #tpu.memory_space<vmem>> -> memref<160x64xf32, #tpu.memory_space<vmem>>
    %dma_wait3A_243 = arith.constant 0 : i32
    %dma_wait3A_244 = tpu.memref_slice %arg6[%mul3A_2, %dma_wait3A_243] : memref<819200x64xf32, #tpu.memory_space<hbm>> -> memref<160x64xf32, #tpu.memory_space<hbm>>
    %dma_wait3A_245 = tpu.memref_slice %arg12[%dma_wait3A_238] : memref<2x!tpu.dma_semaphore, #tpu.memory_space<semaphore_mem>> -> memref<1x!tpu.dma_semaphore, #tpu.memory_space<semaphore_mem>>
    %dma_wait3A_246 = tpu.memref_squeeze %dma_wait3A_245 : memref<1x!tpu.dma_semaphore, #tpu.memory_space<semaphore_mem>> -> memref<!tpu.dma_semaphore, #tpu.memory_space<semaphore_mem>>
    %dma_wait3A_247 = arith.constant 0 : i32
    %dma_wait3A_248 = tpu.memref_slice %arg6[%mul3A_2, %dma_wait3A_247] : memref<819200x64xf32, #tpu.memory_space<hbm>> -> memref<160x64xf32, #tpu.memory_space<hbm>>
    %dma_wait3A_249 = arith.constant 0 : i32
    %dma_wait3A_250 = arith.constant 0 : i32
    %dma_wait3A_251 = tpu.memref_slice %arg9[%dma_wait3A_237, %dma_wait3A_249, %dma_wait3A_250] : memref<2x160x64xf32, #tpu.memory_space<vmem>> -> memref<1x160x64xf32, #tpu.memory_space<vmem>>
    %dma_wait3A_252 = tpu.memref_squeeze %dma_wait3A_251 : memref<1x160x64xf32, #tpu.memory_space<vmem>> -> memref<160x64xf32, #tpu.memory_space<vmem>>
    tpu.wait_dma2 semaphore(%dma_wait3A_246 : memref<!tpu.dma_semaphore, #tpu.memory_space<semaphore_mem>>) src(%dma_wait3A_252 : memref<160x64xf32, #tpu.memory_space<vmem>>) dst(%dma_wait3A_248 : memref<160x64xf32, #tpu.memory_space<hbm>>)
    %dma_wait3A_253 = arith.constant 1 : i32
    %dma_wait3A_254 = arith.constant 1 : i32
    %dma_wait3A_255 = arith.constant 0 : i32
    %dma_wait3A_256 = arith.constant 0 : i32
    %dma_wait3A_257 = tpu.memref_slice %arg9[%dma_wait3A_253, %dma_wait3A_255, %dma_wait3A_256] : memref<2x160x64xf32, #tpu.memory_space<vmem>> -> memref<1x160x64xf32, #tpu.memory_space<vmem>>
    %dma_wait3A_258 = tpu.memref_squeeze %dma_wait3A_257 : memref<1x160x64xf32, #tpu.memory_space<vmem>> -> memref<160x64xf32, #tpu.memory_space<vmem>>
    %dma_wait3A_259 = arith.constant 0 : i32
    %dma_wait3A_260 = tpu.memref_slice %arg6[%mul3A_2, %dma_wait3A_259] : memref<819200x64xf32, #tpu.memory_space<hbm>> -> memref<160x64xf32, #tpu.memory_space<hbm>>
    %dma_wait3A_261 = tpu.memref_slice %arg12[%dma_wait3A_254] : memref<2x!tpu.dma_semaphore, #tpu.memory_space<semaphore_mem>> -> memref<1x!tpu.dma_semaphore, #tpu.memory_space<semaphore_mem>>
    %dma_wait3A_262 = tpu.memref_squeeze %dma_wait3A_261 : memref<1x!tpu.dma_semaphore, #tpu.memory_space<semaphore_mem>> -> memref<!tpu.dma_semaphore, #tpu.memory_space<semaphore_mem>>
    %dma_wait3A_263 = arith.constant 0 : i32
    %dma_wait3A_264 = tpu.memref_slice %arg6[%mul3A_2, %dma_wait3A_263] : memref<819200x64xf32, #tpu.memory_space<hbm>> -> memref<160x64xf32, #tpu.memory_space<hbm>>
    %dma_wait3A_265 = arith.constant 0 : i32
    %dma_wait3A_266 = arith.constant 0 : i32
    %dma_wait3A_267 = tpu.memref_slice %arg9[%dma_wait3A_253, %dma_wait3A_265, %dma_wait3A_266] : memref<2x160x64xf32, #tpu.memory_space<vmem>> -> memref<1x160x64xf32, #tpu.memory_space<vmem>>
    %dma_wait3A_268 = tpu.memref_squeeze %dma_wait3A_267 : memref<1x160x64xf32, #tpu.memory_space<vmem>> -> memref<160x64xf32, #tpu.memory_space<vmem>>
    tpu.wait_dma2 semaphore(%dma_wait3A_262 : memref<!tpu.dma_semaphore, #tpu.memory_space<semaphore_mem>>) src(%dma_wait3A_268 : memref<160x64xf32, #tpu.memory_space<vmem>>) dst(%dma_wait3A_264 : memref<160x64xf32, #tpu.memory_space<hbm>>)
    return
  }
}

</mosaic_0001>

<sc_bundles>
// kernel: _emb_call.3.cloned.1.call-start
scs
__scs_entry_jumppad:
0x0: {  	(pc) =	sbr.rel $0x88, $3  }
0x1: {  	(tag) =	ssettag $0x0;
	lr =	simm.s32 $0x1  }
0x2: {  	[smem:$0x3F9D] =	sst lr;
	_ =	strace $0xD0000000  }
0x3: {  	_ = 	snop  }
0x4: {  	_ = 	snop  }
0x5: {  	_ = 	snop  }
0x6: {  	_ = 	snop  }
0x7: {  	_ = 	snop  }
__scs_overlays_trampoline_lowered:
0x8: {  	[smem:$0x3FAC] =	sst s0  }
0x9: {  	[smem:$0x3FAD] =	sst s1  }
0xa: {  	[smem:$0x3FAE] =	sst s2  }
0xb: {  	[smem:$0x3FAF] =	sst s3  }
0xc: {  	[smem:$0x3FB0] =	sst s4  }
0xd: {  	[smem:$0x3FB1] =	sst s5  }
0xe: {  	[smem:$0x3FB2] =	sst s6  }
0xf: {  	[smem:$0x3FB3] =	sst s7  }
0x10: {  	[smem:$0x3FB4] =	sst s8  }
0x11: {  	[smem:$0x3FB5] =	sst s9;
	s0 =	simm.s32 @!p0 $0x0  }
0x12: {  	s1 =	sld [smem:$0x3F9B];
	s0 =	simm.s32 @p0 $0x1  }
0x13: {  	[smem:$0x3FB6] =	sst s0;
	s0 =	simm.s32 @!p1 $0x0  }
0x14: {  	s2 =	sld [smem:$0x3F9A];
	s0 =	simm.s32 @p1 $0x1  }
0x15: {  	[smem:$0x3FB7] =	sst s0;
	s0 =	simm.s32 @!p2 $0x0  }
0x16: {  	s3 =	sld [smem:$0x3FDB];
	s0 =	simm.s32 @p2 $0x1  }
0x17: {  	s4 =	simm.s32 $0x1BF5;
	[smem:$0x3FB9] =	sst s0  }
0x18: {  	s0 =	sld [smem:$0x3F9C];
	_ =	swait.ge [sflag:s4], $0x0  }
0x19: {  	s7 =	sld [smem:$0x3F9D]  }
0x1a: {  	s8 =	sadd.s32 $0xFFFFE003, lr  }
0x1b: {  	s9 =	sadd.s32 $0xFFFFFEF7, lr;
	s5 =	simm.s32 $0xFFFFFFFF;
	p2 =	slt.u32 s8, $0xFFFFF086  }
0x1c: {  	p1 =	slt.u32 s9, $0xF7A;
	s5 =	simm.s32 @!p2 $0x0  }
0x1d: {  	s5 =	simm.s32 @p1 $0x1;
	p0 =	seq.s32 s7, s2  }
0x1e: {  	s7 =	smul.u32 @!p0 $0xF7A, s2;
	p2 =	seq.s32 @!p0 s5, $0x0  }
0x1f: {  	s9 =	smul.u32 $0xF7A, s1;
	s8 =	simm.s32 @!p0 $0x1BF5;
	p2 =	por !p2, p0  }
0x20: {  	[sflag:s8] =	ssyncset.s32 @!p0 $0xFFFFF086;
	s6 =	sadd.s32 @!p0 s3, s7;
	s7 =	simm.s32 @!p0 $0x108  }
0x21: {  	s3 =	sadd.s32 s3, s9;
	s6 =	sadd.s32 @!p0 $0x88, s6;
	s7 =	simm.s32 @p2 $0x1082  }
0x22: {  	[simem:s7], [sflag:s8] =	dma.local @!p0 [hbm:s6], $0xF7A  }
0x23: {  	s9 =	sor.u32 $0xD0000000, s2;
	s6 =	simm.s32 $0x108;
	_ =	swait.ge @!p0 [sflag:s8], $0x0  }
0x24: {  	s3 =	sadd.s32 $0x88, s3;
	s6 =	simm.s32 @!p1 $0x1082;
	[sflag:s4] =	ssyncset.s32 $0xFFFFF086  }
0x25: {  	[simem:s6], [sflag:s4] =	dma.local [hbm:s3], $0xF7A  }
0x26: {  	[smem:$0x3F9D] =	sst s1;
	(tag) =	ssettag s2;
	_ =	strace s9  }
0x27: {  	s1 =	sld [smem:$0x3FAD]  }
0x28: {  	s2 =	sld [smem:$0x3FAE]  }
0x29: {  	s4 =	sld [smem:$0x3FB0]  }
0x2a: {  	p0 =	seq.s32 s5, $0x0;
	s5 =	sld [smem:$0x3FB1]  }
0x2b: {  	s6 =	sld [smem:$0x3FB2]  }
0x2c: {  	s7 =	sld [smem:$0x3FB3]  }
0x2d: {  	s3 =	simm.s32 $0x108;
	s8 =	sld [smem:$0x3FB4]  }
0x2e: {  	s3 =	simm.s32 @!p0 $0x1082;
	s9 =	sld [smem:$0x3FB5]  }
0x2f: {  	lr =	sadd.s32 s0, s3;
	s0 =	sld [smem:$0x3FAC]  }
0x30: {  	s3 =	sld [smem:$0x3FAF]  }
0x31: {  	[smem:$0x3FB8] =	sst s10  }
0x32: {  	s10 =	sld [smem:$0x3FB6];
	_ =	sdelay $0x3  }
0x33: {  	p0 =	seq.s32 s10, $0x1;
	s10 =	sld [smem:$0x3FB8];
	_ =	sdelay $0x3  }
0x34: {  	[smem:$0x3FB8] =	sst s10  }
0x35: {  	s10 =	sld [smem:$0x3FB7];
	_ =	sdelay $0x3  }
0x36: {  	p1 =	seq.s32 s10, $0x1;
	s10 =	sld [smem:$0x3FB8];
	_ =	sdelay $0x3  }
0x37: {  	[smem:$0x3FB8] =	sst s10  }
0x38: {  	s10 =	sld [smem:$0x3FB9]  }
0x39: {  	_ = 	snop;
	(pc) =	sbr.ind lr, $3  }
0x3a: {  	_ = 	snop  }
0x3b: {  	_ = 	snop  }
0x3c: {  	p2 =	seq.s32 s10, $0x1;
	s10 =	sld [smem:$0x3FB8]  }
0x3d: {  	_ =	shalt  }
0x3e: {  	_ =	shalt  }
0x3f: {  	_ =	shalt  }
0x40: {  	_ =	shalt  }
0x41: {  	_ =	shalt  }
0x42: {  	_ =	shalt  }
0x43: {  	_ =	shalt  }
0x44: {  	_ =	shalt  }
0x45: {  	_ =	shalt  }
0x46: {  	_ =	shalt  }
0x47: {  	_ =	shalt  }
0x48: {  	_ =	shalt  }
0x49: {  	_ =	shalt  }
0x4a: {  	_ =	shalt  }
0x4b: {  	_ =	shalt  }
0x4c: {  	_ =	shalt  }
0x4d: {  	_ =	shalt  }
0x4e: {  	_ =	shalt  }
0x4f: {  	_ =	shalt  }
0x50: {  	_ =	shalt  }
0x51: {  	_ =	shalt  }
0x52: {  	_ =	shalt  }
0x53: {  	_ =	shalt  }
0x54: {  	_ =	shalt  }
0x55: {  	_ =	shalt  }
0x56: {  	_ =	shalt  }
0x57: {  	_ =	shalt  }
0x58: {  	_ =	shalt  }
0x59: {  	_ =	shalt  }
0x5a: {  	_ =	shalt  }
0x5b: {  	_ =	shalt  }
0x5c: {  	_ =	shalt  }
0x5d: {  	_ =	shalt  }
0x5e: {  	_ =	shalt  }
0x5f: {  	_ =	shalt  }
0x60: {  	_ =	shalt  }
0x61: {  	_ =	shalt  }
0x62: {  	_ =	shalt  }
0x63: {  	_ =	shalt  }
0x64: {  	_ =	shalt  }
0x65: {  	_ =	shalt  }
0x66: {  	_ =	shalt  }
0x67: {  	_ =	shalt  }
0x68: {  	_ =	shalt  }
0x69: {  	_ =	shalt  }
0x6a: {  	_ =	shalt  }
0x6b: {  	_ =	shalt  }
0x6c: {  	_ =	shalt  }
0x6d: {  	_ =	shalt  }
0x6e: {  	_ =	shalt  }
0x6f: {  	_ =	shalt  }
0x70: {  	_ =	shalt  }
0x71: {  	_ =	shalt  }
0x72: {  	_ =	shalt  }
0x73: {  	_ =	shalt  }
0x74: {  	_ =	shalt  }
0x75: {  	_ =	shalt  }
0x76: {  	_ =	shalt  }
0x77: {  	_ =	shalt  }
0x78: {  	_ =	shalt  }
0x79: {  	_ =	shalt  }
0x7a: {  	_ =	shalt  }
0x7b: {  	_ =	shalt  }
0x7c: {  	_ =	shalt  }
0x7d: {  	_ =	shalt  }
0x7e: {  	_ =	shalt  }
0x7f: {  	_ =	shalt  }
0x80: {  	_ =	shalt  }
0x81: {  	_ =	shalt  }
0x82: {  	_ =	shalt  }
0x83: {  	_ =	shalt  }
0x84: {  	_ =	shalt  }
0x85: {  	_ =	shalt  }
0x86: {  	_ =	shalt  }
0x87: {  	_ =	shalt  }
.Lfunc_end0:
.L_simem_size_0:
called_computation.1_lowered:
.L_overlay_start_0:
0x88: {  	s2 =	sld [smem:$0x3FD9]  }
0x89: {  	s3 =	sld [smem:$0x3FFE];
	_ =	sdelay $0x1  }
0x8a: {  	s1 =	srdreg.scid  }
0x8b: {  	s0 =	sand.u32 $0x1, s1  }
0x8c: {  	s17 =	sshll.u32 s0, $0xA;
	s2 =	sadd.s32 s3, s2  }
0x8d: {  	s2 =	sadd.s32 s2, s17  }
0x8e: {  	[smem:$0x3FC4] =	sst s2  }
0x8f: {  	_ = 	snop  }
0x90: {  	s2 =	sld [smem:$0x3FC9]  }
0x91: {  	s18 =	sld [smem:$0x3FD0];
	(tm) =	ssettm $0x1  }
0x92: {  	s4 =	sld [smem:$0x3FFB];
	_ =	sdelay $0x3  }
0x93: {  	_ =	strace s4  }
0x94: {  	s4 =	sld [smem:$0x3FFC];
	_ =	sdelay $0x3  }
0x95: {  	_ =	strace s4  }
0x96: {  	s4 =	sld [smem:$0x3FFD];
	_ =	sdelay $0x3  }
0x97: {  	_ =	strace s4  }
0x98: {  	_ =	strace $0x8FFFFFFF  }
0x99: {  	s19 =	sld [smem:$0x3FDB];
	_ =	sdelay $0x1  }
0x9a: {  	s5 =	simm.s32 $_scs_section_size  }
0x9b: {  	s6 =	simm.s32 $_size__tile_overlayer_lowered;
	s7 =	simm.s32 $_tile_overlayer_lowered  }
0x9c: {  	s22 =	simm.s32 $0x1BFF;
	s21 =	sshll.u32 s7, $0x1;
	s4 =	sadd.s32 s5, s19  }
0x9d: {  	s8 =	simm.s32 $0x0;
	s20 =	sshll.u32 s6, $0x1;
	s6 =	sadd.s32 s21, s4  }
0x9e: {  	[timem:s8], [sflag:s22] =	dma.local [hbm:s6], s20  }
0x9f: {  	_ =	swait.ge [sflag:s22], s20  }
0xa0: {  	s5 =	ssub.s32 $0x0, s20;
	[sflag:s22] =	ssyncset.done $0x0  }
0xa1: {  	[sflag:s22] =	ssyncadd.s32 s5;
	_ =	sdelay $0x1  }
0xa2: {  	s23 =	simm.s32 $0x1B8B  }
0xa3: {  	_ =	swait.ge [sflag:s23], $0x1  }
0xa4: {  	[sflag:s23] =	ssyncset.done $0x0  }
0xa5: {  	s25 =	simm.s32 $0x1B8E;
	s24 =	sld [smem:$0x3FFE];
	[sflag:s23] =	ssyncadd.s32 $0xFFFFFFFF  }
0xa6: {  	s26 =	simm.s32 $execute0_lowered;
	[smem:$0x3FD2] =	sst s25  }
0xa7: {  	s6 =	sshll.u32 s26, $0x1;
	_ =	strace $0x80000046;
	[dreg:$0x1] =	wrdreg $0xFFFFFFFF  }
0xa8: {  	s28 =	simm.s32 $_size_execute0_lowered;
	s4 =	sadd.s32 s4, s6;
	[dreg:$0x0] =	wrdreg $0x0  }
0xa9: {  	s6 =	sshll.u32 s28, $0x1;
	[dreg:$0x2] =	wrdreg s4  }
0xaa: {  	[dreg:$0x3] =	wrdreg s6  }
0xab: {  	[dreg:$0x4] =	wrdreg $0xC0  }
0xac: {  	_ =	task [dreg:s8], $0x5FFFF  }
0xad: {  	[dreg:$0x1] =	wrdreg $0xFFFFFFFF  }
0xae: {  	[dreg:$0x0] =	wrdreg $0x60  }
0xaf: {  	[dreg:$0x2] =	wrdreg s2  }
0xb0: {  	[dreg:$0x3] =	wrdreg s24  }
0xb1: {  	[dreg:$0x4] =	wrdreg s18  }
0xb2: {  	[dreg:$0x5] =	wrdreg $0x9  }
0xb3: {  	_ =	task.clear_ibuf [dreg:s8], $0x6FFFF;
	_ =	strace $0x90000046  }
0xb4: {  	s29 =	simm.s32 $0x9;
	_ =	strace $0x80000048  }
0xb5: {  	_ =	swait.ge [sflag:s29], $0x1  }
0xb6: {  	[sflag:s29] =	ssyncadd.s32 $0xFFFFFFFF  }
0xb7: {  	_ =	strace $0x90000048  }
0xb8: {  	_ =	sfence  }
0xb9: {  	s30 =	sld [smem:$0x0];
	_ =	sdelay $0x2  }
0xba: {  	s31 =	sshll.u32 s1, $0xD;
	s1 =	sshrl.u32 s1, $0x2  }
0xbb: {  	s3 =	sand.u32 $0x4000, s31;
	s1 =	sadd.s32 s1, s30  }
0xbc: {  	s0 =	sor.u32 s3, s0;
	s1 =	sshll.u32 s1, $0x11  }
0xbd: {  	s0 =	sor.u32 s1, s0  }
0xbe: {  	s0 =	sadd.s32 $0x8F2B, s0  }
0xbf: {  	[sflag:s0] =	ssyncadd.remote.s32 $0x1  }
0xc0: {  	_ =	sfence.sel $0xFFFF  }
0xc1: {  	[dreg:$0x0] =	wrdreg $0xFFFFFFFF;
	(pc) =	sbr.abs _section_cstart, $3  }
0xc2: {  	[dreg:$0x1] =	wrdreg $0xFFFFFFFF  }
0xc3: {  	_ =	task.clear_ibuf [dreg:s8], $0x2FFFF;
	_ =	strace $0x9FFFFFFF  }
0xc4: {  	(tm) =	ssettm $0x7FFFFFFF  }
0xc5: {  	_ =	shalt  }
tec
execute0_lowered:
.L_overlay_start_1:
0x0: {  	(tag) =	ssettag $0x1  }
0x1: {  	s1 =	rddreg [dreg:$0x0]  }
0x2: {  	s0 =	rddreg [dreg:$0x1]  }
0x3: {  	s2 =	srdreg.scid;
	s4 =	stileid.u32  }
0x4: {  	s3 =	rddreg [dreg:$0x2];
	s2 =	sand.u32 $0x1, s2;
	s5 =	sshll.u32 s4, $0x1  }
0x5: {  	s13 =	simm.s32 $0x640;
	s14 =	simm.s32 $0x6E0;
	s5 =	sor.u32 s2, s5  }
0x6: {  	s28 =	simm.s32 $0x4;
	s4 =	simm.s32 $0x0;
	s5 =	smul.u32 $0x6400, s5  }
0x7: {  	s6 =	sadd.s32 $0x2400, s0;
	s7 =	sadd.s32 $0xC5A00, s0;
	s8 =	sadd.s32 $0x189000, s0  }
0x8: {  	[smem:$0x7FF] =	sst s4;
	s2 =	ssub.s32 $0x2, s2;
	s24 =	sor.u32 $0x1E0, s5  }
0x9: {  	_ =	strace $0x80000047;
	s25 =	sor.u32 $0x280, s5;
	[dreg:$0xd] =	wrdreg s24  }
0xa: {  	s15 =	sshrl.u32 s2, $0x1;
	s26 =	sor.u32 $0x320, s5;
	[dreg:$0xe] =	wrdreg s25  }
0xb: {  	s0 =	ssub.s32 s2, s15;
	s31 =	sor.u32 $0x3C0, s5;
	[dreg:$0xf] =	wrdreg s26  }
0xc: {  	s9 =	sshrl.u32 s5, $0x3;
	s0 =	smax.u32 s0, $0x1;
	[dreg:$0x10] =	wrdreg s31  }
0xd: {  	s29 =	simm.s32 $0x7;
	s9 =	sadd.s32 s1, s9;
	[dreg:$0x11] =	wrdreg s0  }
0xe: {  	s30 =	simm.s32 $0x8;
	s16 =	sadd.s32 $0x19000, s9;
	[dreg:$0x4] =	wrdreg s9  }
0xf: {  	s10 =	simm.s32 $0x0;
	s17 =	sadd.s32 $0x32000, s9;
	[dreg:$0x5] =	wrdreg s16  }
0x10: {  	s2 =	simm.s32 $0x1;
	s18 =	sadd.s32 $0x14, s9;
	[dreg:$0x6] =	wrdreg s17  }
0x11: {  	s15 =	simm.s32 $0x2;
	s19 =	sadd.s32 $0x19014, s9;
	[dreg:$0x7] =	wrdreg s18  }
0x12: {  	s24 =	simm.s32 $0xF780;
	s20 =	sadd.s32 $0x32014, s9;
	[dreg:$0x8] =	wrdreg s19  }
0x13: {  	s25 =	simm.s32 $0x6;
	s21 =	sadd.s32 $0x28, s9;
	[dreg:$0x9] =	wrdreg s20  }
0x14: {  	s26 =	simm.s32 $0x11F80;
	s22 =	sadd.s32 $0x19028, s9;
	[dreg:$0xa] =	wrdreg s21  }
0x15: {  	s23 =	sadd.s32 $0x32028, s9;
	s9 =	simm.s32 $0x5;
	[dreg:$0xb] =	wrdreg s22  }
0x16: {  	[dreg:$0xc] =	wrdreg s23;
	s23 =	simm.s32 $0xA0;
	s16 =	simm.s32 $0x7F80  }
0x17: {  	s17 =	simm.s32 $0xA780;
	s22 =	simm.s32 $0xCF80;
	s21 =	simm.s32 $0x3  }
.LBB2_1:
0x18: {  	[dreg:$0x12] =	wrdreg s10  }
0x19: {  	s0 =	rddreg [dreg:$0x4]  }
0x1a: {  	[tilespmem:s4], [sflag:$0x1] =	stream.linear.gather [hbm4b:s0+s4], $0xA0, $0x38;
	[tilespmem:$0x14780] =	vst v63  }
0x1b: {  	s18 =	rddreg [dreg:$0x5]  }
0x1c: {  	[tilespmem:s23], [sflag:$0x1] =	stream.linear.gather [hbm4b:s18+s4], $0xA0, $0x38;
	[tilespmem:$0x14780] =	vst v63  }
0x1d: {  	s19 =	rddreg [dreg:$0x6];
	s10 =	simm.s32 $0x140  }
0x1e: {  	[tilespmem:s10], [sflag:$0x1] =	stream.linear.gather [hbm4b:s19+s4], $0xA0, $0x38;
	[tilespmem:$0x14780] =	vst v63  }
0x1f: {  	s20 =	rddreg [dreg:$0x7];
	s11 =	simm.s32 $0x1E0  }
0x20: {  	[tilespmem:s11], [sflag:$0x2] =	stream.linear.gather [hbm4b:s20+s4], $0xA0, $0x38;
	[tilespmem:$0x14780] =	vst v63  }
0x21: {  	s12 =	rddreg [dreg:$0x8];
	s18 =	simm.s32 $0x280  }
0x22: {  	[tilespmem:s18], [sflag:$0x2] =	stream.linear.gather [hbm4b:s12+s4], $0xA0, $0x38;
	[tilespmem:$0x14780] =	vst v63  }
0x23: {  	s19 =	rddreg [dreg:$0x9];
	s20 =	simm.s32 $0x320  }
0x24: {  	[tilespmem:s20], [sflag:$0x2] =	stream.linear.gather [hbm4b:s19+s4], $0xA0, $0x38;
	[tilespmem:$0x14780] =	vst v63  }
0x25: {  	s12 =	rddreg [dreg:$0xa];
	s18 =	simm.s32 $0x3C0  }
0x26: {  	[tilespmem:s18], [sflag:$0x3] =	stream.linear.gather [hbm4b:s12+s4], $0xA0, $0x38;
	[tilespmem:$0x14780] =	vst v63  }
0x27: {  	s19 =	rddreg [dreg:$0xb];
	s20 =	simm.s32 $0x460  }
0x28: {  	[tilespmem:s20], [sflag:$0x3] =	stream.linear.gather [hbm4b:s19+s4], $0xA0, $0x38;
	[tilespmem:$0x14780] =	vst v63  }
0x29: {  	s11 =	rddreg [dreg:$0xc];
	s12 =	simm.s32 $0x500  }
0x2a: {  	[tilespmem:s12], [sflag:$0x3] =	stream.linear.gather [hbm4b:s11+s4], $0xA0, $0x38;
	[tilespmem:$0x14780] =	vst v63  }
0x2b: {  	_ =	swait.ge [sflag:s2], $0xA0  }
0x2c: {  	[sflag:s2] =	ssyncset.done $0x0  }
0x2d: {  	[sflag:s2] =	ssyncadd.s32 $0xFFFFFF60  }
0x2e: {  	_ =	swait.ge [sflag:s2], $0xA0  }
0x2f: {  	[sflag:s2] =	ssyncset.done $0x0  }
0x30: {  	[sflag:s2] =	ssyncadd.s32 $0xFFFFFF60  }
0x31: {  	_ =	swait.ge [sflag:s2], $0xA0  }
0x32: {  	[sflag:s2] =	ssyncset.done $0x0  }
0x33: {  	s18 =	simm.s32 $0x780;
	[sflag:s2] =	ssyncadd.s32 $0xFFFFFF60  }
0x34: {  	[tilespmem:s18], [sflag:$0x5] =	stream.indirect.gather [hbm4b:s6+s23], $0x40, s4, s23, $0xb8;
	[tilespmem:$0x14780] =	vst v63  }
0x35: {  	s19 =	simm.s32 $0x2F80  }
0x36: {  	[tilespmem:s19], [sflag:$0x5] =	stream.indirect.gather [hbm4b:s7+s23], $0x40, s23, s23, $0xb8;
	[tilespmem:$0x14780] =	vst v63  }
0x37: {  	s31 =	simm.s32 $0x0;
	s20 =	simm.s32 $0x5780  }
0x38: {  	[tilespmem:s20], [sflag:$0x5] =	stream.indirect.gather [hbm4b:s8+s23], $0x40, s10, s23, $0xb8;
	[tilespmem:$0x14780] =	vst v63  }
.LBB2_2:
0x39: {  	s0 =	smul.u32 $0x280, s31  }
0x3a: {  	s10 =	rddreg [dreg:$0xd]  }
0x3b: {  	s10 =	sadd.s32 s0, s10  }
0x3c: {  	s10 =	sshrl.u32 s10, $0x3  }
0x3d: {  	s11 =	simm.s32 $0x5A0;
	s10 =	sadd.s32 s1, s10  }
0x3e: {  	[tilespmem:s11], [sflag:$0x4] =	stream.linear.gather [hbm4b:s10+s4], $0xA0, $0x38;
	[tilespmem:$0x14780] =	vst v63  }
0x3f: {  	s12 =	sadd.s32 $0x19000, s10  }
0x40: {  	[tilespmem:s13], [sflag:$0x4] =	stream.linear.gather [hbm4b:s12+s4], $0xA0, $0x38;
	[tilespmem:$0x14780] =	vst v63  }
0x41: {  	s10 =	sadd.s32 $0x32000, s10  }
0x42: {  	[tilespmem:s14], [sflag:$0x4] =	stream.linear.gather [hbm4b:s10+s4], $0xA0, $0x38;
	[tilespmem:$0x14780] =	vst v63  }
0x43: {  	_ =	swait.ge [sflag:s15], $0xA0  }
0x44: {  	[sflag:s15] =	ssyncset.done $0x0  }
0x45: {  	[sflag:s15] =	ssyncadd.s32 $0xFFFFFF60  }
0x46: {  	_ =	swait.ge [sflag:s15], $0xA0  }
0x47: {  	[sflag:s15] =	ssyncset.done $0x0  }
0x48: {  	[sflag:s15] =	ssyncadd.s32 $0xFFFFFF60  }
0x49: {  	_ =	swait.ge [sflag:s15], $0xA0  }
0x4a: {  	[sflag:s15] =	ssyncset.done $0x0  }
0x4b: {  	s18 =	simm.s32 $0x1E0;
	[sflag:s15] =	ssyncadd.s32 $0xFFFFFF60  }
0x4c: {  	[tilespmem:s16], [sflag:$0x6] =	stream.indirect.gather [hbm4b:s6+s23], $0x40, s18, s23, $0xb8;
	[tilespmem:$0x14780] =	vst v63  }
0x4d: {  	s19 =	simm.s32 $0x280  }
0x4e: {  	[tilespmem:s17], [sflag:$0x6] =	stream.indirect.gather [hbm4b:s7+s23], $0x40, s19, s23, $0xb8;
	[tilespmem:$0x14780] =	vst v63  }
0x4f: {  	s20 =	simm.s32 $0x320  }
0x50: {  	[tilespmem:s22], [sflag:$0x6] =	stream.indirect.gather [hbm4b:s8+s23], $0x40, s20, s23, $0xb8;
	[tilespmem:$0x14780] =	vst v63  }
0x51: {  	_ =	swait.ge [sflag:s9], $0x2800  }
0x52: {  	[sflag:s9] =	ssyncset.done $0x0  }
0x53: {  	[sflag:s9] =	ssyncadd.s32 $0xFFFFD800  }
0x54: {  	_ =	swait.ge [sflag:s9], $0x2800  }
0x55: {  	[sflag:s9] =	ssyncset.done $0x0  }
0x56: {  	[sflag:s9] =	ssyncadd.s32 $0xFFFFD800  }
0x57: {  	_ =	swait.ge [sflag:s9], $0x2800  }
0x58: {  	p0 =	seq.s32 s31, $0x0;
	[sflag:s9] =	ssyncset.done $0x0  }
0x59: {  	s10 =	simm.s32 @!p0 $0x7;
	[sflag:s9] =	ssyncadd.s32 $0xFFFFD800  }
0x5a: {  	_ =	swait.ge @!p0 [sflag:s10], $0x2800  }
0x5b: {  	[sflag:s10] =	ssyncset.done @!p0 $0x0  }
0x5c: {  	s11 =	simm.s32 $0x0;
	[sflag:s10] =	ssyncadd.s32 @!p0 $0xFFFFD800  }
0x5d: {  	v0 =	vld [tilespmem:s11+$0x870]  }
0x5e: {  	v1 =	vld [tilespmem:s11+$0x3070]  }
0x5f: {  	v2 =	vld [tilespmem:s11+$0x780]  }
0x60: {  	v3 =	vld [tilespmem:s11+$0x5870]  }
0x61: {  	v4 =	vld [tilespmem:s11+$0x2F80]  }
0x62: {  	v5 =	vld [tilespmem:s11+$0x790]  }
0x63: {  	v6 =	vld [tilespmem:s11+$0x2F90]  }
0x64: {  	v7 =	vld [tilespmem:s11+$0x7A0]  }
0x65: {  	v8 =	vld [tilespmem:s11+$0x2FA0]  }
0x66: {  	v9 =	vld [tilespmem:s11+$0x7B0]  }
0x67: {  	v10 =	vld [tilespmem:s11+$0x2FB0]  }
0x68: {  	v11 =	vld [tilespmem:s11+$0x7C0]  }
0x69: {  	v12 =	vld [tilespmem:s11+$0x2FC0]  }
0x6a: {  	v13 =	vld [tilespmem:s11+$0x7D0]  }
0x6b: {  	v14 =	vld [tilespmem:s11+$0x2FD0]  }
0x6c: {  	v15 =	vld [tilespmem:s11+$0x7E0]  }
0x6d: {  	v16 =	vld [tilespmem:s11+$0x2FE0]  }
0x6e: {  	v17 =	vld [tilespmem:s11+$0x7F0]  }
0x6f: {  	v18 =	vld [tilespmem:s11+$0x2FF0]  }
0x70: {  	v19 =	vld [tilespmem:s11+$0x800]  }
0x71: {  	v20 =	vld [tilespmem:s11+$0x3000]  }
0x72: {  	v21 =	vld [tilespmem:s11+$0x810]  }
0x73: {  	v22 =	vld [tilespmem:s11+$0x820]  }
0x74: {  	v23 =	vld [tilespmem:s11+$0x830]  }
0x75: {  	v24 =	vld [tilespmem:s11+$0x3030]  }
0x76: {  	v25 =	vld [tilespmem:s11+$0x840]  }
0x77: {  	v26 =	vld [tilespmem:s11+$0x3040]  }
0x78: {  	v27 =	vld [tilespmem:s11+$0x850]  }
0x79: {  	v29 =	vld [tilespmem:s11+$0x860]  }
0x7a: {  	v30 =	vld [tilespmem:s11+$0x3060]  }
0x7b: {  	v31 =	vld [tilespmem:s11+$0x5790];
	v0 =	vadd.f32 v1, v0  }
0x7c: {  	v63 =	vld [tilespmem:s11+$0x5800];
	v2 =	vadd.f32 v4, v2  }
0x7d: {  	v4 =	vadd.f32 v6, v5;
	v5 =	vld [tilespmem:s11+$0x57A0];
	v0 =	vadd.f32 v3, v0  }
0x7e: {  	v6 =	vadd.f32 v8, v7;
	v8 =	vld [tilespmem:s11+$0x57B0]  }
0x7f: {  	[tilespmem:s11+$0xF870] =	vst v0;
	v0 =	vld [tilespmem:s11+$0x5780]  }
0x80: {  	v7 =	vadd.f32 v10, v9;
	v9 =	vadd.f32 v12, v11;
	v11 =	vld [tilespmem:s11+$0x57C0]  }
0x81: {  	v1 =	vld [tilespmem:s11+$0x3010]  }
0x82: {  	v10 =	vadd.f32 v14, v13;
	v12 =	vadd.f32 v16, v15;
	v13 =	vld [tilespmem:s11+$0x57D0]  }
0x83: {  	v3 =	vld [tilespmem:s11+$0x3020];
	v5 =	vadd.f32 v5, v6;
	v6 =	vadd.f32 v8, v7  }
0x84: {  	v0 =	vadd.f32 v0, v2;
	v2 =	vadd.f32 v31, v4;
	v4 =	vld [tilespmem:s11+$0x57E0]  }
0x85: {  	v62 =	vld [tilespmem:s11+$0x57F0];
	v15 =	vadd.f32 v20, v19;
	[tilespmem:s11+$0xF7A0] =	vst v5;
	v5 =	vadd.f32 v11, v9  }
0x86: {  	v28 =	vld [tilespmem:s11+$0x3050];
	v14 =	vadd.f32 v18, v17;
	[tilespmem:s11+$0xF7B0] =	vst v6  }
0x87: {  	v7 =	vld [tilespmem:s11+$0x5810];
	v9 =	vadd.f32 v13, v10;
	v11 =	vadd.f32 v63, v15;
	[tilespmem:s11+$0xF7C0] =	vst v5  }
0x88: {  	v6 =	vld [tilespmem:s11+$0x5820];
	v5 =	vadd.f32 v30, v29;
	[tilespmem:s11+$0xF780] =	vst v0;
	v0 =	vadd.f32 v1, v21  }
0x89: {  	v8 =	vld [tilespmem:s11+$0x5830];
	[tilespmem:s11+$0xF7D0] =	vst v9;
	v1 =	vadd.f32 v3, v22;
	v10 =	vadd.f32 v4, v12  }
0x8a: {  	v9 =	vld [tilespmem:s11+$0x5840];
	[tilespmem:s11+$0xF790] =	vst v2;
	v2 =	vadd.f32 v24, v23;
	v12 =	vadd.f32 v62, v14  }
0x8b: {  	s18 =	simm.s32 $0x0;
	s19 =	simm.s32 $0x400;
	s10 =	sshll.u32 s31, $0x2;
	v3 =	vadd.f32 v26, v25;
	v4 =	vadd.f32 v28, v27;
	[tilespmem:s11+$0xF7E0] =	vst v10;
	v10 =	vld [tilespmem:s11+$0x5850]  }
.LBB2_3:
0x8c: {  	s20 =	sshra.s32 s19, $0x2;
	[tilespmem:s11+$0xF7F0] =	vst v12;
	v0 =	vadd.f32 v7, v0;
	v7 =	vld [tilespmem:s11+$0x5860]  }
0x8d: {  	s18 =	sadd.s32 $0x4, s18;
	v12 =	vld [tilespmem:s20+$0x870];
	[tilespmem:s11+$0xF800] =	vst v11;
	v1 =	vadd.f32 v6, v1  }
0x8e: {  	p1 =	slt.u32 s18, $0x9C;
	v6 =	vld [tilespmem:s20+$0x3070];
	[tilespmem:s11+$0xF810] =	vst v0;
	v0 =	vadd.f32 v8, v2  }
0x8f: {  	v2 =	vld [tilespmem:s20+$0x780];
	[tilespmem:s11+$0xF820] =	vst v1;
	v1 =	vadd.f32 v9, v3  }
0x90: {  	v3 =	vld [tilespmem:s20+$0x5870];
	[tilespmem:s11+$0xF830] =	vst v0;
	v0 =	vadd.f32 v10, v4  }
0x91: {  	v4 =	vld [tilespmem:s20+$0x2F80];
	[tilespmem:s11+$0xF840] =	vst v1;
	v1 =	vadd.f32 v7, v5  }
0x92: {  	v5 =	vld [tilespmem:s20+$0x790];
	[tilespmem:s11+$0xF850] =	vst v0  }
0x93: {  	v0 =	vld [tilespmem:s20+$0x2F90];
	v6 =	vadd.f32 v6, v12;
	[tilespmem:s11+$0xF860] =	vst v1;
	s11 =	smov.u32 s20  }
0x94: {  	v1 =	vld [tilespmem:s11+$0x7A0]  }
0x95: {  	v7 =	vld [tilespmem:s11+$0x2FA0];
	v3 =	vadd.f32 v3, v6  }
0x96: {  	v6 =	vadd.f32 v4, v2;
	v2 =	vld [tilespmem:s11+$0x7B0]  }
0x97: {  	v4 =	vld [tilespmem:s11+$0x2FB0];
	[tilespmem:s11+$0xF870] =	vst v3  }
0x98: {  	v8 =	vadd.f32 v0, v5;
	v0 =	vld [tilespmem:s11+$0x7C0]  }
0x99: {  	v3 =	vld [tilespmem:s11+$0x2FC0]  }
0x9a: {  	v7 =	vadd.f32 v7, v1;
	v1 =	vld [tilespmem:s11+$0x7D0]  }
0x9b: {  	v5 =	vld [tilespmem:s11+$0x2FD0]  }
0x9c: {  	v9 =	vadd.f32 v4, v2;
	v2 =	vld [tilespmem:s11+$0x7E0]  }
0x9d: {  	v4 =	vld [tilespmem:s11+$0x2FE0]  }
0x9e: {  	v10 =	vadd.f32 v3, v0;
	v0 =	vld [tilespmem:s11+$0x7F0]  }
0x9f: {  	v3 =	vld [tilespmem:s11+$0x2FF0]  }
0xa0: {  	v11 =	vadd.f32 v5, v1;
	v1 =	vld [tilespmem:s11+$0x800]  }
0xa1: {  	v5 =	vld [tilespmem:s11+$0x3000]  }
0xa2: {  	v12 =	vadd.f32 v4, v2;
	v2 =	vld [tilespmem:s11+$0x810]  }
0xa3: {  	v4 =	vld [tilespmem:s11+$0x3010]  }
0xa4: {  	v13 =	vadd.f32 v3, v0;
	v3 =	vld [tilespmem:s11+$0x820]  }
0xa5: {  	v14 =	vld [tilespmem:s11+$0x3020]  }
0xa6: {  	v15 =	vadd.f32 v5, v1;
	v5 =	vld [tilespmem:s11+$0x830]  }
0xa7: {  	v16 =	vld [tilespmem:s11+$0x3030]  }
0xa8: {  	v0 =	vadd.f32 v4, v2;
	v4 =	vld [tilespmem:s11+$0x840]  }
0xa9: {  	v17 =	vld [tilespmem:s11+$0x3040]  }
0xaa: {  	v1 =	vadd.f32 v14, v3;
	v14 =	vld [tilespmem:s11+$0x850]  }
0xab: {  	v18 =	vld [tilespmem:s11+$0x3050]  }
0xac: {  	v2 =	vadd.f32 v16, v5;
	v5 =	vld [tilespmem:s11+$0x860]  }
0xad: {  	v16 =	vld [tilespmem:s11+$0x3060]  }
0xae: {  	v19 =	vld [tilespmem:s11+$0x5780];
	v3 =	vadd.f32 v17, v4  }
0xaf: {  	v17 =	vld [tilespmem:s11+$0x5790]  }
0xb0: {  	v20 =	vld [tilespmem:s11+$0x57A0];
	v4 =	vadd.f32 v18, v14  }
0xb1: {  	v14 =	vld [tilespmem:s11+$0x57B0]  }
0xb2: {  	v18 =	vld [tilespmem:s11+$0x57C0];
	v5 =	vadd.f32 v16, v5  }
0xb3: {  	v6 =	vadd.f32 v19, v6;
	v16 =	vld [tilespmem:s11+$0x57D0]  }
0xb4: {  	v8 =	vadd.f32 v17, v8;
	v17 =	vld [tilespmem:s11+$0x57E0]  }
0xb5: {  	[tilespmem:s11+$0xF780] =	vst v6;
	v6 =	vadd.f32 v20, v7;
	v19 =	vld [tilespmem:s11+$0x57F0]  }
0xb6: {  	[tilespmem:s11+$0xF790] =	vst v8;
	v8 =	vadd.f32 v14, v9;
	v14 =	vld [tilespmem:s11+$0x5800]  }
.Ltmp0:
0xb7: {  	[tilespmem:s11+$0xF7A0] =	vst v6;
	v9 =	vadd.f32 v18, v10;
	v7 =	vld [tilespmem:s11+$0x5810];
	(pc) =	sbr.rel @p1 .LBB2_3-.Ltmp0, $4  }
0xb8: {  	[tilespmem:s11+$0xF7B0] =	vst v8;
	v10 =	vadd.f32 v16, v11;
	v6 =	vld [tilespmem:s11+$0x5820]  }
0xb9: {  	[tilespmem:s11+$0xF7C0] =	vst v9;
	v11 =	vadd.f32 v17, v12;
	v8 =	vld [tilespmem:s11+$0x5830]  }
0xba: {  	[tilespmem:s11+$0xF7D0] =	vst v10;
	v12 =	vadd.f32 v19, v13;
	v9 =	vld [tilespmem:s11+$0x5840]  }
0xbb: {  	s19 =	sadd.s32 $0x400, s19;
	[tilespmem:s11+$0xF7E0] =	vst v11;
	v11 =	vadd.f32 v14, v15;
	v10 =	vld [tilespmem:s11+$0x5850]  }
0xbc: {  	[tilespmem:s11+$0xF7F0] =	vst v12;
	v0 =	vadd.f32 v7, v0;
	v7 =	vld [tilespmem:s11+$0x5860]  }
0xbd: {  	[tilespmem:s11+$0xF800] =	vst v11;
	v1 =	vadd.f32 v6, v1  }
0xbe: {  	[tilespmem:s11+$0xF810] =	vst v0;
	v0 =	vadd.f32 v8, v2  }
0xbf: {  	[tilespmem:s11+$0xF820] =	vst v1;
	v1 =	vadd.f32 v9, v3  }
0xc0: {  	[tilespmem:s11+$0xF830] =	vst v0;
	v0 =	vadd.f32 v10, v4  }
0xc1: {  	s18 =	sadd.s32 s5, s0;
	[tilespmem:s11+$0xF840] =	vst v1;
	v1 =	vadd.f32 v7, v5  }
0xc2: {  	s18 =	sshll.u32 s18, $0x3;
	[tilespmem:s11+$0xF850] =	vst v0  }
0xc3: {  	s18 =	sadd.s32 s3, s18;
	[tilespmem:s11+$0xF860] =	vst v1;
	s11 =	sor.u32 $0x1, s10  }
0xc4: {  	[hbm4b:s18+s4] =	stream.linear.scatter [tilespmem:s24], [sflag:$0x7], $0x2800, $0x38;
	[tilespmem:$0x14780] =	vst v63  }
0xc5: {  	p1 =	sgt.u32 s11, $0x9C;
	s12 =	rddreg [dreg:$0xe]  }
0xc6: {  	s18 =	sadd.s32 @!p1 s0, s12  }
0xc7: {  	s18 =	sshrl.u32 @!p1 s18, $0x3  }
0xc8: {  	s19 =	simm.s32 @!p1 $0x0;
	s18 =	sadd.s32 @!p1 s1, s18  }
0xc9: {  	[tilespmem:s19], [sflag:$0x1] =	stream.linear.gather @!p1 [hbm4b:s18+s19], $0xA0, $0x38;
	[tilespmem:$0x14780] =	vst v63  }
0xca: {  	s12 =	simm.s32 @!p1 $0xA0;
	s20 =	sadd.s32 @!p1 $0x19000, s18  }
0xcb: {  	[tilespmem:s12], [sflag:$0x1] =	stream.linear.gather @!p1 [hbm4b:s20+s19], $0xA0, $0x38;
	[tilespmem:$0x14780] =	vst v63  }
0xcc: {  	s12 =	sadd.s32 @!p1 $0x32000, s18;
	s18 =	simm.s32 @!p1 $0x140  }
0xcd: {  	[tilespmem:s18], [sflag:$0x1] =	stream.linear.gather @!p1 [hbm4b:s12+s19], $0xA0, $0x38;
	[tilespmem:$0x14780] =	vst v63  }
0xce: {  	_ =	swait.ge [sflag:s21], $0xA0  }
0xcf: {  	[sflag:s21] =	ssyncset.done $0x0  }
0xd0: {  	[sflag:s21] =	ssyncadd.s32 $0xFFFFFF60  }
0xd1: {  	_ =	swait.ge [sflag:s21], $0xA0  }
0xd2: {  	[sflag:s21] =	ssyncset.done $0x0  }
0xd3: {  	[sflag:s21] =	ssyncadd.s32 $0xFFFFFF60  }
0xd4: {  	_ =	swait.ge [sflag:s21], $0xA0  }
0xd5: {  	[sflag:s21] =	ssyncset.done $0x0  }
0xd6: {  	s20 =	simm.s32 $0x780;
	s19 =	simm.s32 $0x3C0;
	[sflag:s21] =	ssyncadd.s32 $0xFFFFFF60  }
0xd7: {  	[tilespmem:s20], [sflag:$0x5] =	stream.indirect.gather [hbm4b:s6+s23], $0x40, s19, s23, $0xb8;
	[tilespmem:$0x14780] =	vst v63  }
0xd8: {  	s19 =	simm.s32 $0x460;
	s20 =	simm.s32 $0x2F80  }
0xd9: {  	[tilespmem:s20], [sflag:$0x5] =	stream.indirect.gather [hbm4b:s7+s23], $0x40, s19, s23, $0xb8;
	[tilespmem:$0x14780] =	vst v63  }
0xda: {  	s19 =	simm.s32 $0x500;
	s20 =	simm.s32 $0x5780  }
0xdb: {  	[tilespmem:s20], [sflag:$0x5] =	stream.indirect.gather [hbm4b:s8+s23], $0x40, s19, s23, $0xb8;
	[tilespmem:$0x14780] =	vst v63  }
0xdc: {  	_ =	swait.ge [sflag:s25], $0x2800  }
0xdd: {  	[sflag:s25] =	ssyncset.done $0x0  }
0xde: {  	[sflag:s25] =	ssyncadd.s32 $0xFFFFD800  }
0xdf: {  	_ =	swait.ge [sflag:s25], $0x2800  }
0xe0: {  	[sflag:s25] =	ssyncset.done $0x0  }
0xe1: {  	[sflag:s25] =	ssyncadd.s32 $0xFFFFD800  }
0xe2: {  	_ =	swait.ge [sflag:s25], $0x2800  }
0xe3: {  	[sflag:s25] =	ssyncset.done $0x0  }
0xe4: {  	s12 =	simm.s32 @!p0 $0x8;
	[sflag:s25] =	ssyncadd.s32 $0xFFFFD800  }
0xe5: {  	_ =	swait.ge @!p0 [sflag:s12], $0x2800  }
0xe6: {  	[sflag:s12] =	ssyncset.done @!p0 $0x0  }
0xe7: {  	s18 =	simm.s32 $0x0;
	[sflag:s12] =	ssyncadd.s32 @!p0 $0xFFFFD800  }
0xe8: {  	v0 =	vld [tilespmem:s18+$0x8070]  }
0xe9: {  	v1 =	vld [tilespmem:s18+$0xA870]  }
0xea: {  	v2 =	vld [tilespmem:s18+$0x7F80]  }
0xeb: {  	v3 =	vld [tilespmem:s18+$0xD070]  }
0xec: {  	v4 =	vld [tilespmem:s18+$0xA780]  }
0xed: {  	v5 =	vld [tilespmem:s18+$0x7F90]  }
0xee: {  	v6 =	vld [tilespmem:s18+$0xA790]  }
0xef: {  	v7 =	vld [tilespmem:s18+$0x7FA0]  }
0xf0: {  	v8 =	vld [tilespmem:s18+$0xA7A0]  }
0xf1: {  	v9 =	vld [tilespmem:s18+$0x7FB0]  }
0xf2: {  	v10 =	vld [tilespmem:s18+$0xA7B0]  }
0xf3: {  	v11 =	vld [tilespmem:s18+$0x7FC0]  }
0xf4: {  	v12 =	vld [tilespmem:s18+$0xA7C0]  }
0xf5: {  	v13 =	vld [tilespmem:s18+$0x7FD0]  }
0xf6: {  	v14 =	vld [tilespmem:s18+$0xA7D0]  }
0xf7: {  	v15 =	vld [tilespmem:s18+$0x7FE0]  }
0xf8: {  	v16 =	vld [tilespmem:s18+$0xA7E0]  }
0xf9: {  	v17 =	vld [tilespmem:s18+$0x7FF0]  }
0xfa: {  	v18 =	vld [tilespmem:s18+$0xA7F0]  }
0xfb: {  	v19 =	vld [tilespmem:s18+$0x8000]  }
0xfc: {  	v20 =	vld [tilespmem:s18+$0xA800]  }
0xfd: {  	v21 =	vld [tilespmem:s18+$0x8010]  }
0xfe: {  	v22 =	vld [tilespmem:s18+$0x8020]  }
0xff: {  	v23 =	vld [tilespmem:s18+$0x8030]  }
0x100: {  	v24 =	vld [tilespmem:s18+$0xA830]  }
0x101: {  	v25 =	vld [tilespmem:s18+$0x8040]  }
0x102: {  	v26 =	vld [tilespmem:s18+$0xA840]  }
0x103: {  	v27 =	vld [tilespmem:s18+$0x8050]  }
0x104: {  	v28 =	vld [tilespmem:s18+$0xA850]  }
0x105: {  	v29 =	vld [tilespmem:s18+$0x8060]  }
0x106: {  	v31 =	vld [tilespmem:s18+$0xCF90];
	v0 =	vadd.f32 v1, v0  }
0x107: {  	v63 =	vld [tilespmem:s18+$0xD000];
	v2 =	vadd.f32 v4, v2  }
0x108: {  	v4 =	vadd.f32 v6, v5;
	v5 =	vld [tilespmem:s18+$0xCFA0];
	v0 =	vadd.f32 v3, v0  }
0x109: {  	v6 =	vadd.f32 v8, v7;
	v8 =	vld [tilespmem:s18+$0xCFB0]  }
0x10a: {  	[tilespmem:s18+$0x12070] =	vst v0;
	v0 =	vld [tilespmem:s18+$0xCF80]  }
0x10b: {  	v7 =	vadd.f32 v10, v9;
	v9 =	vadd.f32 v12, v11;
	v11 =	vld [tilespmem:s18+$0xCFC0]  }
0x10c: {  	v1 =	vld [tilespmem:s18+$0xA810]  }
0x10d: {  	v10 =	vadd.f32 v14, v13;
	v12 =	vadd.f32 v16, v15;
	v13 =	vld [tilespmem:s18+$0xCFD0]  }
0x10e: {  	v3 =	vld [tilespmem:s18+$0xA820];
	v5 =	vadd.f32 v5, v6;
	v6 =	vadd.f32 v8, v7  }
0x10f: {  	v0 =	vadd.f32 v0, v2;
	v2 =	vadd.f32 v31, v4;
	v4 =	vld [tilespmem:s18+$0xCFE0]  }
0x110: {  	v62 =	vld [tilespmem:s18+$0xCFF0];
	v15 =	vadd.f32 v20, v19;
	[tilespmem:s18+$0x11FA0] =	vst v5;
	v5 =	vadd.f32 v11, v9  }
0x111: {  	v30 =	vld [tilespmem:s18+$0xA860];
	v14 =	vadd.f32 v18, v17;
	[tilespmem:s18+$0x11FB0] =	vst v6  }
0x112: {  	v7 =	vld [tilespmem:s18+$0xD010];
	v9 =	vadd.f32 v13, v10;
	v11 =	vadd.f32 v63, v15;
	[tilespmem:s18+$0x11FC0] =	vst v5  }
0x113: {  	v6 =	vld [tilespmem:s18+$0xD020];
	v5 =	vadd.f32 v28, v27;
	[tilespmem:s18+$0x11F80] =	vst v0;
	v0 =	vadd.f32 v1, v21  }
0x114: {  	v8 =	vld [tilespmem:s18+$0xD030];
	[tilespmem:s18+$0x11FD0] =	vst v9;
	v1 =	vadd.f32 v3, v22;
	v10 =	vadd.f32 v4, v12  }
0x115: {  	v9 =	vld [tilespmem:s18+$0xD040];
	[tilespmem:s18+$0x11F90] =	vst v2;
	v2 =	vadd.f32 v24, v23;
	v12 =	vadd.f32 v62, v14  }
0x116: {  	s19 =	simm.s32 $0x0;
	s20 =	simm.s32 $0x400;
	v3 =	vadd.f32 v26, v25;
	v4 =	vadd.f32 v30, v29;
	[tilespmem:s18+$0x11FE0] =	vst v10;
	v10 =	vld [tilespmem:s18+$0xD050]  }
.LBB2_5:
0x117: {  	s12 =	sshra.s32 s20, $0x2;
	[tilespmem:s18+$0x11FF0] =	vst v12;
	v0 =	vadd.f32 v7, v0;
	v7 =	vld [tilespmem:s18+$0xD060]  }
0x118: {  	s19 =	sadd.s32 $0x4, s19;
	v12 =	vld [tilespmem:s12+$0x8070];
	[tilespmem:s18+$0x12000] =	vst v11;
	v1 =	vadd.f32 v6, v1  }
0x119: {  	p0 =	slt.u32 s19, $0x9C;
	v6 =	vld [tilespmem:s12+$0xA870];
	[tilespmem:s18+$0x12010] =	vst v0;
	v0 =	vadd.f32 v8, v2  }
0x11a: {  	v2 =	vld [tilespmem:s12+$0x7F80];
	[tilespmem:s18+$0x12020] =	vst v1;
	v1 =	vadd.f32 v9, v3  }
0x11b: {  	v3 =	vld [tilespmem:s12+$0xD070];
	[tilespmem:s18+$0x12030] =	vst v0;
	v0 =	vadd.f32 v10, v5  }
0x11c: {  	v5 =	vld [tilespmem:s12+$0xA780];
	[tilespmem:s18+$0x12040] =	vst v1;
	v1 =	vadd.f32 v7, v4  }
0x11d: {  	v4 =	vld [tilespmem:s12+$0x7F90];
	[tilespmem:s18+$0x12050] =	vst v0  }
0x11e: {  	v0 =	vld [tilespmem:s12+$0xA790];
	v6 =	vadd.f32 v6, v12;
	[tilespmem:s18+$0x12060] =	vst v1;
	s18 =	smov.u32 s12  }
0x11f: {  	v1 =	vld [tilespmem:s18+$0x7FA0]  }
0x120: {  	v7 =	vld [tilespmem:s18+$0xA7A0];
	v3 =	vadd.f32 v3, v6  }
0x121: {  	v6 =	vadd.f32 v5, v2;
	v2 =	vld [tilespmem:s18+$0x7FB0]  }
0x122: {  	v5 =	vld [tilespmem:s18+$0xA7B0];
	[tilespmem:s18+$0x12070] =	vst v3  }
0x123: {  	v8 =	vadd.f32 v0, v4;
	v0 =	vld [tilespmem:s18+$0x7FC0]  }
0x124: {  	v3 =	vld [tilespmem:s18+$0xA7C0]  }
0x125: {  	v7 =	vadd.f32 v7, v1;
	v1 =	vld [tilespmem:s18+$0x7FD0]  }
0x126: {  	v4 =	vld [tilespmem:s18+$0xA7D0]  }
0x127: {  	v9 =	vadd.f32 v5, v2;
	v2 =	vld [tilespmem:s18+$0x7FE0]  }
0x128: {  	v5 =	vld [tilespmem:s18+$0xA7E0]  }
0x129: {  	v10 =	vadd.f32 v3, v0;
	v0 =	vld [tilespmem:s18+$0x7FF0]  }
0x12a: {  	v3 =	vld [tilespmem:s18+$0xA7F0]  }
0x12b: {  	v11 =	vadd.f32 v4, v1;
	v1 =	vld [tilespmem:s18+$0x8000]  }
0x12c: {  	v4 =	vld [tilespmem:s18+$0xA800]  }
0x12d: {  	v12 =	vadd.f32 v5, v2;
	v2 =	vld [tilespmem:s18+$0x8010]  }
0x12e: {  	v5 =	vld [tilespmem:s18+$0xA810]  }
0x12f: {  	v13 =	vadd.f32 v3, v0;
	v3 =	vld [tilespmem:s18+$0x8020]  }
0x130: {  	v14 =	vld [tilespmem:s18+$0xA820]  }
0x131: {  	v15 =	vadd.f32 v4, v1;
	v4 =	vld [tilespmem:s18+$0x8030]  }
0x132: {  	v16 =	vld [tilespmem:s18+$0xA830]  }
0x133: {  	v0 =	vadd.f32 v5, v2;
	v5 =	vld [tilespmem:s18+$0x8040]  }
0x134: {  	v17 =	vld [tilespmem:s18+$0xA840]  }
0x135: {  	v1 =	vadd.f32 v14, v3;
	v14 =	vld [tilespmem:s18+$0x8050]  }
0x136: {  	v18 =	vld [tilespmem:s18+$0xA850]  }
0x137: {  	v2 =	vadd.f32 v16, v4;
	v4 =	vld [tilespmem:s18+$0x8060]  }
0x138: {  	v16 =	vld [tilespmem:s18+$0xA860]  }
0x139: {  	v19 =	vld [tilespmem:s18+$0xCF80];
	v3 =	vadd.f32 v17, v5  }
0x13a: {  	v17 =	vld [tilespmem:s18+$0xCF90]  }
0x13b: {  	v20 =	vld [tilespmem:s18+$0xCFA0];
	v5 =	vadd.f32 v18, v14  }
0x13c: {  	v14 =	vld [tilespmem:s18+$0xCFB0]  }
0x13d: {  	v18 =	vld [tilespmem:s18+$0xCFC0];
	v4 =	vadd.f32 v16, v4  }
0x13e: {  	v6 =	vadd.f32 v19, v6;
	v16 =	vld [tilespmem:s18+$0xCFD0]  }
0x13f: {  	v8 =	vadd.f32 v17, v8;
	v17 =	vld [tilespmem:s18+$0xCFE0]  }
0x140: {  	[tilespmem:s18+$0x11F80] =	vst v6;
	v6 =	vadd.f32 v20, v7;
	v19 =	vld [tilespmem:s18+$0xCFF0]  }
0x141: {  	[tilespmem:s18+$0x11F90] =	vst v8;
	v8 =	vadd.f32 v14, v9;
	v14 =	vld [tilespmem:s18+$0xD000]  }
.Ltmp1:
0x142: {  	[tilespmem:s18+$0x11FA0] =	vst v6;
	v9 =	vadd.f32 v18, v10;
	v7 =	vld [tilespmem:s18+$0xD010];
	(pc) =	sbr.rel @p0 .LBB2_5-.Ltmp1, $4  }
0x143: {  	[tilespmem:s18+$0x11FB0] =	vst v8;
	v10 =	vadd.f32 v16, v11;
	v6 =	vld [tilespmem:s18+$0xD020]  }
0x144: {  	[tilespmem:s18+$0x11FC0] =	vst v9;
	v11 =	vadd.f32 v17, v12;
	v8 =	vld [tilespmem:s18+$0xD030]  }
0x145: {  	[tilespmem:s18+$0x11FD0] =	vst v10;
	v12 =	vadd.f32 v19, v13;
	v9 =	vld [tilespmem:s18+$0xD040]  }
0x146: {  	s20 =	sadd.s32 $0x400, s20;
	[tilespmem:s18+$0x11FE0] =	vst v11;
	v11 =	vadd.f32 v14, v15;
	v10 =	vld [tilespmem:s18+$0xD050]  }
0x147: {  	[tilespmem:s18+$0x11FF0] =	vst v12;
	v0 =	vadd.f32 v7, v0;
	v7 =	vld [tilespmem:s18+$0xD060]  }
0x148: {  	[tilespmem:s18+$0x12000] =	vst v11;
	v1 =	vadd.f32 v6, v1  }
0x149: {  	s11 =	smul.u32 $0xA0, s11;
	[tilespmem:s18+$0x12010] =	vst v0;
	v0 =	vadd.f32 v8, v2  }
0x14a: {  	[tilespmem:s18+$0x12020] =	vst v1;
	v1 =	vadd.f32 v9, v3  }
0x14b: {  	s11 =	sadd.s32 s5, s11;
	[tilespmem:s18+$0x12030] =	vst v0;
	v0 =	vadd.f32 v10, v5  }
0x14c: {  	s11 =	sshll.u32 s11, $0x3;
	[tilespmem:s18+$0x12040] =	vst v1;
	v1 =	vadd.f32 v7, v4  }
0x14d: {  	s11 =	sand.u32 $0x1FFFFD00, s11;
	[tilespmem:s18+$0x12050] =	vst v0  }
0x14e: {  	s11 =	sadd.s32 s3, s11;
	[tilespmem:s18+$0x12060] =	vst v1  }
0x14f: {  	[hbm4b:s11+s4] =	stream.linear.scatter [tilespmem:s26], [sflag:$0x8], $0x2800, $0x38;
	[tilespmem:$0x14780] =	vst v63  }
0x150: {  	s11 =	sor.u32 $0x2, s10  }
0x151: {  	s12 =	rddreg [dreg:$0xf];
	p0 =	sgt.u32 s11, $0x9C  }
0x152: {  	s12 =	sadd.s32 @!p0 s0, s12  }
0x153: {  	s12 =	sshrl.u32 @!p0 s12, $0x3  }
0x154: {  	s18 =	simm.s32 @!p0 $0x0;
	s19 =	simm.s32 @!p0 $0x1E0;
	s12 =	sadd.s32 @!p0 s1, s12  }
0x155: {  	[tilespmem:s19], [sflag:$0x2] =	stream.linear.gather @!p0 [hbm4b:s12+s18], $0xA0, $0x38;
	[tilespmem:$0x14780] =	vst v63  }
0x156: {  	s20 =	simm.s32 @!p0 $0x280;
	s19 =	sadd.s32 @!p0 $0x19000, s12  }
0x157: {  	[tilespmem:s20], [sflag:$0x2] =	stream.linear.gather @!p0 [hbm4b:s19+s18], $0xA0, $0x38;
	[tilespmem:$0x14780] =	vst v63  }
0x158: {  	s12 =	sadd.s32 @!p0 $0x32000, s12;
	s19 =	simm.s32 @!p0 $0x320  }
0x159: {  	[tilespmem:s19], [sflag:$0x2] =	stream.linear.gather @!p0 [hbm4b:s12+s18], $0xA0, $0x38;
	[tilespmem:$0x14780] =	vst v63  }
0x15a: {  	_ =	swait.ge [sflag:s28], $0xA0  }
0x15b: {  	[sflag:s28] =	ssyncset.done $0x0  }
0x15c: {  	[sflag:s28] =	ssyncadd.s32 $0xFFFFFF60  }
0x15d: {  	_ =	swait.ge [sflag:s28], $0xA0  }
0x15e: {  	[sflag:s28] =	ssyncset.done $0x0  }
0x15f: {  	[sflag:s28] =	ssyncadd.s32 $0xFFFFFF60  }
0x160: {  	_ =	swait.ge [sflag:s28], $0xA0  }
0x161: {  	[sflag:s28] =	ssyncset.done $0x0  }
0x162: {  	s20 =	simm.s32 $0x5A0;
	[sflag:s28] =	ssyncadd.s32 $0xFFFFFF60  }
0x163: {  	[tilespmem:s16], [sflag:$0x6] =	stream.indirect.gather [hbm4b:s6+s23], $0x40, s20, s23, $0xb8;
	[tilespmem:$0x14780] =	vst v63  }
0x164: {  	_ = 	snop  }
0x165: {  	[tilespmem:s17], [sflag:$0x6] =	stream.indirect.gather [hbm4b:s7+s23], $0x40, s13, s23, $0xb8;
	[tilespmem:$0x14780] =	vst v63  }
0x166: {  	_ = 	snop  }
0x167: {  	[tilespmem:s22], [sflag:$0x6] =	stream.indirect.gather [hbm4b:s8+s23], $0x40, s14, s23, $0xb8;
	[tilespmem:$0x14780] =	vst v63  }
0x168: {  	_ =	swait.ge [sflag:s9], $0x2800  }
0x169: {  	[sflag:s9] =	ssyncset.done $0x0  }
0x16a: {  	[sflag:s9] =	ssyncadd.s32 $0xFFFFD800  }
0x16b: {  	_ =	swait.ge [sflag:s9], $0x2800  }
0x16c: {  	[sflag:s9] =	ssyncset.done $0x0  }
0x16d: {  	[sflag:s9] =	ssyncadd.s32 $0xFFFFD800  }
0x16e: {  	_ =	swait.ge [sflag:s9], $0x2800  }
0x16f: {  	[sflag:s9] =	ssyncset.done $0x0  }
0x170: {  	[sflag:s9] =	ssyncadd.s32 $0xFFFFD800  }
0x171: {  	_ =	swait.ge [sflag:s29], $0x2800  }
0x172: {  	[sflag:s29] =	ssyncset.done $0x0  }
0x173: {  	s18 =	simm.s32 $0x0;
	[sflag:s29] =	ssyncadd.s32 $0xFFFFD800  }
0x174: {  	v0 =	vld [tilespmem:s18+$0x870]  }
0x175: {  	v1 =	vld [tilespmem:s18+$0x3070]  }
0x176: {  	v2 =	vld [tilespmem:s18+$0x780]  }
0x177: {  	v3 =	vld [tilespmem:s18+$0x5870]  }
0x178: {  	v4 =	vld [tilespmem:s18+$0x2F80]  }
0x179: {  	v5 =	vld [tilespmem:s18+$0x790]  }
0x17a: {  	v6 =	vld [tilespmem:s18+$0x2F90]  }
0x17b: {  	v7 =	vld [tilespmem:s18+$0x7A0]  }
0x17c: {  	v8 =	vld [tilespmem:s18+$0x2FA0]  }
0x17d: {  	v9 =	vld [tilespmem:s18+$0x7B0]  }
0x17e: {  	v10 =	vld [tilespmem:s18+$0x2FB0]  }
0x17f: {  	v11 =	vld [tilespmem:s18+$0x7C0]  }
0x180: {  	v12 =	vld [tilespmem:s18+$0x2FC0]  }
0x181: {  	v13 =	vld [tilespmem:s18+$0x7D0]  }
0x182: {  	v14 =	vld [tilespmem:s18+$0x2FD0]  }
0x183: {  	v15 =	vld [tilespmem:s18+$0x7E0]  }
0x184: {  	v16 =	vld [tilespmem:s18+$0x2FE0]  }
0x185: {  	v17 =	vld [tilespmem:s18+$0x7F0]  }
0x186: {  	v18 =	vld [tilespmem:s18+$0x2FF0]  }
0x187: {  	v19 =	vld [tilespmem:s18+$0x800]  }
0x188: {  	v20 =	vld [tilespmem:s18+$0x3000]  }
0x189: {  	v21 =	vld [tilespmem:s18+$0x810]  }
0x18a: {  	v22 =	vld [tilespmem:s18+$0x820]  }
0x18b: {  	v23 =	vld [tilespmem:s18+$0x830]  }
0x18c: {  	v24 =	vld [tilespmem:s18+$0x3030]  }
0x18d: {  	v25 =	vld [tilespmem:s18+$0x840]  }
0x18e: {  	v26 =	vld [tilespmem:s18+$0x3040]  }
0x18f: {  	v27 =	vld [tilespmem:s18+$0x850]  }
0x190: {  	v28 =	vld [tilespmem:s18+$0x3050]  }
0x191: {  	v29 =	vld [tilespmem:s18+$0x860]  }
0x192: {  	v31 =	vld [tilespmem:s18+$0x5790];
	v0 =	vadd.f32 v1, v0  }
0x193: {  	v63 =	vld [tilespmem:s18+$0x5800];
	v2 =	vadd.f32 v4, v2  }
0x194: {  	v4 =	vadd.f32 v6, v5;
	v5 =	vld [tilespmem:s18+$0x57A0];
	v0 =	vadd.f32 v3, v0  }
0x195: {  	v6 =	vadd.f32 v8, v7;
	v8 =	vld [tilespmem:s18+$0x57B0]  }
0x196: {  	[tilespmem:s18+$0xF870] =	vst v0;
	v0 =	vld [tilespmem:s18+$0x5780]  }
0x197: {  	v7 =	vadd.f32 v10, v9;
	v9 =	vadd.f32 v12, v11;
	v11 =	vld [tilespmem:s18+$0x57C0]  }
0x198: {  	v1 =	vld [tilespmem:s18+$0x3010]  }
0x199: {  	v10 =	vadd.f32 v14, v13;
	v12 =	vadd.f32 v16, v15;
	v13 =	vld [tilespmem:s18+$0x57D0]  }
0x19a: {  	v3 =	vld [tilespmem:s18+$0x3020];
	v5 =	vadd.f32 v5, v6;
	v6 =	vadd.f32 v8, v7  }
0x19b: {  	v0 =	vadd.f32 v0, v2;
	v2 =	vadd.f32 v31, v4;
	v4 =	vld [tilespmem:s18+$0x57E0]  }
0x19c: {  	v62 =	vld [tilespmem:s18+$0x57F0];
	v15 =	vadd.f32 v20, v19;
	[tilespmem:s18+$0xF7A0] =	vst v5;
	v5 =	vadd.f32 v11, v9  }
0x19d: {  	v30 =	vld [tilespmem:s18+$0x3060];
	v14 =	vadd.f32 v18, v17;
	[tilespmem:s18+$0xF7B0] =	vst v6  }
0x19e: {  	v7 =	vld [tilespmem:s18+$0x5810];
	v9 =	vadd.f32 v13, v10;
	v11 =	vadd.f32 v63, v15;
	[tilespmem:s18+$0xF7C0] =	vst v5  }
0x19f: {  	v6 =	vld [tilespmem:s18+$0x5820];
	v5 =	vadd.f32 v28, v27;
	[tilespmem:s18+$0xF780] =	vst v0;
	v0 =	vadd.f32 v1, v21  }
0x1a0: {  	v8 =	vld [tilespmem:s18+$0x5830];
	[tilespmem:s18+$0xF7D0] =	vst v9;
	v1 =	vadd.f32 v3, v22;
	v10 =	vadd.f32 v4, v12  }
0x1a1: {  	v9 =	vld [tilespmem:s18+$0x5840];
	[tilespmem:s18+$0xF790] =	vst v2;
	v2 =	vadd.f32 v24, v23;
	v12 =	vadd.f32 v62, v14  }
0x1a2: {  	s19 =	simm.s32 $0x0;
	s20 =	simm.s32 $0x400;
	v3 =	vadd.f32 v26, v25;
	v4 =	vadd.f32 v30, v29;
	[tilespmem:s18+$0xF7E0] =	vst v10;
	v10 =	vld [tilespmem:s18+$0x5850]  }
.LBB2_7:
0x1a3: {  	s12 =	sshra.s32 s20, $0x2;
	[tilespmem:s18+$0xF7F0] =	vst v12;
	v0 =	vadd.f32 v7, v0;
	v7 =	vld [tilespmem:s18+$0x5860]  }
0x1a4: {  	s19 =	sadd.s32 $0x4, s19;
	v12 =	vld [tilespmem:s12+$0x870];
	[tilespmem:s18+$0xF800] =	vst v11;
	v1 =	vadd.f32 v6, v1  }
0x1a5: {  	p0 =	slt.u32 s19, $0x9C;
	v6 =	vld [tilespmem:s12+$0x3070];
	[tilespmem:s18+$0xF810] =	vst v0;
	v0 =	vadd.f32 v8, v2  }
0x1a6: {  	v2 =	vld [tilespmem:s12+$0x780];
	[tilespmem:s18+$0xF820] =	vst v1;
	v1 =	vadd.f32 v9, v3  }
0x1a7: {  	v3 =	vld [tilespmem:s12+$0x5870];
	[tilespmem:s18+$0xF830] =	vst v0;
	v0 =	vadd.f32 v10, v5  }
0x1a8: {  	v5 =	vld [tilespmem:s12+$0x2F80];
	[tilespmem:s18+$0xF840] =	vst v1;
	v1 =	vadd.f32 v7, v4  }
0x1a9: {  	v4 =	vld [tilespmem:s12+$0x790];
	[tilespmem:s18+$0xF850] =	vst v0  }
0x1aa: {  	v0 =	vld [tilespmem:s12+$0x2F90];
	v6 =	vadd.f32 v6, v12;
	[tilespmem:s18+$0xF860] =	vst v1;
	s18 =	smov.u32 s12  }
0x1ab: {  	v1 =	vld [tilespmem:s18+$0x7A0]  }
0x1ac: {  	v7 =	vld [tilespmem:s18+$0x2FA0];
	v3 =	vadd.f32 v3, v6  }
0x1ad: {  	v6 =	vadd.f32 v5, v2;
	v2 =	vld [tilespmem:s18+$0x7B0]  }
0x1ae: {  	v5 =	vld [tilespmem:s18+$0x2FB0];
	[tilespmem:s18+$0xF870] =	vst v3  }
0x1af: {  	v8 =	vadd.f32 v0, v4;
	v0 =	vld [tilespmem:s18+$0x7C0]  }
0x1b0: {  	v3 =	vld [tilespmem:s18+$0x2FC0]  }
0x1b1: {  	v7 =	vadd.f32 v7, v1;
	v1 =	vld [tilespmem:s18+$0x7D0]  }
0x1b2: {  	v4 =	vld [tilespmem:s18+$0x2FD0]  }
0x1b3: {  	v9 =	vadd.f32 v5, v2;
	v2 =	vld [tilespmem:s18+$0x7E0]  }
0x1b4: {  	v5 =	vld [tilespmem:s18+$0x2FE0]  }
0x1b5: {  	v10 =	vadd.f32 v3, v0;
	v0 =	vld [tilespmem:s18+$0x7F0]  }
0x1b6: {  	v3 =	vld [tilespmem:s18+$0x2FF0]  }
0x1b7: {  	v11 =	vadd.f32 v4, v1;
	v1 =	vld [tilespmem:s18+$0x800]  }
0x1b8: {  	v4 =	vld [tilespmem:s18+$0x3000]  }
0x1b9: {  	v12 =	vadd.f32 v5, v2;
	v2 =	vld [tilespmem:s18+$0x810]  }
0x1ba: {  	v5 =	vld [tilespmem:s18+$0x3010]  }
0x1bb: {  	v13 =	vadd.f32 v3, v0;
	v3 =	vld [tilespmem:s18+$0x820]  }
0x1bc: {  	v14 =	vld [tilespmem:s18+$0x3020]  }
0x1bd: {  	v15 =	vadd.f32 v4, v1;
	v4 =	vld [tilespmem:s18+$0x830]  }
0x1be: {  	v16 =	vld [tilespmem:s18+$0x3030]  }
0x1bf: {  	v0 =	vadd.f32 v5, v2;
	v5 =	vld [tilespmem:s18+$0x840]  }
0x1c0: {  	v17 =	vld [tilespmem:s18+$0x3040]  }
0x1c1: {  	v1 =	vadd.f32 v14, v3;
	v14 =	vld [tilespmem:s18+$0x850]  }
0x1c2: {  	v18 =	vld [tilespmem:s18+$0x3050]  }
0x1c3: {  	v2 =	vadd.f32 v16, v4;
	v4 =	vld [tilespmem:s18+$0x860]  }
0x1c4: {  	v16 =	vld [tilespmem:s18+$0x3060]  }
0x1c5: {  	v19 =	vld [tilespmem:s18+$0x5780];
	v3 =	vadd.f32 v17, v5  }
0x1c6: {  	v17 =	vld [tilespmem:s18+$0x5790]  }
0x1c7: {  	v20 =	vld [tilespmem:s18+$0x57A0];
	v5 =	vadd.f32 v18, v14  }
0x1c8: {  	v14 =	vld [tilespmem:s18+$0x57B0]  }
0x1c9: {  	v18 =	vld [tilespmem:s18+$0x57C0];
	v4 =	vadd.f32 v16, v4  }
0x1ca: {  	v6 =	vadd.f32 v19, v6;
	v16 =	vld [tilespmem:s18+$0x57D0]  }
0x1cb: {  	v8 =	vadd.f32 v17, v8;
	v17 =	vld [tilespmem:s18+$0x57E0]  }
0x1cc: {  	[tilespmem:s18+$0xF780] =	vst v6;
	v6 =	vadd.f32 v20, v7;
	v19 =	vld [tilespmem:s18+$0x57F0]  }
0x1cd: {  	[tilespmem:s18+$0xF790] =	vst v8;
	v8 =	vadd.f32 v14, v9;
	v14 =	vld [tilespmem:s18+$0x5800]  }
.Ltmp2:
0x1ce: {  	[tilespmem:s18+$0xF7A0] =	vst v6;
	v9 =	vadd.f32 v18, v10;
	v7 =	vld [tilespmem:s18+$0x5810];
	(pc) =	sbr.rel @p0 .LBB2_7-.Ltmp2, $4  }
0x1cf: {  	[tilespmem:s18+$0xF7B0] =	vst v8;
	v10 =	vadd.f32 v16, v11;
	v6 =	vld [tilespmem:s18+$0x5820]  }
0x1d0: {  	[tilespmem:s18+$0xF7C0] =	vst v9;
	v11 =	vadd.f32 v17, v12;
	v8 =	vld [tilespmem:s18+$0x5830]  }
0x1d1: {  	[tilespmem:s18+$0xF7D0] =	vst v10;
	v12 =	vadd.f32 v19, v13;
	v9 =	vld [tilespmem:s18+$0x5840]  }
0x1d2: {  	s20 =	sadd.s32 $0x400, s20;
	[tilespmem:s18+$0xF7E0] =	vst v11;
	v11 =	vadd.f32 v14, v15;
	v10 =	vld [tilespmem:s18+$0x5850]  }
0x1d3: {  	[tilespmem:s18+$0xF7F0] =	vst v12;
	v0 =	vadd.f32 v7, v0;
	v59 =	vld [tilespmem:s18+$0x5860]  }
0x1d4: {  	[tilespmem:s18+$0xF800] =	vst v11;
	v1 =	vadd.f32 v6, v1  }
0x1d5: {  	s11 =	smul.u32 $0xA0, s11;
	s10 =	sor.u32 $0x3, s10;
	[tilespmem:s18+$0xF810] =	vst v0;
	v60 =	vadd.f32 v8, v2  }
0x1d6: {  	p0 =	sgt.u32 s10, $0x9C;
	[tilespmem:s18+$0xF820] =	vst v1;
	v61 =	vadd.f32 v9, v3  }
.Ltmp3:
0x1d7: {  	s11 =	sadd.s32 s5, s11;
	[tilespmem:s18+$0xF830] =	vst v60;
	v62 =	vadd.f32 v10, v5;
	(pc) =	sbr.rel @p0 .LBB2_10-.Ltmp3, $4  }
0x1d8: {  	s11 =	sshll.u32 s11, $0x3;
	[tilespmem:s18+$0xF840] =	vst v61;
	v63 =	vadd.f32 v59, v4  }
0x1d9: {  	s11 =	sand.u32 $0x1FFFFE00, s11;
	[tilespmem:s18+$0xF850] =	vst v62  }
0x1da: {  	s11 =	sadd.s32 s3, s11;
	[tilespmem:s18+$0xF860] =	vst v63  }
0x1db: {  	[hbm4b:s11+s4] =	stream.linear.scatter [tilespmem:s24], [sflag:$0x7], $0x2800, $0x38;
	[tilespmem:$0x14780] =	vst v63  }
0x1dc: {  	s11 =	rddreg [dreg:$0x10]  }
0x1dd: {  	s0 =	sadd.s32 s0, s11  }
0x1de: {  	s0 =	sshrl.u32 s0, $0x3  }
0x1df: {  	s18 =	simm.s32 $0x3C0;
	s0 =	sadd.s32 s1, s0  }
0x1e0: {  	[tilespmem:s18], [sflag:$0x3] =	stream.linear.gather [hbm4b:s0+s4], $0xA0, $0x38;
	[tilespmem:$0x14780] =	vst v63  }
.Ltmp4:
0x1e1: {  	_ = 	snop;
	(pc) =	sbr.rel .LBB2_11-.Ltmp4, $4  }
0x1e2: {  	s12 =	simm.s32 $0x460;
	s19 =	sadd.s32 $0x19000, s0  }
0x1e3: {  	[tilespmem:s12], [sflag:$0x3] =	stream.linear.gather [hbm4b:s19+s4], $0xA0, $0x38;
	[tilespmem:$0x14780] =	vst v63  }
0x1e4: {  	s20 =	simm.s32 $0x500;
	s0 =	sadd.s32 $0x32000, s0  }
0x1e5: {  	[tilespmem:s20], [sflag:$0x3] =	stream.linear.gather [hbm4b:s0+s4], $0xA0, $0x38;
	[tilespmem:$0x14780] =	vst v63  }
.LBB2_10:
0x1e6: {  	p0 =	sgt.u32 s10, $0x9E  }
.Ltmp5:
0x1e7: {  	_ = 	snop;
	(pc) =	sbr.rel @p0 .LBB2_12-.Ltmp5, $1  }
0x1e8: {  	_ =	sdelay $0x3  }
.LBB2_11:
0x1e9: {  	_ =	swait.ge [sflag:s2], $0xA0  }
0x1ea: {  	[sflag:s2] =	ssyncset.done $0x0  }
0x1eb: {  	[sflag:s2] =	ssyncadd.s32 $0xFFFFFF60  }
0x1ec: {  	_ =	swait.ge [sflag:s2], $0xA0  }
0x1ed: {  	[sflag:s2] =	ssyncset.done $0x0  }
0x1ee: {  	[sflag:s2] =	ssyncadd.s32 $0xFFFFFF60  }
0x1ef: {  	_ =	swait.ge [sflag:s2], $0xA0  }
0x1f0: {  	[sflag:s2] =	ssyncset.done $0x0  }
0x1f1: {  	s0 =	simm.s32 $0x780;
	[sflag:s2] =	ssyncadd.s32 $0xFFFFFF60  }
0x1f2: {  	[tilespmem:s0], [sflag:$0x5] =	stream.indirect.gather [hbm4b:s6+s23], $0x40, s4, s23, $0xb8;
	[tilespmem:$0x14780] =	vst v63  }
0x1f3: {  	s19 =	simm.s32 $0x2F80  }
0x1f4: {  	[tilespmem:s19], [sflag:$0x5] =	stream.indirect.gather [hbm4b:s7+s23], $0x40, s23, s23, $0xb8;
	[tilespmem:$0x14780] =	vst v63  }
0x1f5: {  	s20 =	simm.s32 $0x140;
	s11 =	simm.s32 $0x5780  }
0x1f6: {  	[tilespmem:s11], [sflag:$0x5] =	stream.indirect.gather [hbm4b:s8+s23], $0x40, s20, s23, $0xb8;
	[tilespmem:$0x14780] =	vst v63  }
.LBB2_12:
0x1f7: {  	_ =	swait.ge [sflag:s25], $0x2800  }
0x1f8: {  	[sflag:s25] =	ssyncset.done $0x0  }
0x1f9: {  	[sflag:s25] =	ssyncadd.s32 $0xFFFFD800  }
0x1fa: {  	_ =	swait.ge [sflag:s25], $0x2800  }
0x1fb: {  	[sflag:s25] =	ssyncset.done $0x0  }
0x1fc: {  	[sflag:s25] =	ssyncadd.s32 $0xFFFFD800  }
0x1fd: {  	_ =	swait.ge [sflag:s25], $0x2800  }
0x1fe: {  	[sflag:s25] =	ssyncset.done $0x0  }
0x1ff: {  	[sflag:s25] =	ssyncadd.s32 $0xFFFFD800  }
0x200: {  	_ =	swait.ge [sflag:s30], $0x2800  }
0x201: {  	[sflag:s30] =	ssyncset.done $0x0  }
0x202: {  	s0 =	simm.s32 $0x0;
	[sflag:s30] =	ssyncadd.s32 $0xFFFFD800  }
0x203: {  	v0 =	vld [tilespmem:s0+$0x8070]  }
0x204: {  	v1 =	vld [tilespmem:s0+$0xA870]  }
0x205: {  	v2 =	vld [tilespmem:s0+$0x7F80]  }
0x206: {  	v3 =	vld [tilespmem:s0+$0xD070]  }
0x207: {  	v4 =	vld [tilespmem:s0+$0xA780]  }
0x208: {  	v5 =	vld [tilespmem:s0+$0x7F90]  }
0x209: {  	v6 =	vld [tilespmem:s0+$0xA790]  }
0x20a: {  	v7 =	vld [tilespmem:s0+$0x7FA0]  }
0x20b: {  	v8 =	vld [tilespmem:s0+$0xA7A0]  }
0x20c: {  	v9 =	vld [tilespmem:s0+$0x7FB0]  }
0x20d: {  	v10 =	vld [tilespmem:s0+$0xA7B0]  }
0x20e: {  	v11 =	vld [tilespmem:s0+$0x7FC0]  }
0x20f: {  	v12 =	vld [tilespmem:s0+$0xA7C0]  }
0x210: {  	v13 =	vld [tilespmem:s0+$0x7FD0]  }
0x211: {  	v14 =	vld [tilespmem:s0+$0xA7D0]  }
0x212: {  	v15 =	vld [tilespmem:s0+$0x7FE0]  }
0x213: {  	v16 =	vld [tilespmem:s0+$0xA7E0]  }
0x214: {  	v17 =	vld [tilespmem:s0+$0x7FF0]  }
0x215: {  	v18 =	vld [tilespmem:s0+$0xA7F0]  }
0x216: {  	v19 =	vld [tilespmem:s0+$0x8000]  }
0x217: {  	v20 =	vld [tilespmem:s0+$0xA800]  }
0x218: {  	v21 =	vld [tilespmem:s0+$0x8010]  }
0x219: {  	v22 =	vld [tilespmem:s0+$0x8020]  }
0x21a: {  	v23 =	vld [tilespmem:s0+$0x8030]  }
0x21b: {  	v24 =	vld [tilespmem:s0+$0xA830]  }
0x21c: {  	v25 =	vld [tilespmem:s0+$0x8040]  }
0x21d: {  	v26 =	vld [tilespmem:s0+$0xA840]  }
0x21e: {  	v27 =	vld [tilespmem:s0+$0x8050]  }
0x21f: {  	v28 =	vld [tilespmem:s0+$0xA850]  }
0x220: {  	v29 =	vld [tilespmem:s0+$0x8060]  }
0x221: {  	v31 =	vld [tilespmem:s0+$0xCF90];
	v0 =	vadd.f32 v1, v0  }
0x222: {  	v63 =	vld [tilespmem:s0+$0xD000];
	v2 =	vadd.f32 v4, v2  }
0x223: {  	v4 =	vadd.f32 v6, v5;
	v5 =	vld [tilespmem:s0+$0xCFA0];
	v0 =	vadd.f32 v3, v0  }
0x224: {  	v6 =	vadd.f32 v8, v7;
	v8 =	vld [tilespmem:s0+$0xCFB0]  }
0x225: {  	[tilespmem:s0+$0x12070] =	vst v0;
	v0 =	vld [tilespmem:s0+$0xCF80]  }
0x226: {  	v7 =	vadd.f32 v10, v9;
	v9 =	vadd.f32 v12, v11;
	v11 =	vld [tilespmem:s0+$0xCFC0]  }
0x227: {  	v1 =	vld [tilespmem:s0+$0xA810]  }
0x228: {  	v10 =	vadd.f32 v14, v13;
	v12 =	vadd.f32 v16, v15;
	v13 =	vld [tilespmem:s0+$0xCFD0]  }
0x229: {  	v3 =	vld [tilespmem:s0+$0xA820];
	v5 =	vadd.f32 v5, v6;
	v6 =	vadd.f32 v8, v7  }
0x22a: {  	v0 =	vadd.f32 v0, v2;
	v2 =	vadd.f32 v31, v4;
	v4 =	vld [tilespmem:s0+$0xCFE0]  }
0x22b: {  	v62 =	vld [tilespmem:s0+$0xCFF0];
	v15 =	vadd.f32 v20, v19;
	[tilespmem:s0+$0x11FA0] =	vst v5;
	v5 =	vadd.f32 v11, v9  }
0x22c: {  	v30 =	vld [tilespmem:s0+$0xA860];
	v14 =	vadd.f32 v18, v17;
	[tilespmem:s0+$0x11FB0] =	vst v6  }
0x22d: {  	v7 =	vld [tilespmem:s0+$0xD010];
	v9 =	vadd.f32 v13, v10;
	v11 =	vadd.f32 v63, v15;
	[tilespmem:s0+$0x11FC0] =	vst v5  }
0x22e: {  	v6 =	vld [tilespmem:s0+$0xD020];
	v5 =	vadd.f32 v28, v27;
	[tilespmem:s0+$0x11F80] =	vst v0;
	v0 =	vadd.f32 v1, v21  }
0x22f: {  	v8 =	vld [tilespmem:s0+$0xD030];
	[tilespmem:s0+$0x11FD0] =	vst v9;
	v1 =	vadd.f32 v3, v22;
	v10 =	vadd.f32 v4, v12  }
0x230: {  	v9 =	vld [tilespmem:s0+$0xD040];
	[tilespmem:s0+$0x11F90] =	vst v2;
	v2 =	vadd.f32 v24, v23;
	v12 =	vadd.f32 v62, v14  }
0x231: {  	s11 =	simm.s32 $0x0;
	s18 =	simm.s32 $0x400;
	v3 =	vadd.f32 v26, v25;
	v4 =	vadd.f32 v30, v29;
	[tilespmem:s0+$0x11FE0] =	vst v10;
	v10 =	vld [tilespmem:s0+$0xD050]  }
.LBB2_13:
0x232: {  	s12 =	sshra.s32 s18, $0x2;
	[tilespmem:s0+$0x11FF0] =	vst v12;
	v0 =	vadd.f32 v7, v0;
	v7 =	vld [tilespmem:s0+$0xD060]  }
0x233: {  	s11 =	sadd.s32 $0x4, s11;
	v12 =	vld [tilespmem:s12+$0x8070];
	[tilespmem:s0+$0x12000] =	vst v11;
	v1 =	vadd.f32 v6, v1  }
0x234: {  	p0 =	slt.u32 s11, $0x9C;
	v6 =	vld [tilespmem:s12+$0xA870];
	[tilespmem:s0+$0x12010] =	vst v0;
	v0 =	vadd.f32 v8, v2  }
0x235: {  	v2 =	vld [tilespmem:s12+$0x7F80];
	[tilespmem:s0+$0x12020] =	vst v1;
	v1 =	vadd.f32 v9, v3  }
0x236: {  	v3 =	vld [tilespmem:s12+$0xD070];
	[tilespmem:s0+$0x12030] =	vst v0;
	v0 =	vadd.f32 v10, v5  }
0x237: {  	v5 =	vld [tilespmem:s12+$0xA780];
	[tilespmem:s0+$0x12040] =	vst v1;
	v1 =	vadd.f32 v7, v4  }
0x238: {  	v4 =	vld [tilespmem:s12+$0x7F90];
	[tilespmem:s0+$0x12050] =	vst v0  }
0x239: {  	v0 =	vld [tilespmem:s12+$0xA790];
	v6 =	vadd.f32 v6, v12;
	[tilespmem:s0+$0x12060] =	vst v1;
	s0 =	smov.u32 s12  }
0x23a: {  	v1 =	vld [tilespmem:s0+$0x7FA0]  }
0x23b: {  	v7 =	vld [tilespmem:s0+$0xA7A0];
	v3 =	vadd.f32 v3, v6  }
0x23c: {  	v6 =	vadd.f32 v5, v2;
	v2 =	vld [tilespmem:s0+$0x7FB0]  }
0x23d: {  	v5 =	vld [tilespmem:s0+$0xA7B0];
	[tilespmem:s0+$0x12070] =	vst v3  }
0x23e: {  	v8 =	vadd.f32 v0, v4;
	v0 =	vld [tilespmem:s0+$0x7FC0]  }
0x23f: {  	v3 =	vld [tilespmem:s0+$0xA7C0]  }
0x240: {  	v7 =	vadd.f32 v7, v1;
	v1 =	vld [tilespmem:s0+$0x7FD0]  }
0x241: {  	v4 =	vld [tilespmem:s0+$0xA7D0]  }
0x242: {  	v9 =	vadd.f32 v5, v2;
	v2 =	vld [tilespmem:s0+$0x7FE0]  }
0x243: {  	v5 =	vld [tilespmem:s0+$0xA7E0]  }
0x244: {  	v10 =	vadd.f32 v3, v0;
	v0 =	vld [tilespmem:s0+$0x7FF0]  }
0x245: {  	v3 =	vld [tilespmem:s0+$0xA7F0]  }
0x246: {  	v11 =	vadd.f32 v4, v1;
	v1 =	vld [tilespmem:s0+$0x8000]  }
0x247: {  	v4 =	vld [tilespmem:s0+$0xA800]  }
0x248: {  	v12 =	vadd.f32 v5, v2;
	v2 =	vld [tilespmem:s0+$0x8010]  }
0x249: {  	v5 =	vld [tilespmem:s0+$0xA810]  }
0x24a: {  	v13 =	vadd.f32 v3, v0;
	v3 =	vld [tilespmem:s0+$0x8020]  }
0x24b: {  	v14 =	vld [tilespmem:s0+$0xA820]  }
0x24c: {  	v15 =	vadd.f32 v4, v1;
	v4 =	vld [tilespmem:s0+$0x8030]  }
0x24d: {  	v16 =	vld [tilespmem:s0+$0xA830]  }
0x24e: {  	v0 =	vadd.f32 v5, v2;
	v5 =	vld [tilespmem:s0+$0x8040]  }
0x24f: {  	v17 =	vld [tilespmem:s0+$0xA840]  }
0x250: {  	v1 =	vadd.f32 v14, v3;
	v14 =	vld [tilespmem:s0+$0x8050]  }
0x251: {  	v18 =	vld [tilespmem:s0+$0xA850]  }
0x252: {  	v2 =	vadd.f32 v16, v4;
	v4 =	vld [tilespmem:s0+$0x8060]  }
0x253: {  	v16 =	vld [tilespmem:s0+$0xA860]  }
0x254: {  	v19 =	vld [tilespmem:s0+$0xCF80];
	v3 =	vadd.f32 v17, v5  }
0x255: {  	v17 =	vld [tilespmem:s0+$0xCF90]  }
0x256: {  	v20 =	vld [tilespmem:s0+$0xCFA0];
	v5 =	vadd.f32 v18, v14  }
0x257: {  	v14 =	vld [tilespmem:s0+$0xCFB0]  }
0x258: {  	v18 =	vld [tilespmem:s0+$0xCFC0];
	v4 =	vadd.f32 v16, v4  }
0x259: {  	v6 =	vadd.f32 v19, v6;
	v16 =	vld [tilespmem:s0+$0xCFD0]  }
0x25a: {  	v8 =	vadd.f32 v17, v8;
	v17 =	vld [tilespmem:s0+$0xCFE0]  }
0x25b: {  	[tilespmem:s0+$0x11F80] =	vst v6;
	v6 =	vadd.f32 v20, v7;
	v19 =	vld [tilespmem:s0+$0xCFF0]  }
0x25c: {  	[tilespmem:s0+$0x11F90] =	vst v8;
	v8 =	vadd.f32 v14, v9;
	v14 =	vld [tilespmem:s0+$0xD000]  }
.Ltmp6:
0x25d: {  	[tilespmem:s0+$0x11FA0] =	vst v6;
	v9 =	vadd.f32 v18, v10;
	v7 =	vld [tilespmem:s0+$0xD010];
	(pc) =	sbr.rel @p0 .LBB2_13-.Ltmp6, $4  }
0x25e: {  	[tilespmem:s0+$0x11FB0] =	vst v8;
	v10 =	vadd.f32 v16, v11;
	v6 =	vld [tilespmem:s0+$0xD020]  }
0x25f: {  	[tilespmem:s0+$0x11FC0] =	vst v9;
	v11 =	vadd.f32 v17, v12;
	v8 =	vld [tilespmem:s0+$0xD030]  }
0x260: {  	[tilespmem:s0+$0x11FD0] =	vst v10;
	v12 =	vadd.f32 v19, v13;
	v9 =	vld [tilespmem:s0+$0xD040]  }
0x261: {  	s18 =	sadd.s32 $0x400, s18;
	[tilespmem:s0+$0x11FE0] =	vst v11;
	v11 =	vadd.f32 v14, v15;
	v10 =	vld [tilespmem:s0+$0xD050]  }
0x262: {  	[tilespmem:s0+$0x11FF0] =	vst v12;
	v0 =	vadd.f32 v7, v0;
	v59 =	vld [tilespmem:s0+$0xD060]  }
0x263: {  	[tilespmem:s0+$0x12000] =	vst v11;
	v1 =	vadd.f32 v6, v1  }
0x264: {  	s10 =	smul.u32 $0xA0, s10;
	s31 =	sadd.s32 $0x1, s31;
	[tilespmem:s0+$0x12010] =	vst v0;
	v60 =	vadd.f32 v8, v2  }
0x265: {  	p0 =	sne.s32 s31, $0x28;
	[tilespmem:s0+$0x12020] =	vst v1;
	v61 =	vadd.f32 v9, v3  }
.Ltmp7:
0x266: {  	s10 =	sadd.s32 s5, s10;
	[tilespmem:s0+$0x12030] =	vst v60;
	v62 =	vadd.f32 v10, v5;
	(pc) =	sbr.rel @p0 .LBB2_2-.Ltmp7, $4  }
0x267: {  	s10 =	sshll.u32 s10, $0x3;
	[tilespmem:s0+$0x12040] =	vst v61;
	v63 =	vadd.f32 v59, v4  }
0x268: {  	s10 =	sand.u32 $0x1FFFFF00, s10;
	[tilespmem:s0+$0x12050] =	vst v62  }
0x269: {  	s20 =	sadd.s32 s3, s10;
	[tilespmem:s0+$0x12060] =	vst v63  }
0x26a: {  	[hbm4b:s20+s4] =	stream.linear.scatter [tilespmem:s26], [sflag:$0x8], $0x2800, $0x38;
	[tilespmem:$0x14780] =	vst v63  }
0x26b: {  	_ =	swait.ge [sflag:s29], $0x2800  }
0x26c: {  	[sflag:s29] =	ssyncset.done $0x0  }
0x26d: {  	[sflag:s29] =	ssyncadd.s32 $0xFFFFD800  }
0x26e: {  	_ =	swait.ge [sflag:s30], $0x2800  }
0x26f: {  	s10 =	rddreg [dreg:$0x12]  }
0x270: {  	s0 =	rddreg [dreg:$0x11];
	s10 =	sadd.s32 $0x1, s10  }
0x271: {  	p0 =	sne.s32 s10, s0  }
.Ltmp8:
0x272: {  	_ = 	snop;
	(pc) =	sbr.rel @p0 .LBB2_1-.Ltmp8, $3  }
0x273: {  	_ =	sdelay $0x1  }
0x274: {  	[sflag:s30] =	ssyncset.done $0x0  }
0x275: {  	[sflag:s30] =	ssyncadd.s32 $0xFFFFD800  }
0x276: {  	_ =	sfence.sel $0x180000  }
0x277: {  	[bflag:$0x0] =	sbarrier.arrive $0xFFFF  }
0x278: {  	_ =	strace $0x90000047  }
0x279: {  	s0 =	stileid.u32;
	[bflag:$0x2] =	sbarrier.arrive $0xFFFF  }
0x27a: {  	p0 =	sne.s32 s0, $0x0;
	s0 =	rddreg [dreg:$0x3]  }
0x27b: {  	s0 =	sadd.s32 @!p0 $0x100000, s0  }
0x27c: {  	[sflag:s0] =	ssyncadd.tile.s32 @!p0 $0x1;
	_ =	shalt  }
.Lfunc_end2:
_tile_overlayer_lowered:
.L_overlay_start_2:
0x27d: {  	(tag) =	ssettag $0x2  }
0x27e: {  	s0 =	rddreg [dreg:$0x0];
	s2 =	stileid.u32  }
0x27f: {  	s1 =	rddreg [dreg:$0x1];
	p0 =	sne.s32 s2, $0x0  }
0x280: {  	s3 =	rddreg [dreg:$0x2];
	[bflag:$0x3] =	sbarrier.arrive $0xFFFF;
	s2 =	simm.s32 @!p0 $0x1C09  }
0x281: {  	[timem:s3], [sflag:s2] =	dma.local @!p0 [hbm:s0], s1  }
0x282: {  	s0 =	simm.s32 @!p0 $0x9  }
0x283: {  	_ =	swait.ge @!p0 [sflag:s0], s1  }
0x284: {  	s1 =	ssub.s32 @!p0 $0x0, s1;
	[sflag:s0] =	ssyncset.done @!p0 $0x0  }
0x285: {  	[sflag:s0] =	ssyncadd.s32 @!p0 s1  }
0x286: {  	[bflag:$0x3] =	sbarrier.arrive $0xFFFF  }
0x287: {  	_ =	shalt  }

// kernel: sparse-core-data-format-call.cloned.1.call-start
scs
called_computation_lowered:
.L_overlay_start_0:
0x0: {  	s2 =	sld [smem:$0x3FD9]  }
0x1: {  	s3 =	sld [smem:$0x3FFE];
	_ =	sdelay $0x1  }
0x2: {  	s1 =	srdreg.scid  }
0x3: {  	s0 =	sand.u32 $0x1, s1  }
0x4: {  	s18 =	sshll.u32 s0, $0xA;
	s2 =	sadd.s32 s3, s2  }
0x5: {  	s2 =	sadd.s32 s2, s18  }
0x6: {  	[smem:$0x3FC4] =	sst s2  }
0x7: {  	_ = 	snop  }
0x8: {  	s2 =	sld [smem:$0x3FD0];
	(tm) =	ssettm $0x1  }
0x9: {  	s19 =	sld [smem:$0x3FFB];
	_ =	sdelay $0x3  }
0xa: {  	_ =	strace s19  }
0xb: {  	s3 =	sld [smem:$0x3FFC];
	_ =	sdelay $0x3  }
0xc: {  	_ =	strace s3  }
0xd: {  	s3 =	sld [smem:$0x3FFD];
	_ =	sdelay $0x3  }
0xe: {  	_ =	strace s3  }
0xf: {  	_ =	strace $0x8FFFFFFF  }
0x10: {  	s20 =	sld [smem:$0x3FDB];
	_ =	sdelay $0x1  }
0x11: {  	s4 =	simm.s32 $_scs_section_size  }
0x12: {  	s5 =	simm.s32 $_size__tile_overlayer_lowered;
	s6 =	simm.s32 $_tile_overlayer_lowered  }
0x13: {  	s23 =	simm.s32 $0x1BFF;
	s22 =	sshll.u32 s6, $0x1;
	s3 =	sadd.s32 s4, s20  }
0x14: {  	s7 =	simm.s32 $0x0;
	s21 =	sshll.u32 s5, $0x1;
	s5 =	sadd.s32 s22, s3  }
0x15: {  	[timem:s7], [sflag:s23] =	dma.local [hbm:s5], s21  }
0x16: {  	_ =	swait.ge [sflag:s23], s21  }
0x17: {  	s4 =	ssub.s32 $0x0, s21;
	[sflag:s23] =	ssyncset.done $0x0  }
0x18: {  	[sflag:s23] =	ssyncadd.s32 s4;
	_ =	sdelay $0x1  }
0x19: {  	s24 =	simm.s32 $0x1B8B  }
0x1a: {  	_ =	swait.ge [sflag:s24], $0x1  }
0x1b: {  	[sflag:s24] =	ssyncset.done $0x0  }
0x1c: {  	s26 =	simm.s32 $0x1B8E;
	s25 =	sld [smem:$0x3FFE];
	[sflag:s24] =	ssyncadd.s32 $0xFFFFFFFF  }
0x1d: {  	s27 =	simm.s32 $execute0_lowered;
	[smem:$0x3FD2] =	sst s26  }
0x1e: {  	s5 =	sshll.u32 s27, $0x1;
	_ =	strace $0x80000049;
	[dreg:$0x1] =	wrdreg $0xFFFFFFFF  }
0x1f: {  	s28 =	simm.s32 $_size_execute0_lowered;
	s3 =	sadd.s32 s3, s5;
	[dreg:$0x0] =	wrdreg $0x0  }
0x20: {  	s5 =	sshll.u32 s28, $0x1;
	[dreg:$0x2] =	wrdreg s3  }
0x21: {  	[dreg:$0x3] =	wrdreg s5  }
0x22: {  	[dreg:$0x4] =	wrdreg $0xC0  }
0x23: {  	_ =	task [dreg:s7], $0x5FFFF  }
0x24: {  	[dreg:$0x1] =	wrdreg $0xFFFFFFFF  }
0x25: {  	[dreg:$0x0] =	wrdreg $0x60  }
0x26: {  	[dreg:$0x2] =	wrdreg s25  }
0x27: {  	[dreg:$0x3] =	wrdreg s2  }
0x28: {  	[dreg:$0x4] =	wrdreg $0x9  }
0x29: {  	_ =	task.clear_ibuf [dreg:s7], $0x5FFFF;
	_ =	strace $0x90000049  }
0x2a: {  	s29 =	simm.s32 $0x9;
	_ =	strace $0x8000004B  }
0x2b: {  	_ =	swait.ge [sflag:s29], $0x1  }
0x2c: {  	[sflag:s29] =	ssyncadd.s32 $0xFFFFFFFF  }
0x2d: {  	_ =	strace $0x9000004B  }
0x2e: {  	_ =	sfence  }
0x2f: {  	s30 =	sld [smem:$0x0];
	_ =	sdelay $0x2  }
0x30: {  	s31 =	sshll.u32 s1, $0xD;
	s1 =	sshrl.u32 s1, $0x2  }
0x31: {  	s3 =	sand.u32 $0x4000, s31;
	s1 =	sadd.s32 s1, s30  }
0x32: {  	s0 =	sor.u32 s3, s0;
	s1 =	sshll.u32 s1, $0x11  }
0x33: {  	s0 =	sor.u32 s1, s0  }
0x34: {  	s0 =	sadd.s32 $0x8F2B, s0  }
0x35: {  	[sflag:s0] =	ssyncadd.remote.s32 $0x1  }
0x36: {  	_ =	sfence.sel $0xFFFF  }
0x37: {  	[dreg:$0x0] =	wrdreg $0xFFFFFFFF;
	(pc) =	sbr.abs _section_cstart, $3  }
0x38: {  	[dreg:$0x1] =	wrdreg $0xFFFFFFFF  }
0x39: {  	_ =	task.clear_ibuf [dreg:s7], $0x2FFFF;
	_ =	strace $0x9FFFFFFF  }
0x3a: {  	(tm) =	ssettm $0x7FFFFFFF  }
0x3b: {  	_ =	shalt  }
tec
execute0_lowered:
.L_overlay_start_1:
0x0: {  	(tag) =	ssettag $0x1  }
0x1: {  	s0 =	srdreg.scid  }
0x2: {  	s1 =	sshll.u32 s0, $0x4  }
0x3: {  	s4 =	rddreg [dreg:$0x0];
	s0 =	stileid.u32;
	s1 =	sand.u32 $0x10, s1  }
0x4: {  	s2 =	rddreg [dreg:$0x1];
	s7 =	simm.s32 $0x1;
	s1 =	sor.u32 s0, s1  }
0x5: {  	s8 =	simm.s32 $0x2;
	s11 =	simm.s32 $0x0;
	s3 =	sshll.u32 s1, $0x7  }
0x6: {  	s10 =	simm.s32 $0x0;
	s4 =	sadd.s32 $0x2400, s4;
	s6 =	ssub.s32 $0xC8000, s3  }
.Ltmp0:
0x7: {  	s1 =	rddreg [dreg:$0x2];
	s5 =	sand.u32 $0xF80, s6;
	(pc) =	sbr.rel .LBB1_1-.Ltmp0, $4  }
0x8: {  	_ =	strace $0x8000004A;
	s9 =	smov.u32 s3;
	p0 =	sne.s32 s5, $0x0  }
0x9: {  	s6 =	sshrl.u32 s6, $0xC;
	s5 =	simm.s32 $0x1;
	s7 =	simm.s32 @!p0 $0x0  }
0xa: {  	[sflag:s5] =	ssyncpa.u1 $0x0;
	p0 =	por $0x0, $0x0;
	s6 =	sadd.s32 s7, s6  }
0xb: {  	[sflag:s8] =	ssyncpa.u1 $0x0;
	s8 =	simm.s32 $0x640000;
	s7 =	sadd.s32 $0x1, s6  }
.LBB1_4:
0xc: {  	s14 =	sshll.u32 s11, $0x3  }
0xd: {  	s30 =	sand.u32 $0x7F, s11;
	s15 =	sand.u32 $0xFFFFFC00, s14  }
0xe: {  	s11 =	sor.u32 s30, s15  }
0xf: {  	s15 =	smulhi.u32 $0x51EB851F, s11  }
0x10: {  	s14 =	smulhi.u32 $0x51EB851F, s14  }
0x11: {  	s15 =	sshrl.u32 s15, $0x12  }
0x12: {  	s14 =	sshrl.u32 s14, $0x12;
	s15 =	smul.u32 $0xC8000, s15  }
0x13: {  	s14 =	sand.u32 $0x3F, s14  }
0x14: {  	s14 =	smul.u32 $0x19000, s14;
	s11 =	ssub.s32 s11, s15  }
0x15: {  	[tilespmem:s13+$0x810 ss:$0x81] =	vst.msk $0xffff, v2;
	s15 =	sand.u32 $0x7, s11  }
0x16: {  	[tilespmem:s13+$0x1020 ss:$0x81] =	vst.msk $0xffff, v0;
	s14 =	sadd.s32 s2, s14;
	s11 =	sshrl.u32 s11, $0x3;
	s15 =	sshll.u32 s15, $0x12  }
0x17: {  	[tilespmem:s13+$0x0 ss:$0x81] =	vst.msk $0xffff, v1;
	s11 =	sadd.s32 s11, s14;
	s31 =	sor.u32 $0x400, s15  }
0x18: {  	[hbm4b:s11+s31] =	stream.strided.scatter [tilespmem:s12], [sflag:$0x2], $0x2000, s8, s31, $0x20;
	[tilespmem:$0x8080] =	vst v63  }
.LBB1_5:
0x19: {  	s13 =	sadd.s32 $0x1000, s9  }
0x1a: {  	p2 =	sgt.s32 s13, $0xC7FFF  }
0x1b: {  	s13 =	smov.u32 @p2 s3;
	p2 =	sne.s32 s10, s7  }
.Ltmp1:
0x1c: {  	p1 =	slt.u32 s10, $0x2;
	(pc) =	sbr.rel @!p2 .LBB1_6-.Ltmp1, $4  }
0x1d: {  	s12 =	simm.s32 @!p1 $0x2  }
0x1e: {  	s14 =	sadd.s32 $0x1, s10;
	_ =	swait.ge @!p1 [sflag:s12], $0x2000  }
0x1f: {  	s11 =	smov.u32 s9;
	p0 =	por !p0, !p0;
	[sflag:s12] =	ssyncset.done @!p1 $0x0  }
0x20: {  	s10 =	smov.u32 s14;
	s9 =	smov.u32 s13;
	[sflag:s12] =	ssyncadd.s32 @!p1 $0xFFFFE000  }
.LBB1_1:
0x21: {  	p1 =	sge.u32 s10, s6  }
0x22: {  	s12 =	sand.u32 @!p1 $0x1FFFFFF, s9  }
0x23: {  	s13 =	smulhi.u32 @!p1 $0x147AE15, s12;
	_ =	sdelay $0x1  }
0x24: {  	s13 =	sshrl.u32 @!p1 s13, $0xC  }
0x25: {  	s13 =	smul.u32 @!p1 $0xC8000, s13;
	_ =	sdelay $0x1  }
0x26: {  	s31 =	sadd.s32 $0xFFFFFFFF, s10;
	s14 =	sxor.u32 @!p1 $0xFFFFFFFF, s10;
	s12 =	ssub.s32 @!p1 s12, s13  }
0x27: {  	s15 =	simm.s32 @!p1 $0x80;
	s14 =	sshll.u32 @!p1 s14, $0xD;
	s12 =	sshll.u32 @!p1 s12, $0x4  }
0x28: {  	s13 =	sand.u32 @!p1 $0x2000, s14;
	s14 =	simm.s32 @!p1 $0x40;
	s12 =	sadd.s32 @!p1 s4, s12  }
0x29: {  	[tilespmem:s13], [sflag:$0x1] =	stream.strided.gather @!p1 [hbm4b:s12+s14], $0x2000, s15, s14, $0x38;
	[tilespmem:$0x8080] =	vst v63  }
0x2a: {  	p1 =	sge.u32 s31, s6  }
.Ltmp2:
0x2b: {  	_ = 	snop;
	(pc) =	sbr.rel @p1 .LBB1_5-.Ltmp2, $1  }
0x2c: {  	_ =	sdelay $0x3  }
0x2d: {  	s12 =	simm.s32 $0x1  }
0x2e: {  	_ =	swait.ge [sflag:s5], $0x2000;
	s12 =	simm.s32 @!p0 $0x0  }
0x2f: {  	[sflag:s5] =	ssyncset.done $0x0;
	s13 =	sshll.u32 s12, $0xD  }
0x30: {  	[sflag:s5] =	ssyncadd.s32 $0xFFFFE000;
	s16 =	sor.u32 $0x20, s13  }
0x31: {  	s12 =	smul.u32 $0x8100, s12;
	v3 =	vld [tilespmem:s16+$0x10]  }
0x32: {  	s30 =	sand.u32 $0x1, s10;
	v2 =	vld [tilespmem:s16+$0xFFFFFFF0]  }
0x33: {  	s13 =	smul.u32 $0x8100, s30;
	s12 =	sshrl.u32 s12, $0x2;
	v0 =	vld [tilespmem:s16+$0x0]  }
0x34: {  	v1 =	vld [tilespmem:s16+$0xFFFFFFE0];
	s14 =	sor.u32 $0x4000, s12  }
0x35: {  	s31 =	sshrl.u32 s13, $0x2;
	s13 =	sadd.s32 $0x0, s14  }
0x36: {  	s15 =	simm.s32 $0x4;
	s16 =	sadd.s32 $0x40, s16;
	s12 =	sor.u32 $0x4000, s31;
	[tilespmem:s13+$0x1830 ss:$0x81] =	vst.msk $0xffff, v3  }
.LBB1_3:
0x37: {  	v3 =	vld [tilespmem:s16+$0x10];
	p1 =	sne.s32 s15, $0x1FC;
	[tilespmem:s13+$0x810 ss:$0x81] =	vst.msk $0xffff, v2;
	s17 =	smov.u32 s15;
	s15 =	sadd.s32 $0x4, s15  }
.Ltmp3:
0x38: {  	v2 =	vld [tilespmem:s16+$0xFFFFFFF0];
	[tilespmem:s13+$0x1020 ss:$0x81] =	vst.msk $0xffff, v0;
	(pc) =	sbr.rel @p1 .LBB1_3-.Ltmp3, $4  }
0x39: {  	v0 =	vld [tilespmem:s16+$0x0];
	[tilespmem:s13+$0x0 ss:$0x81] =	vst.msk $0xffff, v1  }
0x3a: {  	s13 =	sshra.s32 s17, $0x2;
	v1 =	vld [tilespmem:s16+$0xFFFFFFE0]  }
0x3b: {  	s13 =	sadd.s32 s13, s14  }
0x3c: {  	s16 =	sadd.s32 $0x40, s16;
	[tilespmem:s13+$0x1830 ss:$0x81] =	vst.msk $0xffff, v3  }
.Ltmp4:
0x3d: {  	_ = 	snop;
	(pc) =	sbr.rel .LBB1_4-.Ltmp4, $1  }
0x3e: {  	_ =	sdelay $0x3  }
.LBB1_6:
0x3f: {  	_ =	sfence.sel $0x180000  }
0x40: {  	s2 =	simm.s32 $0x1;
	[bflag:$0x0] =	sbarrier.arrive $0xFFFF  }
0x41: {  	s31 =	simm.s32 $0x2;
	[sflag:s2] =	ssyncpa.u1 $0x1  }
0x42: {  	[sflag:s31] =	ssyncpa.u1 $0x1  }
0x43: {  	p0 =	sne.s32 s0, $0x0;
	_ =	strace $0x9000004A  }
0x44: {  	s0 =	sadd.s32 @!p0 $0x100000, s1;
	[bflag:$0x2] =	sbarrier.arrive $0xFFFF  }
0x45: {  	[sflag:s0] =	ssyncadd.tile.s32 @!p0 $0x1;
	_ =	shalt  }
.Lfunc_end1:
_tile_overlayer_lowered:
.L_overlay_start_2:
0x46: {  	(tag) =	ssettag $0x2  }
0x47: {  	s0 =	rddreg [dreg:$0x0];
	s2 =	stileid.u32  }
0x48: {  	s1 =	rddreg [dreg:$0x1];
	p0 =	sne.s32 s2, $0x0  }
0x49: {  	s3 =	rddreg [dreg:$0x2];
	[bflag:$0x3] =	sbarrier.arrive $0xFFFF;
	s2 =	simm.s32 @!p0 $0x1C01  }
0x4a: {  	[timem:s3], [sflag:s2] =	dma.local @!p0 [hbm:s0], s1  }
0x4b: {  	s0 =	simm.s32 @!p0 $0x1  }
0x4c: {  	_ =	swait.ge @!p0 [sflag:s0], s1  }
0x4d: {  	s1 =	ssub.s32 @!p0 $0x0, s1;
	[sflag:s0] =	ssyncset.done @!p0 $0x0  }
0x4e: {  	[sflag:s0] =	ssyncadd.s32 @!p0 s1  }
0x4f: {  	[bflag:$0x3] =	sbarrier.arrive $0xFFFF  }
0x50: {  	_ =	shalt  }

</sc_bundles>
